<compile_context>
chip_gen: v7x
topology: tpu7x:2x2x1
jax: 0.10.2.dev20260603
libtpu: 0.0.44.dev20260713+nightly
codegen_flags: <defaults>
</compile_context>

<pallas_src>
import jax
import jax.numpy as jnp
from jax import lax
from jax.experimental import pallas as pl
from jax.experimental.pallas import tpu as pltpu
from jax.experimental.pallas import tpu_sc as plsc

_B, _T, _S = 16, 2048, 8
_L = 16
_TC = 128
_NC = _T // _TC
_NORM = 8



def _gather16(v, idx):
    dnums = lax.GatherDimensionNumbers(
        offset_dims=(), collapsed_slice_dims=(0,), start_index_map=(0,))
    return lax.gather(v, idx[:, None], dnums, slice_sizes=(1,),
                      mode=lax.GatherScatterMode.PROMISE_IN_BOUNDS)


def _sc_recur(logB_hbm, pf_hbm, pb_hbm, alpha_hbm, beta_hbm, y_hbm,
              locB, res, resy, ptab):
    b = lax.axis_index("s")
    dire = lax.axis_index("c")
    locB[pl.ds(_T * _S, _L)] = jnp.zeros((_L,), jnp.float32)
    pltpu.sync_copy(logB_hbm.at[b], locB.at[pl.ds(0, _T * _S)])

    lanes = lax.iota(jnp.int32, _L)
    mask8 = lanes < _S
    pair_idx = [jnp.where(mask8, p, p + 4) for p in range(_S // 2)]
    hi_idx = jnp.where(mask8, lanes + _S, lanes)
    zeros_i = jnp.zeros((_L,), jnp.int32)

    def matvec(v, tab):
        acc = _gather16(v, pair_idx[0]) * tab[0]
        for p in range(1, _S // 2):
            acc = acc + _gather16(v, pair_idx[p]) * tab[p]
        return acc + _gather16(acc, hi_idx)

    @pl.when(dire == 0)
    def _fwd():
        pltpu.sync_copy(pf_hbm, ptab)
        tab = tuple(ptab[p] for p in range(_S // 2))
        a = jnp.exp(locB[pl.ds(0, _L)])
        res[pl.ds(0, _L)] = a

        def step(t, a):
            vB = jnp.exp(locB[pl.ds(8 * t, _L)])
            a2 = matvec(a, tab) * vB
            res[pl.ds(16 * t, _L)] = a2
            return a2

        def blk(i, a):
            tt = _NORM * i + 1
            for u in range(_NORM):
                a = step(tt + u, a)
            return a / _gather16(a, zeros_i)

        a = lax.fori_loop(0, (_T - 1) // _NORM, blk, a)
        for t in range(_T - 1 - (_T - 1) % _NORM + 1, _T):
            a = step(t, a)
        pltpu.sync_copy(res, alpha_hbm.at[b])

    @pl.when(dire == 1)
    def _bwd():
        pltpu.sync_copy(pb_hbm, ptab)
        tab = tuple(ptab[p] for p in range(_S // 2))
        bv = jnp.where(mask8, 1.0, 0.0)
        res[pl.ds(16 * (_T - 1), _L)] = bv

        def step(t, bv):
            vB = jnp.exp(locB[pl.ds(8 * (t + 1), _L)])
            y = bv * vB
            resy[pl.ds(16 * t, _L)] = y
            b2 = matvec(y, tab)
            res[pl.ds(16 * t, _L)] = b2
            return b2

        def blk(i, bv):
            tt = _T - 2 - _NORM * i
            for u in range(_NORM):
                bv = step(tt - u, bv)
            return bv / _gather16(bv, zeros_i)

        bv = lax.fori_loop(0, (_T - 1) // _NORM, blk, bv)
        for t in range((_T - 1) % _NORM - 1, -1, -1):
            bv = step(t, bv)
        pltpu.sync_copy(res, beta_hbm.at[b])
        pltpu.sync_copy(resy, y_hbm.at[b])


def _run_sc_recur(log_B, trans_prob):
    P = jax.lax.stop_gradient(trans_prob).astype(jnp.float32)
    pf = jnp.concatenate([P[: _S // 2], P[_S // 2:]], axis=1)
    pb = jnp.concatenate([P.T[: _S // 2], P.T[_S // 2:]], axis=1)
    logB_flat = log_B.reshape(_B, _T * _S)

    mesh = plsc.VectorSubcoreMesh(core_axis_name="c", subcore_axis_name="s")
    alpha, beta, ylin = pl.kernel(
        _sc_recur,
        out_type=[jax.ShapeDtypeStruct((_B, _T * _L), jnp.float32)] * 3,
        mesh=mesh,
        scratch_types=[
            pltpu.VMEM((_T * _S + _L,), jnp.float32),
            pltpu.VMEM((_T * _L,), jnp.float32),
            pltpu.VMEM((_T * _L,), jnp.float32),
            pltpu.VMEM((_S // 2, _L), jnp.float32),
        ],
    )(logB_flat, pf, pb)
    return alpha, beta, ylin



def _deint(x2):
    return jnp.swapaxes(x2.reshape(_B, _TC, _L), 1, 2)[:, :_S, :]


def _finalize_kernel(alpha_ref, beta_ref, ylin_ref, lp_ref, gamma_ref, xi_ref):
    la = jnp.log(_deint(alpha_ref[...]))
    lb = jnp.log(_deint(beta_ref[...]))

    g = la + lb
    g = g - jnp.max(g, axis=1, keepdims=True)
    g = g - jnp.log(jnp.sum(jnp.exp(g), axis=1, keepdims=True))
    gamma_ref[...] = jnp.swapaxes(g, 1, 2)

    ly = jnp.log(_deint(ylin_ref[...]))
    z = (la[:, :, None, :] + ly[:, None, :, :]
         + lp_ref[...][None, :, :, None]).reshape(_B, _S * _S, _TC)
    z = z - jnp.max(z, axis=1, keepdims=True)
    z = z - jnp.log(jnp.sum(jnp.exp(z), axis=1, keepdims=True))
    xi_ref[...] = jnp.swapaxes(z, 1, 2)


def _run_finalize(alpha, beta, ylin, log_P):
    cs = pl.BlockSpec((_B, _TC * _L), lambda c: (0, c))
    gamma, xi64 = pl.pallas_call(
        _finalize_kernel,
        grid=(_NC,),
        in_specs=[cs, cs, cs, pl.BlockSpec((_S, _S), lambda c: (0, 0))],
        out_specs=[pl.BlockSpec((_B, _TC, _S), lambda c: (0, c, 0)),
                   pl.BlockSpec((_B, _TC, _S * _S), lambda c: (0, c, 0))],
        out_shape=[
            jax.ShapeDtypeStruct((_B, _T, _S), jnp.float32),
            jax.ShapeDtypeStruct((_B, _T - 1, _S * _S), jnp.float32),
        ],
    )(alpha, beta, ylin, log_P)
    return gamma, xi64.reshape(_B, _T - 1, _S, _S)


def kernel(log_B, trans_prob):
    log_B = log_B.astype(jnp.float32)
    log_P = jnp.log(jax.lax.stop_gradient(trans_prob)).astype(jnp.float32)
    alpha, beta, ylin = _run_sc_recur(log_B, trans_prob)
    return _run_finalize(alpha, beta, ylin, log_P)

# --- scband reference (transcript-rebuilt; emitter-appended) ---
"""Pipeline reference for scband-hidden-markov-state-inference-layer-26362509263161 (READ-ONLY COPY).

The authoritative reference and input builder live on the scoring server;
editing this copy changes nothing except your own understanding.
"""

import jax, jax.numpy as jnp
import numpy as np
from jax.scipy.special import logsumexp

N_STATES = 8

def setup_inputs(seed: int = 0) -> dict:
    key = jax.random.key(seed)
    log_B = jax.random.normal(key, (16, 2048, N_STATES), dtype=jnp.float32)
    P0 = np.ones((N_STATES, N_STATES), dtype=np.float32) * 0.1 / (N_STATES - 1)
    np.fill_diagonal(P0, 0.9)
    return {"log_B": log_B, "trans_prob": jnp.asarray(P0)}

def reference(log_B, trans_prob):
    n_states = trans_prob.shape[0]
    batch, T, S = log_B.shape
    P = jax.lax.stop_gradient(trans_prob)
    log_P = jnp.log(P)
    log_Pi_0 = jnp.log(jnp.ones((n_states,), log_B.dtype) / n_states)

    # forward recursion with per-step rescaling (tensor_scatter_nd_update -> scan)
    a0 = log_Pi_0[None, :] + log_B[:, 0]
    s0 = logsumexp(a0, axis=-1)
    a0 = a0 - s0[:, None]

    def fwd_step(a_prev, logB_t):
        vals = logsumexp(a_prev[:, None, :] + log_P.T[None, :, :], axis=-1) + logB_t
        s = logsumexp(vals, axis=-1)
        a = vals - s[:, None]
        return a, (a, s)

    logB_rest = jnp.moveaxis(log_B[:, 1:], 1, 0)
    _, (alphas, scales) = jax.lax.scan(fwd_step, a0, logB_rest)
    log_alpha = jnp.concatenate([a0[:, None, :], jnp.moveaxis(alphas, 0, 1)], axis=1)
    log_scale = jnp.concatenate([s0[:, None], jnp.moveaxis(scales, 0, 1)], axis=1)

    # backward recursion, rescaled with the forward scales
    bT = jnp.broadcast_to(-log_scale[:, -1][:, None], (batch, S))

    def bwd_step(b_next, inp):
        logB_next, scale_t = inp
        vals = logsumexp((b_next + logB_next)[:, None, :] + log_P[None, :, :], axis=-1)
        b = vals - scale_t[:, None]
        return b, b

    xs = (jnp.moveaxis(log_B[:, 1:], 1, 0)[::-1], jnp.moveaxis(log_scale[:, :-1], 1, 0)[::-1])
    _, betas = jax.lax.scan(bwd_step, bT, xs)
    log_beta = jnp.concatenate([jnp.moveaxis(betas, 0, 1)[:, ::-1], bT[:, None, :]], axis=1)

    log_gamma = log_alpha + log_beta
    log_gamma = log_gamma - logsumexp(log_gamma, axis=-1, keepdims=True)
    log_b = log_beta[:, 1:] + log_B[:, 1:]
    log_xi = log_P[None, None, :, :] + log_alpha[:, :-1, :, None] + log_b[:, :, None, :]
    log_xi = log_xi - logsumexp(log_xi, axis=(2, 3), keepdims=True)
    return (log_gamma, log_xi)

if __name__ == "__main__":
    import jax
    _d = setup_inputs()
    print(jax.jit(kernel)(*tuple(_d.values())))

</pallas_src>

<mosaic_0001>
#map = affine_map<(d0, d1) -> (0, 0)>
module attributes {stable_mosaic.version = 14 : i64} {
  func.func @_sc_recur(%arg0: i32, %arg1: i32, %arg2: memref<16x16384xf32, #tpu.memory_space<hbm>>, %arg3: memref<4x16xf32, #tpu.memory_space<hbm>>, %arg4: memref<4x16xf32, #tpu.memory_space<hbm>>, %arg5: memref<16x32768xf32, #tpu.memory_space<hbm>>, %arg6: memref<16x32768xf32, #tpu.memory_space<hbm>>, %arg7: memref<16x32768xf32, #tpu.memory_space<hbm>>, %arg8: memref<16400xf32, #tpu.memory_space<vmem>>, %arg9: memref<32768xf32, #tpu.memory_space<vmem>>, %arg10: memref<32768xf32, #tpu.memory_space<vmem>>, %arg11: memref<4x16xf32, #tpu.memory_space<vmem>>) attributes {dimension_semantics = [#tpu.dimension_semantics<core_parallel>, #tpu.dimension_semantics<subcore_parallel>], iteration_bounds = array<i64: 2, 16>, scalar_prefetch = 0 : i64, scratch_operands = 4 : i64, tpu.core_type = #tpu.core_type<sc_vector_subcore>, window_params = [{transform_indices = #map}, {transform_indices = #map}, {transform_indices = #map}, {transform_indices = #map}, {transform_indices = #map}, {transform_indices = #map}]} {
    %broadcast_in_dim3A = arith.constant 0.000000e+00 : f32
    %broadcast_in_dim3A_0 = vector.broadcast %broadcast_in_dim3A : f32 to vector<16xf32>
    %swap3A = arith.constant 16384 : index
    %swap3A_1 = tpu.vector_load %arg8[%swap3A] {strides = array<i32>} : memref<16400xf32, #tpu.memory_space<vmem>>, vector<16xf32>,
    %swap3A_2 = vector.shape_cast %swap3A_1 : vector<16xf32> to vector<16xf32>
    %swap3A_3 = vector.shape_cast %broadcast_in_dim3A_0 : vector<16xf32> to vector<16xf32>
    tpu.vector_store %arg8[%swap3A], %swap3A_3 {strides = array<i32>} : memref<16400xf32, #tpu.memory_space<vmem>>, vector<16xf32>,
    "tpu.region"() ({
      %run_scoped3A = tpu.sem_alloc : memref<!tpu.dma_semaphore, #tpu.memory_space<semaphore_mem>>
      %dma_start3A = arith.constant 0 : i32
      %dma_start3A_36 = tpu.memref_slice %arg8[%dma_start3A] : memref<16400xf32, #tpu.memory_space<vmem>> -> memref<16384xf32, #tpu.memory_space<vmem>>
      %dma_start3A_37 = arith.constant 0 : i32
      %dma_start3A_38 = tpu.memref_slice %arg2[%arg1, %dma_start3A_37] : memref<16x16384xf32, #tpu.memory_space<hbm>> -> memref<1x16384xf32, #tpu.memory_space<hbm>>
      %dma_start3A_39 = tpu.memref_squeeze %dma_start3A_38 : memref<1x16384xf32, #tpu.memory_space<hbm>> -> memref<16384xf32, #tpu.memory_space<hbm>>
      %dma_start3A_40 = arith.constant 0 : i32
      %dma_start3A_41 = tpu.memref_slice %arg8[%dma_start3A_40] : memref<16400xf32, #tpu.memory_space<vmem>> -> memref<16384xf32, #tpu.memory_space<vmem>>
      %dma_start3A_42 = arith.constant 0 : i32
      %dma_start3A_43 = tpu.memref_slice %arg2[%arg1, %dma_start3A_42] : memref<16x16384xf32, #tpu.memory_space<hbm>> -> memref<1x16384xf32, #tpu.memory_space<hbm>>
      %dma_start3A_44 = tpu.memref_squeeze %dma_start3A_43 : memref<1x16384xf32, #tpu.memory_space<hbm>> -> memref<16384xf32, #tpu.memory_space<hbm>>
      tpu.enqueue_dma source(%dma_start3A_44 : memref<16384xf32, #tpu.memory_space<hbm>>) target(%dma_start3A_41 : memref<16384xf32, #tpu.memory_space<vmem>>) target_semaphore(%run_scoped3A : memref<!tpu.dma_semaphore, #tpu.memory_space<semaphore_mem>>)
      %dma_wait3A = arith.constant 0 : i32
      %dma_wait3A_45 = tpu.memref_slice %arg8[%dma_wait3A] : memref<16400xf32, #tpu.memory_space<vmem>> -> memref<16384xf32, #tpu.memory_space<vmem>>
      %dma_wait3A_46 = arith.constant 0 : i32
      %dma_wait3A_47 = tpu.memref_slice %arg2[%arg1, %dma_wait3A_46] : memref<16x16384xf32, #tpu.memory_space<hbm>> -> memref<1x16384xf32, #tpu.memory_space<hbm>>
      %dma_wait3A_48 = tpu.memref_squeeze %dma_wait3A_47 : memref<1x16384xf32, #tpu.memory_space<hbm>> -> memref<16384xf32, #tpu.memory_space<hbm>>
      %dma_wait3A_49 = arith.constant 0 : i32
      %dma_wait3A_50 = tpu.memref_slice %arg8[%dma_wait3A_49] : memref<16400xf32, #tpu.memory_space<vmem>> -> memref<16384xf32, #tpu.memory_space<vmem>>
      %dma_wait3A_51 = arith.constant 0 : i32
      %dma_wait3A_52 = tpu.memref_slice %arg2[%arg1, %dma_wait3A_51] : memref<16x16384xf32, #tpu.memory_space<hbm>> -> memref<1x16384xf32, #tpu.memory_space<hbm>>
      %dma_wait3A_53 = tpu.memref_squeeze %dma_wait3A_52 : memref<1x16384xf32, #tpu.memory_space<hbm>> -> memref<16384xf32, #tpu.memory_space<hbm>>
      tpu.wait_dma2 semaphore(%run_scoped3A : memref<!tpu.dma_semaphore, #tpu.memory_space<semaphore_mem>>) src(%dma_wait3A_53 : memref<16384xf32, #tpu.memory_space<hbm>>) dst(%dma_wait3A_50 : memref<16384xf32, #tpu.memory_space<vmem>>)
      tpu.yield
    }) : () -> ()
    %iota3A = tpu.iota {dimensions = array<i32: 0>} : vector<16xi32>
    %lt3A = arith.constant 8 : i32
    %lt3A_4 = vector.broadcast %lt3A : i32 to vector<16xi32>
    %lt3A_5 = arith.cmpi slt, %iota3A, %lt3A_4 : vector<16xi32>
    %jit3A = arith.constant 0 : i32
    %jit3A_6 = arith.constant 4 : i32
    %broadcast_in_dim3A_7 = vector.broadcast %jit3A : i32 to vector<16xi32>
    %broadcast_in_dim3A_8 = vector.broadcast %jit3A_6 : i32 to vector<16xi32>
    %select_n3A = arith.select %lt3A_5, %broadcast_in_dim3A_7, %broadcast_in_dim3A_8 : vector<16xi1>, vector<16xi32>
    %jit3A_9 = arith.constant 1 : i32
    %jit3A_10 = arith.constant 5 : i32
    %broadcast_in_dim3A_11 = vector.broadcast %jit3A_9 : i32 to vector<16xi32>
    %broadcast_in_dim3A_12 = vector.broadcast %jit3A_10 : i32 to vector<16xi32>
    %select_n3A_13 = arith.select %lt3A_5, %broadcast_in_dim3A_11, %broadcast_in_dim3A_12 : vector<16xi1>, vector<16xi32>
    %jit3A_14 = arith.constant 2 : i32
    %jit3A_15 = arith.constant 6 : i32
    %broadcast_in_dim3A_16 = vector.broadcast %jit3A_14 : i32 to vector<16xi32>
    %broadcast_in_dim3A_17 = vector.broadcast %jit3A_15 : i32 to vector<16xi32>
    %select_n3A_18 = arith.select %lt3A_5, %broadcast_in_dim3A_16, %broadcast_in_dim3A_17 : vector<16xi1>, vector<16xi32>
    %jit3A_19 = arith.constant 3 : i32
    %jit3A_20 = arith.constant 7 : i32
    %broadcast_in_dim3A_21 = vector.broadcast %jit3A_19 : i32 to vector<16xi32>
    %broadcast_in_dim3A_22 = vector.broadcast %jit3A_20 : i32 to vector<16xi32>
    %select_n3A_23 = arith.select %lt3A_5, %broadcast_in_dim3A_21, %broadcast_in_dim3A_22 : vector<16xi1>, vector<16xi32>
    %add3A = arith.constant 8 : i32
    %add3A_24 = vector.broadcast %add3A : i32 to vector<16xi32>
    %add3A_25 = arith.addi %iota3A, %add3A_24 : vector<16xi32>
    %select_n3A_26 = arith.select %lt3A_5, %add3A_25, %iota3A : vector<16xi1>, vector<16xi32>
    %broadcast_in_dim3A_27 = arith.constant 0 : i32
    %broadcast_in_dim3A_28 = vector.broadcast %broadcast_in_dim3A_27 : i32 to vector<16xi32>
    %eq3A = arith.constant 0 : i32
    %eq3A_29 = arith.cmpi eq, %arg0, %eq3A : i32
    %convert_element_type3A = arith.extui %eq3A_29 : i1 to i32
    %cond3A = arith.constant 0 : i32
    %cond3A_30 = arith.cmpi ne, %convert_element_type3A, %cond3A : i32
    scf.if %cond3A_30 {
      "tpu.region"() ({
        %run_scoped3A = tpu.sem_alloc : memref<!tpu.dma_semaphore, #tpu.memory_space<semaphore_mem>>
        tpu.enqueue_dma source(%arg3 : memref<4x16xf32, #tpu.memory_space<hbm>>) target(%arg11 : memref<4x16xf32, #tpu.memory_space<vmem>>) target_semaphore(%run_scoped3A : memref<!tpu.dma_semaphore, #tpu.memory_space<semaphore_mem>>)
        tpu.wait_dma2 semaphore(%run_scoped3A : memref<!tpu.dma_semaphore, #tpu.memory_space<semaphore_mem>>) src(%arg3 : memref<4x16xf32, #tpu.memory_space<hbm>>) dst(%arg11 : memref<4x16xf32, #tpu.memory_space<vmem>>)
        tpu.yield
      }) : () -> ()
      %get3A = arith.constant 0 : i32
      %get3A_36 = arith.index_cast %get3A : i32 to index
      %get3A_37 = arith.constant 0 : index
      %get3A_38 = tpu.vector_load %arg11[%get3A_36, %get3A_37] {strides = array<i32>} : memref<4x16xf32, #tpu.memory_space<vmem>>, vector<1x16xf32>,
      %get3A_39 = vector.shape_cast %get3A_38 : vector<1x16xf32> to vector<16xf32>
      %get3A_40 = arith.constant 1 : i32
      %get3A_41 = arith.index_cast %get3A_40 : i32 to index
      %get3A_42 = arith.constant 0 : index
      %get3A_43 = tpu.vector_load %arg11[%get3A_41, %get3A_42] {strides = array<i32>} : memref<4x16xf32, #tpu.memory_space<vmem>>, vector<1x16xf32>,
      %get3A_44 = vector.shape_cast %get3A_43 : vector<1x16xf32> to vector<16xf32>
      %get3A_45 = arith.constant 2 : i32
      %get3A_46 = arith.index_cast %get3A_45 : i32 to index
      %get3A_47 = arith.constant 0 : index
      %get3A_48 = tpu.vector_load %arg11[%get3A_46, %get3A_47] {strides = array<i32>} : memref<4x16xf32, #tpu.memory_space<vmem>>, vector<1x16xf32>,
      %get3A_49 = vector.shape_cast %get3A_48 : vector<1x16xf32> to vector<16xf32>
      %get3A_50 = arith.constant 3 : i32
      %get3A_51 = arith.index_cast %get3A_50 : i32 to index
      %get3A_52 = arith.constant 0 : index
      %get3A_53 = tpu.vector_load %arg11[%get3A_51, %get3A_52] {strides = array<i32>} : memref<4x16xf32, #tpu.memory_space<vmem>>, vector<1x16xf32>,
      %get3A_54 = vector.shape_cast %get3A_53 : vector<1x16xf32> to vector<16xf32>
      %get3A_55 = arith.constant 0 : index
      %get3A_56 = tpu.vector_load %arg8[%get3A_55] {strides = array<i32>} : memref<16400xf32, #tpu.memory_space<vmem>>, vector<16xf32>,
      %get3A_57 = vector.shape_cast %get3A_56 : vector<16xf32> to vector<16xf32>
      %exp3A = math.exp %get3A_57 : vector<16xf32>
      %swap3A_58 = arith.constant 0 : index
      %swap3A_59 = tpu.vector_load %arg9[%swap3A_58] {strides = array<i32>} : memref<32768xf32, #tpu.memory_space<vmem>>, vector<16xf32>,
      %swap3A_60 = vector.shape_cast %swap3A_59 : vector<16xf32> to vector<16xf32>
      %swap3A_61 = vector.shape_cast %exp3A : vector<16xf32> to vector<16xf32>
      tpu.vector_store %arg9[%swap3A_58], %swap3A_61 {strides = array<i32>} : memref<32768xf32, #tpu.memory_space<vmem>>, vector<16xf32>,
      %scan3A = arith.constant 0 : i32
      %scan3A_62 = arith.constant 255 : i32
      %scan3A_63 = arith.addi %scan3A, %scan3A_62 : i32
      %scan3A_64 = arith.constant 1 : i32
      %scan3A_65 = scf.for %scan3A_289 = %scan3A to %scan3A_63 step %scan3A_64 iter_args(%scan3A_290 = %exp3A) -> (vector<16xf32>)  : i32 {
        %mul3A_291 = arith.constant 8 : i32
        %mul3A_292 = arith.muli %mul3A_291, %scan3A_289 : i32
        %add3A_293 = arith.constant 1 : i32
        %add3A_294 = arith.addi %mul3A_292, %add3A_293 : i32
        %add3A_295 = arith.constant 0 : i32
        %add3A_296 = arith.addi %add3A_294, %add3A_295 : i32
        %mul3A_297 = arith.constant 8 : i32
        %mul3A_298 = arith.muli %mul3A_297, %add3A_296 : i32
        %get3A_299 = arith.index_cast %mul3A_298 : i32 to index
        %get3A_300 = tpu.vector_load %arg8[%get3A_299] {strides = array<i32>} : memref<16400xf32, #tpu.memory_space<vmem>>, vector<16xf32>,
        %get3A_301 = vector.shape_cast %get3A_300 : vector<16xf32> to vector<16xf32>
        %exp3A_302 = math.exp %get3A_301 : vector<16xf32>
        %broadcast_in_dim3A_303 = vector.shape_cast %select_n3A : vector<16xi32> to vector<16x1xi32>
        %gather3A_304 = vector.shape_cast %broadcast_in_dim3A_303 : vector<16x1xi32> to vector<16xi32>
        %gather3A_305 = tpu.dynamic_gather %scan3A_290[%gather3A_304] in [0] : vector<16xf32>, vector<16xi32> -> vector<16xf32>
        %mul3A_306 = arith.mulf %gather3A_305, %get3A_39 : vector<16xf32>
        %broadcast_in_dim3A_307 = vector.shape_cast %select_n3A_13 : vector<16xi32> to vector<16x1xi32>
        %gather3A_308 = vector.shape_cast %broadcast_in_dim3A_307 : vector<16x1xi32> to vector<16xi32>
        %gather3A_309 = tpu.dynamic_gather %scan3A_290[%gather3A_308] in [0] : vector<16xf32>, vector<16xi32> -> vector<16xf32>
        %mul3A_310 = arith.mulf %gather3A_309, %get3A_44 : vector<16xf32>
        %add3A_311 = arith.addf %mul3A_306, %mul3A_310 : vector<16xf32>
        %broadcast_in_dim3A_312 = vector.shape_cast %select_n3A_18 : vector<16xi32> to vector<16x1xi32>
        %gather3A_313 = vector.shape_cast %broadcast_in_dim3A_312 : vector<16x1xi32> to vector<16xi32>
        %gather3A_314 = tpu.dynamic_gather %scan3A_290[%gather3A_313] in [0] : vector<16xf32>, vector<16xi32> -> vector<16xf32>
        %mul3A_315 = arith.mulf %gather3A_314, %get3A_49 : vector<16xf32>
        %add3A_316 = arith.addf %add3A_311, %mul3A_315 : vector<16xf32>
        %broadcast_in_dim3A_317 = vector.shape_cast %select_n3A_23 : vector<16xi32> to vector<16x1xi32>
        %gather3A_318 = vector.shape_cast %broadcast_in_dim3A_317 : vector<16x1xi32> to vector<16xi32>
        %gather3A_319 = tpu.dynamic_gather %scan3A_290[%gather3A_318] in [0] : vector<16xf32>, vector<16xi32> -> vector<16xf32>
        %mul3A_320 = arith.mulf %gather3A_319, %get3A_54 : vector<16xf32>
        %add3A_321 = arith.addf %add3A_316, %mul3A_320 : vector<16xf32>
        %broadcast_in_dim3A_322 = vector.shape_cast %select_n3A_26 : vector<16xi32> to vector<16x1xi32>
        %gather3A_323 = vector.shape_cast %broadcast_in_dim3A_322 : vector<16x1xi32> to vector<16xi32>
        %gather3A_324 = tpu.dynamic_gather %add3A_321[%gather3A_323] in [0] : vector<16xf32>, vector<16xi32> -> vector<16xf32>
        %add3A_325 = arith.addf %add3A_321, %gather3A_324 : vector<16xf32>
        %mul3A_326 = arith.mulf %add3A_325, %exp3A_302 : vector<16xf32>
        %mul3A_327 = arith.constant 16 : i32
        %mul3A_328 = arith.muli %mul3A_327, %add3A_296 : i32
        %swap3A_329 = arith.index_cast %mul3A_328 : i32 to index
        %swap3A_330 = tpu.vector_load %arg9[%swap3A_329] {strides = array<i32>} : memref<32768xf32, #tpu.memory_space<vmem>>, vector<16xf32>,
        %swap3A_331 = vector.shape_cast %swap3A_330 : vector<16xf32> to vector<16xf32>
        %swap3A_332 = vector.shape_cast %mul3A_326 : vector<16xf32> to vector<16xf32>
        tpu.vector_store %arg9[%swap3A_329], %swap3A_332 {strides = array<i32>} : memref<32768xf32, #tpu.memory_space<vmem>>, vector<16xf32>,
        %add3A_333 = arith.constant 1 : i32
        %add3A_334 = arith.addi %add3A_294, %add3A_333 : i32
        %mul3A_335 = arith.constant 8 : i32
        %mul3A_336 = arith.muli %mul3A_335, %add3A_334 : i32
        %get3A_337 = arith.index_cast %mul3A_336 : i32 to index
        %get3A_338 = tpu.vector_load %arg8[%get3A_337] {strides = array<i32>} : memref<16400xf32, #tpu.memory_space<vmem>>, vector<16xf32>,
        %get3A_339 = vector.shape_cast %get3A_338 : vector<16xf32> to vector<16xf32>
        %exp3A_340 = math.exp %get3A_339 : vector<16xf32>
        %broadcast_in_dim3A_341 = vector.shape_cast %select_n3A : vector<16xi32> to vector<16x1xi32>
        %gather3A_342 = vector.shape_cast %broadcast_in_dim3A_341 : vector<16x1xi32> to vector<16xi32>
        %gather3A_343 = tpu.dynamic_gather %mul3A_326[%gather3A_342] in [0] : vector<16xf32>, vector<16xi32> -> vector<16xf32>
        %mul3A_344 = arith.mulf %gather3A_343, %get3A_39 : vector<16xf32>
        %broadcast_in_dim3A_345 = vector.shape_cast %select_n3A_13 : vector<16xi32> to vector<16x1xi32>
        %gather3A_346 = vector.shape_cast %broadcast_in_dim3A_345 : vector<16x1xi32> to vector<16xi32>
        %gather3A_347 = tpu.dynamic_gather %mul3A_326[%gather3A_346] in [0] : vector<16xf32>, vector<16xi32> -> vector<16xf32>
        %mul3A_348 = arith.mulf %gather3A_347, %get3A_44 : vector<16xf32>
        %add3A_349 = arith.addf %mul3A_344, %mul3A_348 : vector<16xf32>
        %broadcast_in_dim3A_350 = vector.shape_cast %select_n3A_18 : vector<16xi32> to vector<16x1xi32>
        %gather3A_351 = vector.shape_cast %broadcast_in_dim3A_350 : vector<16x1xi32> to vector<16xi32>
        %gather3A_352 = tpu.dynamic_gather %mul3A_326[%gather3A_351] in [0] : vector<16xf32>, vector<16xi32> -> vector<16xf32>
        %mul3A_353 = arith.mulf %gather3A_352, %get3A_49 : vector<16xf32>
        %add3A_354 = arith.addf %add3A_349, %mul3A_353 : vector<16xf32>
        %broadcast_in_dim3A_355 = vector.shape_cast %select_n3A_23 : vector<16xi32> to vector<16x1xi32>
        %gather3A_356 = vector.shape_cast %broadcast_in_dim3A_355 : vector<16x1xi32> to vector<16xi32>
        %gather3A_357 = tpu.dynamic_gather %mul3A_326[%gather3A_356] in [0] : vector<16xf32>, vector<16xi32> -> vector<16xf32>
        %mul3A_358 = arith.mulf %gather3A_357, %get3A_54 : vector<16xf32>
        %add3A_359 = arith.addf %add3A_354, %mul3A_358 : vector<16xf32>
        %broadcast_in_dim3A_360 = vector.shape_cast %select_n3A_26 : vector<16xi32> to vector<16x1xi32>
        %gather3A_361 = vector.shape_cast %broadcast_in_dim3A_360 : vector<16x1xi32> to vector<16xi32>
        %gather3A_362 = tpu.dynamic_gather %add3A_359[%gather3A_361] in [0] : vector<16xf32>, vector<16xi32> -> vector<16xf32>
        %add3A_363 = arith.addf %add3A_359, %gather3A_362 : vector<16xf32>
        %mul3A_364 = arith.mulf %add3A_363, %exp3A_340 : vector<16xf32>
        %mul3A_365 = arith.constant 16 : i32
        %mul3A_366 = arith.muli %mul3A_365, %add3A_334 : i32
        %swap3A_367 = arith.index_cast %mul3A_366 : i32 to index
        %swap3A_368 = tpu.vector_load %arg9[%swap3A_367] {strides = array<i32>} : memref<32768xf32, #tpu.memory_space<vmem>>, vector<16xf32>,
        %swap3A_369 = vector.shape_cast %swap3A_368 : vector<16xf32> to vector<16xf32>
        %swap3A_370 = vector.shape_cast %mul3A_364 : vector<16xf32> to vector<16xf32>
        tpu.vector_store %arg9[%swap3A_367], %swap3A_370 {strides = array<i32>} : memref<32768xf32, #tpu.memory_space<vmem>>, vector<16xf32>,
        %add3A_371 = arith.constant 2 : i32
        %add3A_372 = arith.addi %add3A_294, %add3A_371 : i32
        %mul3A_373 = arith.constant 8 : i32
        %mul3A_374 = arith.muli %mul3A_373, %add3A_372 : i32
        %get3A_375 = arith.index_cast %mul3A_374 : i32 to index
        %get3A_376 = tpu.vector_load %arg8[%get3A_375] {strides = array<i32>} : memref<16400xf32, #tpu.memory_space<vmem>>, vector<16xf32>,
        %get3A_377 = vector.shape_cast %get3A_376 : vector<16xf32> to vector<16xf32>
        %exp3A_378 = math.exp %get3A_377 : vector<16xf32>
        %broadcast_in_dim3A_379 = vector.shape_cast %select_n3A : vector<16xi32> to vector<16x1xi32>
        %gather3A_380 = vector.shape_cast %broadcast_in_dim3A_379 : vector<16x1xi32> to vector<16xi32>
        %gather3A_381 = tpu.dynamic_gather %mul3A_364[%gather3A_380] in [0] : vector<16xf32>, vector<16xi32> -> vector<16xf32>
        %mul3A_382 = arith.mulf %gather3A_381, %get3A_39 : vector<16xf32>
        %broadcast_in_dim3A_383 = vector.shape_cast %select_n3A_13 : vector<16xi32> to vector<16x1xi32>
        %gather3A_384 = vector.shape_cast %broadcast_in_dim3A_383 : vector<16x1xi32> to vector<16xi32>
        %gather3A_385 = tpu.dynamic_gather %mul3A_364[%gather3A_384] in [0] : vector<16xf32>, vector<16xi32> -> vector<16xf32>
        %mul3A_386 = arith.mulf %gather3A_385, %get3A_44 : vector<16xf32>
        %add3A_387 = arith.addf %mul3A_382, %mul3A_386 : vector<16xf32>
        %broadcast_in_dim3A_388 = vector.shape_cast %select_n3A_18 : vector<16xi32> to vector<16x1xi32>
        %gather3A_389 = vector.shape_cast %broadcast_in_dim3A_388 : vector<16x1xi32> to vector<16xi32>
        %gather3A_390 = tpu.dynamic_gather %mul3A_364[%gather3A_389] in [0] : vector<16xf32>, vector<16xi32> -> vector<16xf32>
        %mul3A_391 = arith.mulf %gather3A_390, %get3A_49 : vector<16xf32>
        %add3A_392 = arith.addf %add3A_387, %mul3A_391 : vector<16xf32>
        %broadcast_in_dim3A_393 = vector.shape_cast %select_n3A_23 : vector<16xi32> to vector<16x1xi32>
        %gather3A_394 = vector.shape_cast %broadcast_in_dim3A_393 : vector<16x1xi32> to vector<16xi32>
        %gather3A_395 = tpu.dynamic_gather %mul3A_364[%gather3A_394] in [0] : vector<16xf32>, vector<16xi32> -> vector<16xf32>
        %mul3A_396 = arith.mulf %gather3A_395, %get3A_54 : vector<16xf32>
        %add3A_397 = arith.addf %add3A_392, %mul3A_396 : vector<16xf32>
        %broadcast_in_dim3A_398 = vector.shape_cast %select_n3A_26 : vector<16xi32> to vector<16x1xi32>
        %gather3A_399 = vector.shape_cast %broadcast_in_dim3A_398 : vector<16x1xi32> to vector<16xi32>
        %gather3A_400 = tpu.dynamic_gather %add3A_397[%gather3A_399] in [0] : vector<16xf32>, vector<16xi32> -> vector<16xf32>
        %add3A_401 = arith.addf %add3A_397, %gather3A_400 : vector<16xf32>
        %mul3A_402 = arith.mulf %add3A_401, %exp3A_378 : vector<16xf32>
        %mul3A_403 = arith.constant 16 : i32
        %mul3A_404 = arith.muli %mul3A_403, %add3A_372 : i32
        %swap3A_405 = arith.index_cast %mul3A_404 : i32 to index
        %swap3A_406 = tpu.vector_load %arg9[%swap3A_405] {strides = array<i32>} : memref<32768xf32, #tpu.memory_space<vmem>>, vector<16xf32>,
        %swap3A_407 = vector.shape_cast %swap3A_406 : vector<16xf32> to vector<16xf32>
        %swap3A_408 = vector.shape_cast %mul3A_402 : vector<16xf32> to vector<16xf32>
        tpu.vector_store %arg9[%swap3A_405], %swap3A_408 {strides = array<i32>} : memref<32768xf32, #tpu.memory_space<vmem>>, vector<16xf32>,
        %add3A_409 = arith.constant 3 : i32
        %add3A_410 = arith.addi %add3A_294, %add3A_409 : i32
        %mul3A_411 = arith.constant 8 : i32
        %mul3A_412 = arith.muli %mul3A_411, %add3A_410 : i32
        %get3A_413 = arith.index_cast %mul3A_412 : i32 to index
        %get3A_414 = tpu.vector_load %arg8[%get3A_413] {strides = array<i32>} : memref<16400xf32, #tpu.memory_space<vmem>>, vector<16xf32>,
        %get3A_415 = vector.shape_cast %get3A_414 : vector<16xf32> to vector<16xf32>
        %exp3A_416 = math.exp %get3A_415 : vector<16xf32>
        %broadcast_in_dim3A_417 = vector.shape_cast %select_n3A : vector<16xi32> to vector<16x1xi32>
        %gather3A_418 = vector.shape_cast %broadcast_in_dim3A_417 : vector<16x1xi32> to vector<16xi32>
        %gather3A_419 = tpu.dynamic_gather %mul3A_402[%gather3A_418] in [0] : vector<16xf32>, vector<16xi32> -> vector<16xf32>
        %mul3A_420 = arith.mulf %gather3A_419, %get3A_39 : vector<16xf32>
        %broadcast_in_dim3A_421 = vector.shape_cast %select_n3A_13 : vector<16xi32> to vector<16x1xi32>
        %gather3A_422 = vector.shape_cast %broadcast_in_dim3A_421 : vector<16x1xi32> to vector<16xi32>
        %gather3A_423 = tpu.dynamic_gather %mul3A_402[%gather3A_422] in [0] : vector<16xf32>, vector<16xi32> -> vector<16xf32>
        %mul3A_424 = arith.mulf %gather3A_423, %get3A_44 : vector<16xf32>
        %add3A_425 = arith.addf %mul3A_420, %mul3A_424 : vector<16xf32>
        %broadcast_in_dim3A_426 = vector.shape_cast %select_n3A_18 : vector<16xi32> to vector<16x1xi32>
        %gather3A_427 = vector.shape_cast %broadcast_in_dim3A_426 : vector<16x1xi32> to vector<16xi32>
        %gather3A_428 = tpu.dynamic_gather %mul3A_402[%gather3A_427] in [0] : vector<16xf32>, vector<16xi32> -> vector<16xf32>
        %mul3A_429 = arith.mulf %gather3A_428, %get3A_49 : vector<16xf32>
        %add3A_430 = arith.addf %add3A_425, %mul3A_429 : vector<16xf32>
        %broadcast_in_dim3A_431 = vector.shape_cast %select_n3A_23 : vector<16xi32> to vector<16x1xi32>
        %gather3A_432 = vector.shape_cast %broadcast_in_dim3A_431 : vector<16x1xi32> to vector<16xi32>
        %gather3A_433 = tpu.dynamic_gather %mul3A_402[%gather3A_432] in [0] : vector<16xf32>, vector<16xi32> -> vector<16xf32>
        %mul3A_434 = arith.mulf %gather3A_433, %get3A_54 : vector<16xf32>
        %add3A_435 = arith.addf %add3A_430, %mul3A_434 : vector<16xf32>
        %broadcast_in_dim3A_436 = vector.shape_cast %select_n3A_26 : vector<16xi32> to vector<16x1xi32>
        %gather3A_437 = vector.shape_cast %broadcast_in_dim3A_436 : vector<16x1xi32> to vector<16xi32>
        %gather3A_438 = tpu.dynamic_gather %add3A_435[%gather3A_437] in [0] : vector<16xf32>, vector<16xi32> -> vector<16xf32>
        %add3A_439 = arith.addf %add3A_435, %gather3A_438 : vector<16xf32>
        %mul3A_440 = arith.mulf %add3A_439, %exp3A_416 : vector<16xf32>
        %mul3A_441 = arith.constant 16 : i32
        %mul3A_442 = arith.muli %mul3A_441, %add3A_410 : i32
        %swap3A_443 = arith.index_cast %mul3A_442 : i32 to index
        %swap3A_444 = tpu.vector_load %arg9[%swap3A_443] {strides = array<i32>} : memref<32768xf32, #tpu.memory_space<vmem>>, vector<16xf32>,
        %swap3A_445 = vector.shape_cast %swap3A_444 : vector<16xf32> to vector<16xf32>
        %swap3A_446 = vector.shape_cast %mul3A_440 : vector<16xf32> to vector<16xf32>
        tpu.vector_store %arg9[%swap3A_443], %swap3A_446 {strides = array<i32>} : memref<32768xf32, #tpu.memory_space<vmem>>, vector<16xf32>,
        %add3A_447 = arith.constant 4 : i32
        %add3A_448 = arith.addi %add3A_294, %add3A_447 : i32
        %mul3A_449 = arith.constant 8 : i32
        %mul3A_450 = arith.muli %mul3A_449, %add3A_448 : i32
        %get3A_451 = arith.index_cast %mul3A_450 : i32 to index
        %get3A_452 = tpu.vector_load %arg8[%get3A_451] {strides = array<i32>} : memref<16400xf32, #tpu.memory_space<vmem>>, vector<16xf32>,
        %get3A_453 = vector.shape_cast %get3A_452 : vector<16xf32> to vector<16xf32>
        %exp3A_454 = math.exp %get3A_453 : vector<16xf32>
        %broadcast_in_dim3A_455 = vector.shape_cast %select_n3A : vector<16xi32> to vector<16x1xi32>
        %gather3A_456 = vector.shape_cast %broadcast_in_dim3A_455 : vector<16x1xi32> to vector<16xi32>
        %gather3A_457 = tpu.dynamic_gather %mul3A_440[%gather3A_456] in [0] : vector<16xf32>, vector<16xi32> -> vector<16xf32>
        %mul3A_458 = arith.mulf %gather3A_457, %get3A_39 : vector<16xf32>
        %broadcast_in_dim3A_459 = vector.shape_cast %select_n3A_13 : vector<16xi32> to vector<16x1xi32>
        %gather3A_460 = vector.shape_cast %broadcast_in_dim3A_459 : vector<16x1xi32> to vector<16xi32>
        %gather3A_461 = tpu.dynamic_gather %mul3A_440[%gather3A_460] in [0] : vector<16xf32>, vector<16xi32> -> vector<16xf32>
        %mul3A_462 = arith.mulf %gather3A_461, %get3A_44 : vector<16xf32>
        %add3A_463 = arith.addf %mul3A_458, %mul3A_462 : vector<16xf32>
        %broadcast_in_dim3A_464 = vector.shape_cast %select_n3A_18 : vector<16xi32> to vector<16x1xi32>
        %gather3A_465 = vector.shape_cast %broadcast_in_dim3A_464 : vector<16x1xi32> to vector<16xi32>
        %gather3A_466 = tpu.dynamic_gather %mul3A_440[%gather3A_465] in [0] : vector<16xf32>, vector<16xi32> -> vector<16xf32>
        %mul3A_467 = arith.mulf %gather3A_466, %get3A_49 : vector<16xf32>
        %add3A_468 = arith.addf %add3A_463, %mul3A_467 : vector<16xf32>
        %broadcast_in_dim3A_469 = vector.shape_cast %select_n3A_23 : vector<16xi32> to vector<16x1xi32>
        %gather3A_470 = vector.shape_cast %broadcast_in_dim3A_469 : vector<16x1xi32> to vector<16xi32>
        %gather3A_471 = tpu.dynamic_gather %mul3A_440[%gather3A_470] in [0] : vector<16xf32>, vector<16xi32> -> vector<16xf32>
        %mul3A_472 = arith.mulf %gather3A_471, %get3A_54 : vector<16xf32>
        %add3A_473 = arith.addf %add3A_468, %mul3A_472 : vector<16xf32>
        %broadcast_in_dim3A_474 = vector.shape_cast %select_n3A_26 : vector<16xi32> to vector<16x1xi32>
        %gather3A_475 = vector.shape_cast %broadcast_in_dim3A_474 : vector<16x1xi32> to vector<16xi32>
        %gather3A_476 = tpu.dynamic_gather %add3A_473[%gather3A_475] in [0] : vector<16xf32>, vector<16xi32> -> vector<16xf32>
        %add3A_477 = arith.addf %add3A_473, %gather3A_476 : vector<16xf32>
        %mul3A_478 = arith.mulf %add3A_477, %exp3A_454 : vector<16xf32>
        %mul3A_479 = arith.constant 16 : i32
        %mul3A_480 = arith.muli %mul3A_479, %add3A_448 : i32
        %swap3A_481 = arith.index_cast %mul3A_480 : i32 to index
        %swap3A_482 = tpu.vector_load %arg9[%swap3A_481] {strides = array<i32>} : memref<32768xf32, #tpu.memory_space<vmem>>, vector<16xf32>,
        %swap3A_483 = vector.shape_cast %swap3A_482 : vector<16xf32> to vector<16xf32>
        %swap3A_484 = vector.shape_cast %mul3A_478 : vector<16xf32> to vector<16xf32>
        tpu.vector_store %arg9[%swap3A_481], %swap3A_484 {strides = array<i32>} : memref<32768xf32, #tpu.memory_space<vmem>>, vector<16xf32>,
        %add3A_485 = arith.constant 5 : i32
        %add3A_486 = arith.addi %add3A_294, %add3A_485 : i32
        %mul3A_487 = arith.constant 8 : i32
        %mul3A_488 = arith.muli %mul3A_487, %add3A_486 : i32
        %get3A_489 = arith.index_cast %mul3A_488 : i32 to index
        %get3A_490 = tpu.vector_load %arg8[%get3A_489] {strides = array<i32>} : memref<16400xf32, #tpu.memory_space<vmem>>, vector<16xf32>,
        %get3A_491 = vector.shape_cast %get3A_490 : vector<16xf32> to vector<16xf32>
        %exp3A_492 = math.exp %get3A_491 : vector<16xf32>
        %broadcast_in_dim3A_493 = vector.shape_cast %select_n3A : vector<16xi32> to vector<16x1xi32>
        %gather3A_494 = vector.shape_cast %broadcast_in_dim3A_493 : vector<16x1xi32> to vector<16xi32>
        %gather3A_495 = tpu.dynamic_gather %mul3A_478[%gather3A_494] in [0] : vector<16xf32>, vector<16xi32> -> vector<16xf32>
        %mul3A_496 = arith.mulf %gather3A_495, %get3A_39 : vector<16xf32>
        %broadcast_in_dim3A_497 = vector.shape_cast %select_n3A_13 : vector<16xi32> to vector<16x1xi32>
        %gather3A_498 = vector.shape_cast %broadcast_in_dim3A_497 : vector<16x1xi32> to vector<16xi32>
        %gather3A_499 = tpu.dynamic_gather %mul3A_478[%gather3A_498] in [0] : vector<16xf32>, vector<16xi32> -> vector<16xf32>
        %mul3A_500 = arith.mulf %gather3A_499, %get3A_44 : vector<16xf32>
        %add3A_501 = arith.addf %mul3A_496, %mul3A_500 : vector<16xf32>
        %broadcast_in_dim3A_502 = vector.shape_cast %select_n3A_18 : vector<16xi32> to vector<16x1xi32>
        %gather3A_503 = vector.shape_cast %broadcast_in_dim3A_502 : vector<16x1xi32> to vector<16xi32>
        %gather3A_504 = tpu.dynamic_gather %mul3A_478[%gather3A_503] in [0] : vector<16xf32>, vector<16xi32> -> vector<16xf32>
        %mul3A_505 = arith.mulf %gather3A_504, %get3A_49 : vector<16xf32>
        %add3A_506 = arith.addf %add3A_501, %mul3A_505 : vector<16xf32>
        %broadcast_in_dim3A_507 = vector.shape_cast %select_n3A_23 : vector<16xi32> to vector<16x1xi32>
        %gather3A_508 = vector.shape_cast %broadcast_in_dim3A_507 : vector<16x1xi32> to vector<16xi32>
        %gather3A_509 = tpu.dynamic_gather %mul3A_478[%gather3A_508] in [0] : vector<16xf32>, vector<16xi32> -> vector<16xf32>
        %mul3A_510 = arith.mulf %gather3A_509, %get3A_54 : vector<16xf32>
        %add3A_511 = arith.addf %add3A_506, %mul3A_510 : vector<16xf32>
        %broadcast_in_dim3A_512 = vector.shape_cast %select_n3A_26 : vector<16xi32> to vector<16x1xi32>
        %gather3A_513 = vector.shape_cast %broadcast_in_dim3A_512 : vector<16x1xi32> to vector<16xi32>
        %gather3A_514 = tpu.dynamic_gather %add3A_511[%gather3A_513] in [0] : vector<16xf32>, vector<16xi32> -> vector<16xf32>
        %add3A_515 = arith.addf %add3A_511, %gather3A_514 : vector<16xf32>
        %mul3A_516 = arith.mulf %add3A_515, %exp3A_492 : vector<16xf32>
        %mul3A_517 = arith.constant 16 : i32
        %mul3A_518 = arith.muli %mul3A_517, %add3A_486 : i32
        %swap3A_519 = arith.index_cast %mul3A_518 : i32 to index
        %swap3A_520 = tpu.vector_load %arg9[%swap3A_519] {strides = array<i32>} : memref<32768xf32, #tpu.memory_space<vmem>>, vector<16xf32>,
        %swap3A_521 = vector.shape_cast %swap3A_520 : vector<16xf32> to vector<16xf32>
        %swap3A_522 = vector.shape_cast %mul3A_516 : vector<16xf32> to vector<16xf32>
        tpu.vector_store %arg9[%swap3A_519], %swap3A_522 {strides = array<i32>} : memref<32768xf32, #tpu.memory_space<vmem>>, vector<16xf32>,
        %add3A_523 = arith.constant 6 : i32
        %add3A_524 = arith.addi %add3A_294, %add3A_523 : i32
        %mul3A_525 = arith.constant 8 : i32
        %mul3A_526 = arith.muli %mul3A_525, %add3A_524 : i32
        %get3A_527 = arith.index_cast %mul3A_526 : i32 to index
        %get3A_528 = tpu.vector_load %arg8[%get3A_527] {strides = array<i32>} : memref<16400xf32, #tpu.memory_space<vmem>>, vector<16xf32>,
        %get3A_529 = vector.shape_cast %get3A_528 : vector<16xf32> to vector<16xf32>
        %exp3A_530 = math.exp %get3A_529 : vector<16xf32>
        %broadcast_in_dim3A_531 = vector.shape_cast %select_n3A : vector<16xi32> to vector<16x1xi32>
        %gather3A_532 = vector.shape_cast %broadcast_in_dim3A_531 : vector<16x1xi32> to vector<16xi32>
        %gather3A_533 = tpu.dynamic_gather %mul3A_516[%gather3A_532] in [0] : vector<16xf32>, vector<16xi32> -> vector<16xf32>
        %mul3A_534 = arith.mulf %gather3A_533, %get3A_39 : vector<16xf32>
        %broadcast_in_dim3A_535 = vector.shape_cast %select_n3A_13 : vector<16xi32> to vector<16x1xi32>
        %gather3A_536 = vector.shape_cast %broadcast_in_dim3A_535 : vector<16x1xi32> to vector<16xi32>
        %gather3A_537 = tpu.dynamic_gather %mul3A_516[%gather3A_536] in [0] : vector<16xf32>, vector<16xi32> -> vector<16xf32>
        %mul3A_538 = arith.mulf %gather3A_537, %get3A_44 : vector<16xf32>
        %add3A_539 = arith.addf %mul3A_534, %mul3A_538 : vector<16xf32>
        %broadcast_in_dim3A_540 = vector.shape_cast %select_n3A_18 : vector<16xi32> to vector<16x1xi32>
        %gather3A_541 = vector.shape_cast %broadcast_in_dim3A_540 : vector<16x1xi32> to vector<16xi32>
        %gather3A_542 = tpu.dynamic_gather %mul3A_516[%gather3A_541] in [0] : vector<16xf32>, vector<16xi32> -> vector<16xf32>
        %mul3A_543 = arith.mulf %gather3A_542, %get3A_49 : vector<16xf32>
        %add3A_544 = arith.addf %add3A_539, %mul3A_543 : vector<16xf32>
        %broadcast_in_dim3A_545 = vector.shape_cast %select_n3A_23 : vector<16xi32> to vector<16x1xi32>
        %gather3A_546 = vector.shape_cast %broadcast_in_dim3A_545 : vector<16x1xi32> to vector<16xi32>
        %gather3A_547 = tpu.dynamic_gather %mul3A_516[%gather3A_546] in [0] : vector<16xf32>, vector<16xi32> -> vector<16xf32>
        %mul3A_548 = arith.mulf %gather3A_547, %get3A_54 : vector<16xf32>
        %add3A_549 = arith.addf %add3A_544, %mul3A_548 : vector<16xf32>
        %broadcast_in_dim3A_550 = vector.shape_cast %select_n3A_26 : vector<16xi32> to vector<16x1xi32>
        %gather3A_551 = vector.shape_cast %broadcast_in_dim3A_550 : vector<16x1xi32> to vector<16xi32>
        %gather3A_552 = tpu.dynamic_gather %add3A_549[%gather3A_551] in [0] : vector<16xf32>, vector<16xi32> -> vector<16xf32>
        %add3A_553 = arith.addf %add3A_549, %gather3A_552 : vector<16xf32>
        %mul3A_554 = arith.mulf %add3A_553, %exp3A_530 : vector<16xf32>
        %mul3A_555 = arith.constant 16 : i32
        %mul3A_556 = arith.muli %mul3A_555, %add3A_524 : i32
        %swap3A_557 = arith.index_cast %mul3A_556 : i32 to index
        %swap3A_558 = tpu.vector_load %arg9[%swap3A_557] {strides = array<i32>} : memref<32768xf32, #tpu.memory_space<vmem>>, vector<16xf32>,
        %swap3A_559 = vector.shape_cast %swap3A_558 : vector<16xf32> to vector<16xf32>
        %swap3A_560 = vector.shape_cast %mul3A_554 : vector<16xf32> to vector<16xf32>
        tpu.vector_store %arg9[%swap3A_557], %swap3A_560 {strides = array<i32>} : memref<32768xf32, #tpu.memory_space<vmem>>, vector<16xf32>,
        %add3A_561 = arith.constant 7 : i32
        %add3A_562 = arith.addi %add3A_294, %add3A_561 : i32
        %mul3A_563 = arith.constant 8 : i32
        %mul3A_564 = arith.muli %mul3A_563, %add3A_562 : i32
        %get3A_565 = arith.index_cast %mul3A_564 : i32 to index
        %get3A_566 = tpu.vector_load %arg8[%get3A_565] {strides = array<i32>} : memref<16400xf32, #tpu.memory_space<vmem>>, vector<16xf32>,
        %get3A_567 = vector.shape_cast %get3A_566 : vector<16xf32> to vector<16xf32>
        %exp3A_568 = math.exp %get3A_567 : vector<16xf32>
        %broadcast_in_dim3A_569 = vector.shape_cast %select_n3A : vector<16xi32> to vector<16x1xi32>
        %gather3A_570 = vector.shape_cast %broadcast_in_dim3A_569 : vector<16x1xi32> to vector<16xi32>
        %gather3A_571 = tpu.dynamic_gather %mul3A_554[%gather3A_570] in [0] : vector<16xf32>, vector<16xi32> -> vector<16xf32>
        %mul3A_572 = arith.mulf %gather3A_571, %get3A_39 : vector<16xf32>
        %broadcast_in_dim3A_573 = vector.shape_cast %select_n3A_13 : vector<16xi32> to vector<16x1xi32>
        %gather3A_574 = vector.shape_cast %broadcast_in_dim3A_573 : vector<16x1xi32> to vector<16xi32>
        %gather3A_575 = tpu.dynamic_gather %mul3A_554[%gather3A_574] in [0] : vector<16xf32>, vector<16xi32> -> vector<16xf32>
        %mul3A_576 = arith.mulf %gather3A_575, %get3A_44 : vector<16xf32>
        %add3A_577 = arith.addf %mul3A_572, %mul3A_576 : vector<16xf32>
        %broadcast_in_dim3A_578 = vector.shape_cast %select_n3A_18 : vector<16xi32> to vector<16x1xi32>
        %gather3A_579 = vector.shape_cast %broadcast_in_dim3A_578 : vector<16x1xi32> to vector<16xi32>
        %gather3A_580 = tpu.dynamic_gather %mul3A_554[%gather3A_579] in [0] : vector<16xf32>, vector<16xi32> -> vector<16xf32>
        %mul3A_581 = arith.mulf %gather3A_580, %get3A_49 : vector<16xf32>
        %add3A_582 = arith.addf %add3A_577, %mul3A_581 : vector<16xf32>
        %broadcast_in_dim3A_583 = vector.shape_cast %select_n3A_23 : vector<16xi32> to vector<16x1xi32>
        %gather3A_584 = vector.shape_cast %broadcast_in_dim3A_583 : vector<16x1xi32> to vector<16xi32>
        %gather3A_585 = tpu.dynamic_gather %mul3A_554[%gather3A_584] in [0] : vector<16xf32>, vector<16xi32> -> vector<16xf32>
        %mul3A_586 = arith.mulf %gather3A_585, %get3A_54 : vector<16xf32>
        %add3A_587 = arith.addf %add3A_582, %mul3A_586 : vector<16xf32>
        %broadcast_in_dim3A_588 = vector.shape_cast %select_n3A_26 : vector<16xi32> to vector<16x1xi32>
        %gather3A_589 = vector.shape_cast %broadcast_in_dim3A_588 : vector<16x1xi32> to vector<16xi32>
        %gather3A_590 = tpu.dynamic_gather %add3A_587[%gather3A_589] in [0] : vector<16xf32>, vector<16xi32> -> vector<16xf32>
        %add3A_591 = arith.addf %add3A_587, %gather3A_590 : vector<16xf32>
        %mul3A_592 = arith.mulf %add3A_591, %exp3A_568 : vector<16xf32>
        %mul3A_593 = arith.constant 16 : i32
        %mul3A_594 = arith.muli %mul3A_593, %add3A_562 : i32
        %swap3A_595 = arith.index_cast %mul3A_594 : i32 to index
        %swap3A_596 = tpu.vector_load %arg9[%swap3A_595] {strides = array<i32>} : memref<32768xf32, #tpu.memory_space<vmem>>, vector<16xf32>,
        %swap3A_597 = vector.shape_cast %swap3A_596 : vector<16xf32> to vector<16xf32>
        %swap3A_598 = vector.shape_cast %mul3A_592 : vector<16xf32> to vector<16xf32>
        tpu.vector_store %arg9[%swap3A_595], %swap3A_598 {strides = array<i32>} : memref<32768xf32, #tpu.memory_space<vmem>>, vector<16xf32>,
        %broadcast_in_dim3A_599 = vector.shape_cast %broadcast_in_dim3A_28 : vector<16xi32> to vector<16x1xi32>
        %gather3A_600 = vector.shape_cast %broadcast_in_dim3A_599 : vector<16x1xi32> to vector<16xi32>
        %gather3A_601 = tpu.dynamic_gather %mul3A_592[%gather3A_600] in [0] : vector<16xf32>, vector<16xi32> -> vector<16xf32>
        %div3A = arith.divf %mul3A_592, %gather3A_601 : vector<16xf32>
        scf.yield %div3A : vector<16xf32>
      }
      %scan3A_66 = arith.constant 255 : i32
      %get3A_67 = arith.constant 16328 : index
      %get3A_68 = tpu.vector_load %arg8[%get3A_67] {strides = array<i32>} : memref<16400xf32, #tpu.memory_space<vmem>>, vector<16xf32>,
      %get3A_69 = vector.shape_cast %get3A_68 : vector<16xf32> to vector<16xf32>
      %exp3A_70 = math.exp %get3A_69 : vector<16xf32>
      %broadcast_in_dim3A_71 = vector.shape_cast %select_n3A : vector<16xi32> to vector<16x1xi32>
      %gather3A = vector.shape_cast %broadcast_in_dim3A_71 : vector<16x1xi32> to vector<16xi32>
      %gather3A_72 = tpu.dynamic_gather %scan3A_65[%gather3A] in [0] : vector<16xf32>, vector<16xi32> -> vector<16xf32>
      %mul3A = arith.mulf %gather3A_72, %get3A_39 : vector<16xf32>
      %broadcast_in_dim3A_73 = vector.shape_cast %select_n3A_13 : vector<16xi32> to vector<16x1xi32>
      %gather3A_74 = vector.shape_cast %broadcast_in_dim3A_73 : vector<16x1xi32> to vector<16xi32>
      %gather3A_75 = tpu.dynamic_gather %scan3A_65[%gather3A_74] in [0] : vector<16xf32>, vector<16xi32> -> vector<16xf32>
      %mul3A_76 = arith.mulf %gather3A_75, %get3A_44 : vector<16xf32>
      %add3A_77 = arith.addf %mul3A, %mul3A_76 : vector<16xf32>
      %broadcast_in_dim3A_78 = vector.shape_cast %select_n3A_18 : vector<16xi32> to vector<16x1xi32>
      %gather3A_79 = vector.shape_cast %broadcast_in_dim3A_78 : vector<16x1xi32> to vector<16xi32>
      %gather3A_80 = tpu.dynamic_gather %scan3A_65[%gather3A_79] in [0] : vector<16xf32>, vector<16xi32> -> vector<16xf32>
      %mul3A_81 = arith.mulf %gather3A_80, %get3A_49 : vector<16xf32>
      %add3A_82 = arith.addf %add3A_77, %mul3A_81 : vector<16xf32>
      %broadcast_in_dim3A_83 = vector.shape_cast %select_n3A_23 : vector<16xi32> to vector<16x1xi32>
      %gather3A_84 = vector.shape_cast %broadcast_in_dim3A_83 : vector<16x1xi32> to vector<16xi32>
      %gather3A_85 = tpu.dynamic_gather %scan3A_65[%gather3A_84] in [0] : vector<16xf32>, vector<16xi32> -> vector<16xf32>
      %mul3A_86 = arith.mulf %gather3A_85, %get3A_54 : vector<16xf32>
      %add3A_87 = arith.addf %add3A_82, %mul3A_86 : vector<16xf32>
      %broadcast_in_dim3A_88 = vector.shape_cast %select_n3A_26 : vector<16xi32> to vector<16x1xi32>
      %gather3A_89 = vector.shape_cast %broadcast_in_dim3A_88 : vector<16x1xi32> to vector<16xi32>
      %gather3A_90 = tpu.dynamic_gather %add3A_87[%gather3A_89] in [0] : vector<16xf32>, vector<16xi32> -> vector<16xf32>
      %add3A_91 = arith.addf %add3A_87, %gather3A_90 : vector<16xf32>
      %mul3A_92 = arith.mulf %add3A_91, %exp3A_70 : vector<16xf32>
      %swap3A_93 = arith.constant 32656 : index
      %swap3A_94 = tpu.vector_load %arg9[%swap3A_93] {strides = array<i32>} : memref<32768xf32, #tpu.memory_space<vmem>>, vector<16xf32>,
      %swap3A_95 = vector.shape_cast %swap3A_94 : vector<16xf32> to vector<16xf32>
      %swap3A_96 = vector.shape_cast %mul3A_92 : vector<16xf32> to vector<16xf32>
      tpu.vector_store %arg9[%swap3A_93], %swap3A_96 {strides = array<i32>} : memref<32768xf32, #tpu.memory_space<vmem>>, vector<16xf32>,
      %get3A_97 = arith.constant 16336 : index
      %get3A_98 = tpu.vector_load %arg8[%get3A_97] {strides = array<i32>} : memref<16400xf32, #tpu.memory_space<vmem>>, vector<16xf32>,
      %get3A_99 = vector.shape_cast %get3A_98 : vector<16xf32> to vector<16xf32>
      %exp3A_100 = math.exp %get3A_99 : vector<16xf32>
      %broadcast_in_dim3A_101 = vector.shape_cast %select_n3A : vector<16xi32> to vector<16x1xi32>
      %gather3A_102 = vector.shape_cast %broadcast_in_dim3A_101 : vector<16x1xi32> to vector<16xi32>
      %gather3A_103 = tpu.dynamic_gather %mul3A_92[%gather3A_102] in [0] : vector<16xf32>, vector<16xi32> -> vector<16xf32>
      %mul3A_104 = arith.mulf %gather3A_103, %get3A_39 : vector<16xf32>
      %broadcast_in_dim3A_105 = vector.shape_cast %select_n3A_13 : vector<16xi32> to vector<16x1xi32>
      %gather3A_106 = vector.shape_cast %broadcast_in_dim3A_105 : vector<16x1xi32> to vector<16xi32>
      %gather3A_107 = tpu.dynamic_gather %mul3A_92[%gather3A_106] in [0] : vector<16xf32>, vector<16xi32> -> vector<16xf32>
      %mul3A_108 = arith.mulf %gather3A_107, %get3A_44 : vector<16xf32>
      %add3A_109 = arith.addf %mul3A_104, %mul3A_108 : vector<16xf32>
      %broadcast_in_dim3A_110 = vector.shape_cast %select_n3A_18 : vector<16xi32> to vector<16x1xi32>
      %gather3A_111 = vector.shape_cast %broadcast_in_dim3A_110 : vector<16x1xi32> to vector<16xi32>
      %gather3A_112 = tpu.dynamic_gather %mul3A_92[%gather3A_111] in [0] : vector<16xf32>, vector<16xi32> -> vector<16xf32>
      %mul3A_113 = arith.mulf %gather3A_112, %get3A_49 : vector<16xf32>
      %add3A_114 = arith.addf %add3A_109, %mul3A_113 : vector<16xf32>
      %broadcast_in_dim3A_115 = vector.shape_cast %select_n3A_23 : vector<16xi32> to vector<16x1xi32>
      %gather3A_116 = vector.shape_cast %broadcast_in_dim3A_115 : vector<16x1xi32> to vector<16xi32>
      %gather3A_117 = tpu.dynamic_gather %mul3A_92[%gather3A_116] in [0] : vector<16xf32>, vector<16xi32> -> vector<16xf32>
      %mul3A_118 = arith.mulf %gather3A_117, %get3A_54 : vector<16xf32>
      %add3A_119 = arith.addf %add3A_114, %mul3A_118 : vector<16xf32>
      %broadcast_in_dim3A_120 = vector.shape_cast %select_n3A_26 : vector<16xi32> to vector<16x1xi32>
      %gather3A_121 = vector.shape_cast %broadcast_in_dim3A_120 : vector<16x1xi32> to vector<16xi32>
      %gather3A_122 = tpu.dynamic_gather %add3A_119[%gather3A_121] in [0] : vector<16xf32>, vector<16xi32> -> vector<16xf32>
      %add3A_123 = arith.addf %add3A_119, %gather3A_122 : vector<16xf32>
      %mul3A_124 = arith.mulf %add3A_123, %exp3A_100 : vector<16xf32>
      %swap3A_125 = arith.constant 32672 : index
      %swap3A_126 = tpu.vector_load %arg9[%swap3A_125] {strides = array<i32>} : memref<32768xf32, #tpu.memory_space<vmem>>, vector<16xf32>,
      %swap3A_127 = vector.shape_cast %swap3A_126 : vector<16xf32> to vector<16xf32>
      %swap3A_128 = vector.shape_cast %mul3A_124 : vector<16xf32> to vector<16xf32>
      tpu.vector_store %arg9[%swap3A_125], %swap3A_128 {strides = array<i32>} : memref<32768xf32, #tpu.memory_space<vmem>>, vector<16xf32>,
      %get3A_129 = arith.constant 16344 : index
      %get3A_130 = tpu.vector_load %arg8[%get3A_129] {strides = array<i32>} : memref<16400xf32, #tpu.memory_space<vmem>>, vector<16xf32>,
      %get3A_131 = vector.shape_cast %get3A_130 : vector<16xf32> to vector<16xf32>
      %exp3A_132 = math.exp %get3A_131 : vector<16xf32>
      %broadcast_in_dim3A_133 = vector.shape_cast %select_n3A : vector<16xi32> to vector<16x1xi32>
      %gather3A_134 = vector.shape_cast %broadcast_in_dim3A_133 : vector<16x1xi32> to vector<16xi32>
      %gather3A_135 = tpu.dynamic_gather %mul3A_124[%gather3A_134] in [0] : vector<16xf32>, vector<16xi32> -> vector<16xf32>
      %mul3A_136 = arith.mulf %gather3A_135, %get3A_39 : vector<16xf32>
      %broadcast_in_dim3A_137 = vector.shape_cast %select_n3A_13 : vector<16xi32> to vector<16x1xi32>
      %gather3A_138 = vector.shape_cast %broadcast_in_dim3A_137 : vector<16x1xi32> to vector<16xi32>
      %gather3A_139 = tpu.dynamic_gather %mul3A_124[%gather3A_138] in [0] : vector<16xf32>, vector<16xi32> -> vector<16xf32>
      %mul3A_140 = arith.mulf %gather3A_139, %get3A_44 : vector<16xf32>
      %add3A_141 = arith.addf %mul3A_136, %mul3A_140 : vector<16xf32>
      %broadcast_in_dim3A_142 = vector.shape_cast %select_n3A_18 : vector<16xi32> to vector<16x1xi32>
      %gather3A_143 = vector.shape_cast %broadcast_in_dim3A_142 : vector<16x1xi32> to vector<16xi32>
      %gather3A_144 = tpu.dynamic_gather %mul3A_124[%gather3A_143] in [0] : vector<16xf32>, vector<16xi32> -> vector<16xf32>
      %mul3A_145 = arith.mulf %gather3A_144, %get3A_49 : vector<16xf32>
      %add3A_146 = arith.addf %add3A_141, %mul3A_145 : vector<16xf32>
      %broadcast_in_dim3A_147 = vector.shape_cast %select_n3A_23 : vector<16xi32> to vector<16x1xi32>
      %gather3A_148 = vector.shape_cast %broadcast_in_dim3A_147 : vector<16x1xi32> to vector<16xi32>
      %gather3A_149 = tpu.dynamic_gather %mul3A_124[%gather3A_148] in [0] : vector<16xf32>, vector<16xi32> -> vector<16xf32>
      %mul3A_150 = arith.mulf %gather3A_149, %get3A_54 : vector<16xf32>
      %add3A_151 = arith.addf %add3A_146, %mul3A_150 : vector<16xf32>
      %broadcast_in_dim3A_152 = vector.shape_cast %select_n3A_26 : vector<16xi32> to vector<16x1xi32>
      %gather3A_153 = vector.shape_cast %broadcast_in_dim3A_152 : vector<16x1xi32> to vector<16xi32>
      %gather3A_154 = tpu.dynamic_gather %add3A_151[%gather3A_153] in [0] : vector<16xf32>, vector<16xi32> -> vector<16xf32>
      %add3A_155 = arith.addf %add3A_151, %gather3A_154 : vector<16xf32>
      %mul3A_156 = arith.mulf %add3A_155, %exp3A_132 : vector<16xf32>
      %swap3A_157 = arith.constant 32688 : index
      %swap3A_158 = tpu.vector_load %arg9[%swap3A_157] {strides = array<i32>} : memref<32768xf32, #tpu.memory_space<vmem>>, vector<16xf32>,
      %swap3A_159 = vector.shape_cast %swap3A_158 : vector<16xf32> to vector<16xf32>
      %swap3A_160 = vector.shape_cast %mul3A_156 : vector<16xf32> to vector<16xf32>
      tpu.vector_store %arg9[%swap3A_157], %swap3A_160 {strides = array<i32>} : memref<32768xf32, #tpu.memory_space<vmem>>, vector<16xf32>,
      %get3A_161 = arith.constant 16352 : index
      %get3A_162 = tpu.vector_load %arg8[%get3A_161] {strides = array<i32>} : memref<16400xf32, #tpu.memory_space<vmem>>, vector<16xf32>,
      %get3A_163 = vector.shape_cast %get3A_162 : vector<16xf32> to vector<16xf32>
      %exp3A_164 = math.exp %get3A_163 : vector<16xf32>
      %broadcast_in_dim3A_165 = vector.shape_cast %select_n3A : vector<16xi32> to vector<16x1xi32>
      %gather3A_166 = vector.shape_cast %broadcast_in_dim3A_165 : vector<16x1xi32> to vector<16xi32>
      %gather3A_167 = tpu.dynamic_gather %mul3A_156[%gather3A_166] in [0] : vector<16xf32>, vector<16xi32> -> vector<16xf32>
      %mul3A_168 = arith.mulf %gather3A_167, %get3A_39 : vector<16xf32>
      %broadcast_in_dim3A_169 = vector.shape_cast %select_n3A_13 : vector<16xi32> to vector<16x1xi32>
      %gather3A_170 = vector.shape_cast %broadcast_in_dim3A_169 : vector<16x1xi32> to vector<16xi32>
      %gather3A_171 = tpu.dynamic_gather %mul3A_156[%gather3A_170] in [0] : vector<16xf32>, vector<16xi32> -> vector<16xf32>
      %mul3A_172 = arith.mulf %gather3A_171, %get3A_44 : vector<16xf32>
      %add3A_173 = arith.addf %mul3A_168, %mul3A_172 : vector<16xf32>
      %broadcast_in_dim3A_174 = vector.shape_cast %select_n3A_18 : vector<16xi32> to vector<16x1xi32>
      %gather3A_175 = vector.shape_cast %broadcast_in_dim3A_174 : vector<16x1xi32> to vector<16xi32>
      %gather3A_176 = tpu.dynamic_gather %mul3A_156[%gather3A_175] in [0] : vector<16xf32>, vector<16xi32> -> vector<16xf32>
      %mul3A_177 = arith.mulf %gather3A_176, %get3A_49 : vector<16xf32>
      %add3A_178 = arith.addf %add3A_173, %mul3A_177 : vector<16xf32>
      %broadcast_in_dim3A_179 = vector.shape_cast %select_n3A_23 : vector<16xi32> to vector<16x1xi32>
      %gather3A_180 = vector.shape_cast %broadcast_in_dim3A_179 : vector<16x1xi32> to vector<16xi32>
      %gather3A_181 = tpu.dynamic_gather %mul3A_156[%gather3A_180] in [0] : vector<16xf32>, vector<16xi32> -> vector<16xf32>
      %mul3A_182 = arith.mulf %gather3A_181, %get3A_54 : vector<16xf32>
      %add3A_183 = arith.addf %add3A_178, %mul3A_182 : vector<16xf32>
      %broadcast_in_dim3A_184 = vector.shape_cast %select_n3A_26 : vector<16xi32> to vector<16x1xi32>
      %gather3A_185 = vector.shape_cast %broadcast_in_dim3A_184 : vector<16x1xi32> to vector<16xi32>
      %gather3A_186 = tpu.dynamic_gather %add3A_183[%gather3A_185] in [0] : vector<16xf32>, vector<16xi32> -> vector<16xf32>
      %add3A_187 = arith.addf %add3A_183, %gather3A_186 : vector<16xf32>
      %mul3A_188 = arith.mulf %add3A_187, %exp3A_164 : vector<16xf32>
      %swap3A_189 = arith.constant 32704 : index
      %swap3A_190 = tpu.vector_load %arg9[%swap3A_189] {strides = array<i32>} : memref<32768xf32, #tpu.memory_space<vmem>>, vector<16xf32>,
      %swap3A_191 = vector.shape_cast %swap3A_190 : vector<16xf32> to vector<16xf32>
      %swap3A_192 = vector.shape_cast %mul3A_188 : vector<16xf32> to vector<16xf32>
      tpu.vector_store %arg9[%swap3A_189], %swap3A_192 {strides = array<i32>} : memref<32768xf32, #tpu.memory_space<vmem>>, vector<16xf32>,
      %get3A_193 = arith.constant 16360 : index
      %get3A_194 = tpu.vector_load %arg8[%get3A_193] {strides = array<i32>} : memref<16400xf32, #tpu.memory_space<vmem>>, vector<16xf32>,
      %get3A_195 = vector.shape_cast %get3A_194 : vector<16xf32> to vector<16xf32>
      %exp3A_196 = math.exp %get3A_195 : vector<16xf32>
      %broadcast_in_dim3A_197 = vector.shape_cast %select_n3A : vector<16xi32> to vector<16x1xi32>
      %gather3A_198 = vector.shape_cast %broadcast_in_dim3A_197 : vector<16x1xi32> to vector<16xi32>
      %gather3A_199 = tpu.dynamic_gather %mul3A_188[%gather3A_198] in [0] : vector<16xf32>, vector<16xi32> -> vector<16xf32>
      %mul3A_200 = arith.mulf %gather3A_199, %get3A_39 : vector<16xf32>
      %broadcast_in_dim3A_201 = vector.shape_cast %select_n3A_13 : vector<16xi32> to vector<16x1xi32>
      %gather3A_202 = vector.shape_cast %broadcast_in_dim3A_201 : vector<16x1xi32> to vector<16xi32>
      %gather3A_203 = tpu.dynamic_gather %mul3A_188[%gather3A_202] in [0] : vector<16xf32>, vector<16xi32> -> vector<16xf32>
      %mul3A_204 = arith.mulf %gather3A_203, %get3A_44 : vector<16xf32>
      %add3A_205 = arith.addf %mul3A_200, %mul3A_204 : vector<16xf32>
      %broadcast_in_dim3A_206 = vector.shape_cast %select_n3A_18 : vector<16xi32> to vector<16x1xi32>
      %gather3A_207 = vector.shape_cast %broadcast_in_dim3A_206 : vector<16x1xi32> to vector<16xi32>
      %gather3A_208 = tpu.dynamic_gather %mul3A_188[%gather3A_207] in [0] : vector<16xf32>, vector<16xi32> -> vector<16xf32>
      %mul3A_209 = arith.mulf %gather3A_208, %get3A_49 : vector<16xf32>
      %add3A_210 = arith.addf %add3A_205, %mul3A_209 : vector<16xf32>
      %broadcast_in_dim3A_211 = vector.shape_cast %select_n3A_23 : vector<16xi32> to vector<16x1xi32>
      %gather3A_212 = vector.shape_cast %broadcast_in_dim3A_211 : vector<16x1xi32> to vector<16xi32>
      %gather3A_213 = tpu.dynamic_gather %mul3A_188[%gather3A_212] in [0] : vector<16xf32>, vector<16xi32> -> vector<16xf32>
      %mul3A_214 = arith.mulf %gather3A_213, %get3A_54 : vector<16xf32>
      %add3A_215 = arith.addf %add3A_210, %mul3A_214 : vector<16xf32>
      %broadcast_in_dim3A_216 = vector.shape_cast %select_n3A_26 : vector<16xi32> to vector<16x1xi32>
      %gather3A_217 = vector.shape_cast %broadcast_in_dim3A_216 : vector<16x1xi32> to vector<16xi32>
      %gather3A_218 = tpu.dynamic_gather %add3A_215[%gather3A_217] in [0] : vector<16xf32>, vector<16xi32> -> vector<16xf32>
      %add3A_219 = arith.addf %add3A_215, %gather3A_218 : vector<16xf32>
      %mul3A_220 = arith.mulf %add3A_219, %exp3A_196 : vector<16xf32>
      %swap3A_221 = arith.constant 32720 : index
      %swap3A_222 = tpu.vector_load %arg9[%swap3A_221] {strides = array<i32>} : memref<32768xf32, #tpu.memory_space<vmem>>, vector<16xf32>,
      %swap3A_223 = vector.shape_cast %swap3A_222 : vector<16xf32> to vector<16xf32>
      %swap3A_224 = vector.shape_cast %mul3A_220 : vector<16xf32> to vector<16xf32>
      tpu.vector_store %arg9[%swap3A_221], %swap3A_224 {strides = array<i32>} : memref<32768xf32, #tpu.memory_space<vmem>>, vector<16xf32>,
      %get3A_225 = arith.constant 16368 : index
      %get3A_226 = tpu.vector_load %arg8[%get3A_225] {strides = array<i32>} : memref<16400xf32, #tpu.memory_space<vmem>>, vector<16xf32>,
      %get3A_227 = vector.shape_cast %get3A_226 : vector<16xf32> to vector<16xf32>
      %exp3A_228 = math.exp %get3A_227 : vector<16xf32>
      %broadcast_in_dim3A_229 = vector.shape_cast %select_n3A : vector<16xi32> to vector<16x1xi32>
      %gather3A_230 = vector.shape_cast %broadcast_in_dim3A_229 : vector<16x1xi32> to vector<16xi32>
      %gather3A_231 = tpu.dynamic_gather %mul3A_220[%gather3A_230] in [0] : vector<16xf32>, vector<16xi32> -> vector<16xf32>
      %mul3A_232 = arith.mulf %gather3A_231, %get3A_39 : vector<16xf32>
      %broadcast_in_dim3A_233 = vector.shape_cast %select_n3A_13 : vector<16xi32> to vector<16x1xi32>
      %gather3A_234 = vector.shape_cast %broadcast_in_dim3A_233 : vector<16x1xi32> to vector<16xi32>
      %gather3A_235 = tpu.dynamic_gather %mul3A_220[%gather3A_234] in [0] : vector<16xf32>, vector<16xi32> -> vector<16xf32>
      %mul3A_236 = arith.mulf %gather3A_235, %get3A_44 : vector<16xf32>
      %add3A_237 = arith.addf %mul3A_232, %mul3A_236 : vector<16xf32>
      %broadcast_in_dim3A_238 = vector.shape_cast %select_n3A_18 : vector<16xi32> to vector<16x1xi32>
      %gather3A_239 = vector.shape_cast %broadcast_in_dim3A_238 : vector<16x1xi32> to vector<16xi32>
      %gather3A_240 = tpu.dynamic_gather %mul3A_220[%gather3A_239] in [0] : vector<16xf32>, vector<16xi32> -> vector<16xf32>
      %mul3A_241 = arith.mulf %gather3A_240, %get3A_49 : vector<16xf32>
      %add3A_242 = arith.addf %add3A_237, %mul3A_241 : vector<16xf32>
      %broadcast_in_dim3A_243 = vector.shape_cast %select_n3A_23 : vector<16xi32> to vector<16x1xi32>
      %gather3A_244 = vector.shape_cast %broadcast_in_dim3A_243 : vector<16x1xi32> to vector<16xi32>
      %gather3A_245 = tpu.dynamic_gather %mul3A_220[%gather3A_244] in [0] : vector<16xf32>, vector<16xi32> -> vector<16xf32>
      %mul3A_246 = arith.mulf %gather3A_245, %get3A_54 : vector<16xf32>
      %add3A_247 = arith.addf %add3A_242, %mul3A_246 : vector<16xf32>
      %broadcast_in_dim3A_248 = vector.shape_cast %select_n3A_26 : vector<16xi32> to vector<16x1xi32>
      %gather3A_249 = vector.shape_cast %broadcast_in_dim3A_248 : vector<16x1xi32> to vector<16xi32>
      %gather3A_250 = tpu.dynamic_gather %add3A_247[%gather3A_249] in [0] : vector<16xf32>, vector<16xi32> -> vector<16xf32>
      %add3A_251 = arith.addf %add3A_247, %gather3A_250 : vector<16xf32>
      %mul3A_252 = arith.mulf %add3A_251, %exp3A_228 : vector<16xf32>
      %swap3A_253 = arith.constant 32736 : index
      %swap3A_254 = tpu.vector_load %arg9[%swap3A_253] {strides = array<i32>} : memref<32768xf32, #tpu.memory_space<vmem>>, vector<16xf32>,
      %swap3A_255 = vector.shape_cast %swap3A_254 : vector<16xf32> to vector<16xf32>
      %swap3A_256 = vector.shape_cast %mul3A_252 : vector<16xf32> to vector<16xf32>
      tpu.vector_store %arg9[%swap3A_253], %swap3A_256 {strides = array<i32>} : memref<32768xf32, #tpu.memory_space<vmem>>, vector<16xf32>,
      %get3A_257 = arith.constant 16376 : index
      %get3A_258 = tpu.vector_load %arg8[%get3A_257] {strides = array<i32>} : memref<16400xf32, #tpu.memory_space<vmem>>, vector<16xf32>,
      %get3A_259 = vector.shape_cast %get3A_258 : vector<16xf32> to vector<16xf32>
      %exp3A_260 = math.exp %get3A_259 : vector<16xf32>
      %broadcast_in_dim3A_261 = vector.shape_cast %select_n3A : vector<16xi32> to vector<16x1xi32>
      %gather3A_262 = vector.shape_cast %broadcast_in_dim3A_261 : vector<16x1xi32> to vector<16xi32>
      %gather3A_263 = tpu.dynamic_gather %mul3A_252[%gather3A_262] in [0] : vector<16xf32>, vector<16xi32> -> vector<16xf32>
      %mul3A_264 = arith.mulf %gather3A_263, %get3A_39 : vector<16xf32>
      %broadcast_in_dim3A_265 = vector.shape_cast %select_n3A_13 : vector<16xi32> to vector<16x1xi32>
      %gather3A_266 = vector.shape_cast %broadcast_in_dim3A_265 : vector<16x1xi32> to vector<16xi32>
      %gather3A_267 = tpu.dynamic_gather %mul3A_252[%gather3A_266] in [0] : vector<16xf32>, vector<16xi32> -> vector<16xf32>
      %mul3A_268 = arith.mulf %gather3A_267, %get3A_44 : vector<16xf32>
      %add3A_269 = arith.addf %mul3A_264, %mul3A_268 : vector<16xf32>
      %broadcast_in_dim3A_270 = vector.shape_cast %select_n3A_18 : vector<16xi32> to vector<16x1xi32>
      %gather3A_271 = vector.shape_cast %broadcast_in_dim3A_270 : vector<16x1xi32> to vector<16xi32>
      %gather3A_272 = tpu.dynamic_gather %mul3A_252[%gather3A_271] in [0] : vector<16xf32>, vector<16xi32> -> vector<16xf32>
      %mul3A_273 = arith.mulf %gather3A_272, %get3A_49 : vector<16xf32>
      %add3A_274 = arith.addf %add3A_269, %mul3A_273 : vector<16xf32>
      %broadcast_in_dim3A_275 = vector.shape_cast %select_n3A_23 : vector<16xi32> to vector<16x1xi32>
      %gather3A_276 = vector.shape_cast %broadcast_in_dim3A_275 : vector<16x1xi32> to vector<16xi32>
      %gather3A_277 = tpu.dynamic_gather %mul3A_252[%gather3A_276] in [0] : vector<16xf32>, vector<16xi32> -> vector<16xf32>
      %mul3A_278 = arith.mulf %gather3A_277, %get3A_54 : vector<16xf32>
      %add3A_279 = arith.addf %add3A_274, %mul3A_278 : vector<16xf32>
      %broadcast_in_dim3A_280 = vector.shape_cast %select_n3A_26 : vector<16xi32> to vector<16x1xi32>
      %gather3A_281 = vector.shape_cast %broadcast_in_dim3A_280 : vector<16x1xi32> to vector<16xi32>
      %gather3A_282 = tpu.dynamic_gather %add3A_279[%gather3A_281] in [0] : vector<16xf32>, vector<16xi32> -> vector<16xf32>
      %add3A_283 = arith.addf %add3A_279, %gather3A_282 : vector<16xf32>
      %mul3A_284 = arith.mulf %add3A_283, %exp3A_260 : vector<16xf32>
      %swap3A_285 = arith.constant 32752 : index
      %swap3A_286 = tpu.vector_load %arg9[%swap3A_285] {strides = array<i32>} : memref<32768xf32, #tpu.memory_space<vmem>>, vector<16xf32>,
      %swap3A_287 = vector.shape_cast %swap3A_286 : vector<16xf32> to vector<16xf32>
      %swap3A_288 = vector.shape_cast %mul3A_284 : vector<16xf32> to vector<16xf32>
      tpu.vector_store %arg9[%swap3A_285], %swap3A_288 {strides = array<i32>} : memref<32768xf32, #tpu.memory_space<vmem>>, vector<16xf32>,
      "tpu.region"() ({
        %run_scoped3A = tpu.sem_alloc : memref<!tpu.dma_semaphore, #tpu.memory_space<semaphore_mem>>
        %dma_start3A = arith.constant 0 : i32
        %dma_start3A_289 = tpu.memref_slice %arg5[%arg1, %dma_start3A] : memref<16x32768xf32, #tpu.memory_space<hbm>> -> memref<1x32768xf32, #tpu.memory_space<hbm>>
        %dma_start3A_290 = tpu.memref_squeeze %dma_start3A_289 : memref<1x32768xf32, #tpu.memory_space<hbm>> -> memref<32768xf32, #tpu.memory_space<hbm>>
        %dma_start3A_291 = arith.constant 0 : i32
        %dma_start3A_292 = tpu.memref_slice %arg5[%arg1, %dma_start3A_291] : memref<16x32768xf32, #tpu.memory_space<hbm>> -> memref<1x32768xf32, #tpu.memory_space<hbm>>
        %dma_start3A_293 = tpu.memref_squeeze %dma_start3A_292 : memref<1x32768xf32, #tpu.memory_space<hbm>> -> memref<32768xf32, #tpu.memory_space<hbm>>
        tpu.enqueue_dma source(%arg9 : memref<32768xf32, #tpu.memory_space<vmem>>) target(%dma_start3A_293 : memref<32768xf32, #tpu.memory_space<hbm>>) target_semaphore(%run_scoped3A : memref<!tpu.dma_semaphore, #tpu.memory_space<semaphore_mem>>)
        %dma_wait3A = arith.constant 0 : i32
        %dma_wait3A_294 = tpu.memref_slice %arg5[%arg1, %dma_wait3A] : memref<16x32768xf32, #tpu.memory_space<hbm>> -> memref<1x32768xf32, #tpu.memory_space<hbm>>
        %dma_wait3A_295 = tpu.memref_squeeze %dma_wait3A_294 : memref<1x32768xf32, #tpu.memory_space<hbm>> -> memref<32768xf32, #tpu.memory_space<hbm>>
        %dma_wait3A_296 = arith.constant 0 : i32
        %dma_wait3A_297 = tpu.memref_slice %arg5[%arg1, %dma_wait3A_296] : memref<16x32768xf32, #tpu.memory_space<hbm>> -> memref<1x32768xf32, #tpu.memory_space<hbm>>
        %dma_wait3A_298 = tpu.memref_squeeze %dma_wait3A_297 : memref<1x32768xf32, #tpu.memory_space<hbm>> -> memref<32768xf32, #tpu.memory_space<hbm>>
        tpu.wait_dma2 semaphore(%run_scoped3A : memref<!tpu.dma_semaphore, #tpu.memory_space<semaphore_mem>>) src(%arg9 : memref<32768xf32, #tpu.memory_space<vmem>>) dst(%dma_wait3A_298 : memref<32768xf32, #tpu.memory_space<hbm>>)
        tpu.yield
      }) : () -> ()
    } else {
    }
    %eq3A_31 = arith.constant 1 : i32
    %eq3A_32 = arith.cmpi eq, %arg0, %eq3A_31 : i32
    %convert_element_type3A_33 = arith.extui %eq3A_32 : i1 to i32
    %cond3A_34 = arith.constant 0 : i32
    %cond3A_35 = arith.cmpi ne, %convert_element_type3A_33, %cond3A_34 : i32
    scf.if %cond3A_35 {
      "tpu.region"() ({
        %run_scoped3A = tpu.sem_alloc : memref<!tpu.dma_semaphore, #tpu.memory_space<semaphore_mem>>
        tpu.enqueue_dma source(%arg4 : memref<4x16xf32, #tpu.memory_space<hbm>>) target(%arg11 : memref<4x16xf32, #tpu.memory_space<vmem>>) target_semaphore(%run_scoped3A : memref<!tpu.dma_semaphore, #tpu.memory_space<semaphore_mem>>)
        tpu.wait_dma2 semaphore(%run_scoped3A : memref<!tpu.dma_semaphore, #tpu.memory_space<semaphore_mem>>) src(%arg4 : memref<4x16xf32, #tpu.memory_space<hbm>>) dst(%arg11 : memref<4x16xf32, #tpu.memory_space<vmem>>)
        tpu.yield
      }) : () -> ()
      %get3A = arith.constant 0 : i32
      %get3A_36 = arith.index_cast %get3A : i32 to index
      %get3A_37 = arith.constant 0 : index
      %get3A_38 = tpu.vector_load %arg11[%get3A_36, %get3A_37] {strides = array<i32>} : memref<4x16xf32, #tpu.memory_space<vmem>>, vector<1x16xf32>,
      %get3A_39 = vector.shape_cast %get3A_38 : vector<1x16xf32> to vector<16xf32>
      %get3A_40 = arith.constant 1 : i32
      %get3A_41 = arith.index_cast %get3A_40 : i32 to index
      %get3A_42 = arith.constant 0 : index
      %get3A_43 = tpu.vector_load %arg11[%get3A_41, %get3A_42] {strides = array<i32>} : memref<4x16xf32, #tpu.memory_space<vmem>>, vector<1x16xf32>,
      %get3A_44 = vector.shape_cast %get3A_43 : vector<1x16xf32> to vector<16xf32>
      %get3A_45 = arith.constant 2 : i32
      %get3A_46 = arith.index_cast %get3A_45 : i32 to index
      %get3A_47 = arith.constant 0 : index
      %get3A_48 = tpu.vector_load %arg11[%get3A_46, %get3A_47] {strides = array<i32>} : memref<4x16xf32, #tpu.memory_space<vmem>>, vector<1x16xf32>,
      %get3A_49 = vector.shape_cast %get3A_48 : vector<1x16xf32> to vector<16xf32>
      %get3A_50 = arith.constant 3 : i32
      %get3A_51 = arith.index_cast %get3A_50 : i32 to index
      %get3A_52 = arith.constant 0 : index
      %get3A_53 = tpu.vector_load %arg11[%get3A_51, %get3A_52] {strides = array<i32>} : memref<4x16xf32, #tpu.memory_space<vmem>>, vector<1x16xf32>,
      %get3A_54 = vector.shape_cast %get3A_53 : vector<1x16xf32> to vector<16xf32>
      %jit3A_55 = arith.constant 1.000000e+00 : f32
      %jit3A_56 = arith.constant 0.000000e+00 : f32
      %broadcast_in_dim3A_57 = vector.broadcast %jit3A_55 : f32 to vector<16xf32>
      %broadcast_in_dim3A_58 = vector.broadcast %jit3A_56 : f32 to vector<16xf32>
      %select_n3A_59 = arith.select %lt3A_5, %broadcast_in_dim3A_57, %broadcast_in_dim3A_58 : vector<16xi1>, vector<16xf32>
      %swap3A_60 = arith.constant 32752 : index
      %swap3A_61 = tpu.vector_load %arg9[%swap3A_60] {strides = array<i32>} : memref<32768xf32, #tpu.memory_space<vmem>>, vector<16xf32>,
      %swap3A_62 = vector.shape_cast %swap3A_61 : vector<16xf32> to vector<16xf32>
      %swap3A_63 = vector.shape_cast %select_n3A_59 : vector<16xf32> to vector<16xf32>
      tpu.vector_store %arg9[%swap3A_60], %swap3A_63 {strides = array<i32>} : memref<32768xf32, #tpu.memory_space<vmem>>, vector<16xf32>,
      %scan3A = arith.constant 0 : i32
      %scan3A_64 = arith.constant 255 : i32
      %scan3A_65 = arith.addi %scan3A, %scan3A_64 : i32
      %scan3A_66 = arith.constant 1 : i32
      %scan3A_67 = scf.for %scan3A_318 = %scan3A to %scan3A_65 step %scan3A_66 iter_args(%scan3A_319 = %select_n3A_59) -> (vector<16xf32>)  : i32 {
        %mul3A_320 = arith.constant 8 : i32
        %mul3A_321 = arith.muli %mul3A_320, %scan3A_318 : i32
        %sub3A = arith.constant 2046 : i32
        %sub3A_322 = arith.subi %sub3A, %mul3A_321 : i32
        %sub3A_323 = arith.constant 0 : i32
        %sub3A_324 = arith.subi %sub3A_322, %sub3A_323 : i32
        %add3A_325 = arith.constant 1 : i32
        %add3A_326 = arith.addi %sub3A_324, %add3A_325 : i32
        %mul3A_327 = arith.constant 8 : i32
        %mul3A_328 = arith.muli %mul3A_327, %add3A_326 : i32
        %get3A_329 = arith.index_cast %mul3A_328 : i32 to index
        %get3A_330 = tpu.vector_load %arg8[%get3A_329] {strides = array<i32>} : memref<16400xf32, #tpu.memory_space<vmem>>, vector<16xf32>,
        %get3A_331 = vector.shape_cast %get3A_330 : vector<16xf32> to vector<16xf32>
        %exp3A_332 = math.exp %get3A_331 : vector<16xf32>
        %mul3A_333 = arith.mulf %scan3A_319, %exp3A_332 : vector<16xf32>
        %mul3A_334 = arith.constant 16 : i32
        %mul3A_335 = arith.muli %mul3A_334, %sub3A_324 : i32
        %swap3A_336 = arith.index_cast %mul3A_335 : i32 to index
        %swap3A_337 = tpu.vector_load %arg10[%swap3A_336] {strides = array<i32>} : memref<32768xf32, #tpu.memory_space<vmem>>, vector<16xf32>,
        %swap3A_338 = vector.shape_cast %swap3A_337 : vector<16xf32> to vector<16xf32>
        %swap3A_339 = vector.shape_cast %mul3A_333 : vector<16xf32> to vector<16xf32>
        tpu.vector_store %arg10[%swap3A_336], %swap3A_339 {strides = array<i32>} : memref<32768xf32, #tpu.memory_space<vmem>>, vector<16xf32>,
        %broadcast_in_dim3A_340 = vector.shape_cast %select_n3A : vector<16xi32> to vector<16x1xi32>
        %gather3A_341 = vector.shape_cast %broadcast_in_dim3A_340 : vector<16x1xi32> to vector<16xi32>
        %gather3A_342 = tpu.dynamic_gather %mul3A_333[%gather3A_341] in [0] : vector<16xf32>, vector<16xi32> -> vector<16xf32>
        %mul3A_343 = arith.mulf %gather3A_342, %get3A_39 : vector<16xf32>
        %broadcast_in_dim3A_344 = vector.shape_cast %select_n3A_13 : vector<16xi32> to vector<16x1xi32>
        %gather3A_345 = vector.shape_cast %broadcast_in_dim3A_344 : vector<16x1xi32> to vector<16xi32>
        %gather3A_346 = tpu.dynamic_gather %mul3A_333[%gather3A_345] in [0] : vector<16xf32>, vector<16xi32> -> vector<16xf32>
        %mul3A_347 = arith.mulf %gather3A_346, %get3A_44 : vector<16xf32>
        %add3A_348 = arith.addf %mul3A_343, %mul3A_347 : vector<16xf32>
        %broadcast_in_dim3A_349 = vector.shape_cast %select_n3A_18 : vector<16xi32> to vector<16x1xi32>
        %gather3A_350 = vector.shape_cast %broadcast_in_dim3A_349 : vector<16x1xi32> to vector<16xi32>
        %gather3A_351 = tpu.dynamic_gather %mul3A_333[%gather3A_350] in [0] : vector<16xf32>, vector<16xi32> -> vector<16xf32>
        %mul3A_352 = arith.mulf %gather3A_351, %get3A_49 : vector<16xf32>
        %add3A_353 = arith.addf %add3A_348, %mul3A_352 : vector<16xf32>
        %broadcast_in_dim3A_354 = vector.shape_cast %select_n3A_23 : vector<16xi32> to vector<16x1xi32>
        %gather3A_355 = vector.shape_cast %broadcast_in_dim3A_354 : vector<16x1xi32> to vector<16xi32>
        %gather3A_356 = tpu.dynamic_gather %mul3A_333[%gather3A_355] in [0] : vector<16xf32>, vector<16xi32> -> vector<16xf32>
        %mul3A_357 = arith.mulf %gather3A_356, %get3A_54 : vector<16xf32>
        %add3A_358 = arith.addf %add3A_353, %mul3A_357 : vector<16xf32>
        %broadcast_in_dim3A_359 = vector.shape_cast %select_n3A_26 : vector<16xi32> to vector<16x1xi32>
        %gather3A_360 = vector.shape_cast %broadcast_in_dim3A_359 : vector<16x1xi32> to vector<16xi32>
        %gather3A_361 = tpu.dynamic_gather %add3A_358[%gather3A_360] in [0] : vector<16xf32>, vector<16xi32> -> vector<16xf32>
        %add3A_362 = arith.addf %add3A_358, %gather3A_361 : vector<16xf32>
        %mul3A_363 = arith.constant 16 : i32
        %mul3A_364 = arith.muli %mul3A_363, %sub3A_324 : i32
        %swap3A_365 = arith.index_cast %mul3A_364 : i32 to index
        %swap3A_366 = tpu.vector_load %arg9[%swap3A_365] {strides = array<i32>} : memref<32768xf32, #tpu.memory_space<vmem>>, vector<16xf32>,
        %swap3A_367 = vector.shape_cast %swap3A_366 : vector<16xf32> to vector<16xf32>
        %swap3A_368 = vector.shape_cast %add3A_362 : vector<16xf32> to vector<16xf32>
        tpu.vector_store %arg9[%swap3A_365], %swap3A_368 {strides = array<i32>} : memref<32768xf32, #tpu.memory_space<vmem>>, vector<16xf32>,
        %sub3A_369 = arith.constant 1 : i32
        %sub3A_370 = arith.subi %sub3A_322, %sub3A_369 : i32
        %add3A_371 = arith.constant 1 : i32
        %add3A_372 = arith.addi %sub3A_370, %add3A_371 : i32
        %mul3A_373 = arith.constant 8 : i32
        %mul3A_374 = arith.muli %mul3A_373, %add3A_372 : i32
        %get3A_375 = arith.index_cast %mul3A_374 : i32 to index
        %get3A_376 = tpu.vector_load %arg8[%get3A_375] {strides = array<i32>} : memref<16400xf32, #tpu.memory_space<vmem>>, vector<16xf32>,
        %get3A_377 = vector.shape_cast %get3A_376 : vector<16xf32> to vector<16xf32>
        %exp3A_378 = math.exp %get3A_377 : vector<16xf32>
        %mul3A_379 = arith.mulf %add3A_362, %exp3A_378 : vector<16xf32>
        %mul3A_380 = arith.constant 16 : i32
        %mul3A_381 = arith.muli %mul3A_380, %sub3A_370 : i32
        %swap3A_382 = arith.index_cast %mul3A_381 : i32 to index
        %swap3A_383 = tpu.vector_load %arg10[%swap3A_382] {strides = array<i32>} : memref<32768xf32, #tpu.memory_space<vmem>>, vector<16xf32>,
        %swap3A_384 = vector.shape_cast %swap3A_383 : vector<16xf32> to vector<16xf32>
        %swap3A_385 = vector.shape_cast %mul3A_379 : vector<16xf32> to vector<16xf32>
        tpu.vector_store %arg10[%swap3A_382], %swap3A_385 {strides = array<i32>} : memref<32768xf32, #tpu.memory_space<vmem>>, vector<16xf32>,
        %broadcast_in_dim3A_386 = vector.shape_cast %select_n3A : vector<16xi32> to vector<16x1xi32>
        %gather3A_387 = vector.shape_cast %broadcast_in_dim3A_386 : vector<16x1xi32> to vector<16xi32>
        %gather3A_388 = tpu.dynamic_gather %mul3A_379[%gather3A_387] in [0] : vector<16xf32>, vector<16xi32> -> vector<16xf32>
        %mul3A_389 = arith.mulf %gather3A_388, %get3A_39 : vector<16xf32>
        %broadcast_in_dim3A_390 = vector.shape_cast %select_n3A_13 : vector<16xi32> to vector<16x1xi32>
        %gather3A_391 = vector.shape_cast %broadcast_in_dim3A_390 : vector<16x1xi32> to vector<16xi32>
        %gather3A_392 = tpu.dynamic_gather %mul3A_379[%gather3A_391] in [0] : vector<16xf32>, vector<16xi32> -> vector<16xf32>
        %mul3A_393 = arith.mulf %gather3A_392, %get3A_44 : vector<16xf32>
        %add3A_394 = arith.addf %mul3A_389, %mul3A_393 : vector<16xf32>
        %broadcast_in_dim3A_395 = vector.shape_cast %select_n3A_18 : vector<16xi32> to vector<16x1xi32>
        %gather3A_396 = vector.shape_cast %broadcast_in_dim3A_395 : vector<16x1xi32> to vector<16xi32>
        %gather3A_397 = tpu.dynamic_gather %mul3A_379[%gather3A_396] in [0] : vector<16xf32>, vector<16xi32> -> vector<16xf32>
        %mul3A_398 = arith.mulf %gather3A_397, %get3A_49 : vector<16xf32>
        %add3A_399 = arith.addf %add3A_394, %mul3A_398 : vector<16xf32>
        %broadcast_in_dim3A_400 = vector.shape_cast %select_n3A_23 : vector<16xi32> to vector<16x1xi32>
        %gather3A_401 = vector.shape_cast %broadcast_in_dim3A_400 : vector<16x1xi32> to vector<16xi32>
        %gather3A_402 = tpu.dynamic_gather %mul3A_379[%gather3A_401] in [0] : vector<16xf32>, vector<16xi32> -> vector<16xf32>
        %mul3A_403 = arith.mulf %gather3A_402, %get3A_54 : vector<16xf32>
        %add3A_404 = arith.addf %add3A_399, %mul3A_403 : vector<16xf32>
        %broadcast_in_dim3A_405 = vector.shape_cast %select_n3A_26 : vector<16xi32> to vector<16x1xi32>
        %gather3A_406 = vector.shape_cast %broadcast_in_dim3A_405 : vector<16x1xi32> to vector<16xi32>
        %gather3A_407 = tpu.dynamic_gather %add3A_404[%gather3A_406] in [0] : vector<16xf32>, vector<16xi32> -> vector<16xf32>
        %add3A_408 = arith.addf %add3A_404, %gather3A_407 : vector<16xf32>
        %mul3A_409 = arith.constant 16 : i32
        %mul3A_410 = arith.muli %mul3A_409, %sub3A_370 : i32
        %swap3A_411 = arith.index_cast %mul3A_410 : i32 to index
        %swap3A_412 = tpu.vector_load %arg9[%swap3A_411] {strides = array<i32>} : memref<32768xf32, #tpu.memory_space<vmem>>, vector<16xf32>,
        %swap3A_413 = vector.shape_cast %swap3A_412 : vector<16xf32> to vector<16xf32>
        %swap3A_414 = vector.shape_cast %add3A_408 : vector<16xf32> to vector<16xf32>
        tpu.vector_store %arg9[%swap3A_411], %swap3A_414 {strides = array<i32>} : memref<32768xf32, #tpu.memory_space<vmem>>, vector<16xf32>,
        %sub3A_415 = arith.constant 2 : i32
        %sub3A_416 = arith.subi %sub3A_322, %sub3A_415 : i32
        %add3A_417 = arith.constant 1 : i32
        %add3A_418 = arith.addi %sub3A_416, %add3A_417 : i32
        %mul3A_419 = arith.constant 8 : i32
        %mul3A_420 = arith.muli %mul3A_419, %add3A_418 : i32
        %get3A_421 = arith.index_cast %mul3A_420 : i32 to index
        %get3A_422 = tpu.vector_load %arg8[%get3A_421] {strides = array<i32>} : memref<16400xf32, #tpu.memory_space<vmem>>, vector<16xf32>,
        %get3A_423 = vector.shape_cast %get3A_422 : vector<16xf32> to vector<16xf32>
        %exp3A_424 = math.exp %get3A_423 : vector<16xf32>
        %mul3A_425 = arith.mulf %add3A_408, %exp3A_424 : vector<16xf32>
        %mul3A_426 = arith.constant 16 : i32
        %mul3A_427 = arith.muli %mul3A_426, %sub3A_416 : i32
        %swap3A_428 = arith.index_cast %mul3A_427 : i32 to index
        %swap3A_429 = tpu.vector_load %arg10[%swap3A_428] {strides = array<i32>} : memref<32768xf32, #tpu.memory_space<vmem>>, vector<16xf32>,
        %swap3A_430 = vector.shape_cast %swap3A_429 : vector<16xf32> to vector<16xf32>
        %swap3A_431 = vector.shape_cast %mul3A_425 : vector<16xf32> to vector<16xf32>
        tpu.vector_store %arg10[%swap3A_428], %swap3A_431 {strides = array<i32>} : memref<32768xf32, #tpu.memory_space<vmem>>, vector<16xf32>,
        %broadcast_in_dim3A_432 = vector.shape_cast %select_n3A : vector<16xi32> to vector<16x1xi32>
        %gather3A_433 = vector.shape_cast %broadcast_in_dim3A_432 : vector<16x1xi32> to vector<16xi32>
        %gather3A_434 = tpu.dynamic_gather %mul3A_425[%gather3A_433] in [0] : vector<16xf32>, vector<16xi32> -> vector<16xf32>
        %mul3A_435 = arith.mulf %gather3A_434, %get3A_39 : vector<16xf32>
        %broadcast_in_dim3A_436 = vector.shape_cast %select_n3A_13 : vector<16xi32> to vector<16x1xi32>
        %gather3A_437 = vector.shape_cast %broadcast_in_dim3A_436 : vector<16x1xi32> to vector<16xi32>
        %gather3A_438 = tpu.dynamic_gather %mul3A_425[%gather3A_437] in [0] : vector<16xf32>, vector<16xi32> -> vector<16xf32>
        %mul3A_439 = arith.mulf %gather3A_438, %get3A_44 : vector<16xf32>
        %add3A_440 = arith.addf %mul3A_435, %mul3A_439 : vector<16xf32>
        %broadcast_in_dim3A_441 = vector.shape_cast %select_n3A_18 : vector<16xi32> to vector<16x1xi32>
        %gather3A_442 = vector.shape_cast %broadcast_in_dim3A_441 : vector<16x1xi32> to vector<16xi32>
        %gather3A_443 = tpu.dynamic_gather %mul3A_425[%gather3A_442] in [0] : vector<16xf32>, vector<16xi32> -> vector<16xf32>
        %mul3A_444 = arith.mulf %gather3A_443, %get3A_49 : vector<16xf32>
        %add3A_445 = arith.addf %add3A_440, %mul3A_444 : vector<16xf32>
        %broadcast_in_dim3A_446 = vector.shape_cast %select_n3A_23 : vector<16xi32> to vector<16x1xi32>
        %gather3A_447 = vector.shape_cast %broadcast_in_dim3A_446 : vector<16x1xi32> to vector<16xi32>
        %gather3A_448 = tpu.dynamic_gather %mul3A_425[%gather3A_447] in [0] : vector<16xf32>, vector<16xi32> -> vector<16xf32>
        %mul3A_449 = arith.mulf %gather3A_448, %get3A_54 : vector<16xf32>
        %add3A_450 = arith.addf %add3A_445, %mul3A_449 : vector<16xf32>
        %broadcast_in_dim3A_451 = vector.shape_cast %select_n3A_26 : vector<16xi32> to vector<16x1xi32>
        %gather3A_452 = vector.shape_cast %broadcast_in_dim3A_451 : vector<16x1xi32> to vector<16xi32>
        %gather3A_453 = tpu.dynamic_gather %add3A_450[%gather3A_452] in [0] : vector<16xf32>, vector<16xi32> -> vector<16xf32>
        %add3A_454 = arith.addf %add3A_450, %gather3A_453 : vector<16xf32>
        %mul3A_455 = arith.constant 16 : i32
        %mul3A_456 = arith.muli %mul3A_455, %sub3A_416 : i32
        %swap3A_457 = arith.index_cast %mul3A_456 : i32 to index
        %swap3A_458 = tpu.vector_load %arg9[%swap3A_457] {strides = array<i32>} : memref<32768xf32, #tpu.memory_space<vmem>>, vector<16xf32>,
        %swap3A_459 = vector.shape_cast %swap3A_458 : vector<16xf32> to vector<16xf32>
        %swap3A_460 = vector.shape_cast %add3A_454 : vector<16xf32> to vector<16xf32>
        tpu.vector_store %arg9[%swap3A_457], %swap3A_460 {strides = array<i32>} : memref<32768xf32, #tpu.memory_space<vmem>>, vector<16xf32>,
        %sub3A_461 = arith.constant 3 : i32
        %sub3A_462 = arith.subi %sub3A_322, %sub3A_461 : i32
        %add3A_463 = arith.constant 1 : i32
        %add3A_464 = arith.addi %sub3A_462, %add3A_463 : i32
        %mul3A_465 = arith.constant 8 : i32
        %mul3A_466 = arith.muli %mul3A_465, %add3A_464 : i32
        %get3A_467 = arith.index_cast %mul3A_466 : i32 to index
        %get3A_468 = tpu.vector_load %arg8[%get3A_467] {strides = array<i32>} : memref<16400xf32, #tpu.memory_space<vmem>>, vector<16xf32>,
        %get3A_469 = vector.shape_cast %get3A_468 : vector<16xf32> to vector<16xf32>
        %exp3A_470 = math.exp %get3A_469 : vector<16xf32>
        %mul3A_471 = arith.mulf %add3A_454, %exp3A_470 : vector<16xf32>
        %mul3A_472 = arith.constant 16 : i32
        %mul3A_473 = arith.muli %mul3A_472, %sub3A_462 : i32
        %swap3A_474 = arith.index_cast %mul3A_473 : i32 to index
        %swap3A_475 = tpu.vector_load %arg10[%swap3A_474] {strides = array<i32>} : memref<32768xf32, #tpu.memory_space<vmem>>, vector<16xf32>,
        %swap3A_476 = vector.shape_cast %swap3A_475 : vector<16xf32> to vector<16xf32>
        %swap3A_477 = vector.shape_cast %mul3A_471 : vector<16xf32> to vector<16xf32>
        tpu.vector_store %arg10[%swap3A_474], %swap3A_477 {strides = array<i32>} : memref<32768xf32, #tpu.memory_space<vmem>>, vector<16xf32>,
        %broadcast_in_dim3A_478 = vector.shape_cast %select_n3A : vector<16xi32> to vector<16x1xi32>
        %gather3A_479 = vector.shape_cast %broadcast_in_dim3A_478 : vector<16x1xi32> to vector<16xi32>
        %gather3A_480 = tpu.dynamic_gather %mul3A_471[%gather3A_479] in [0] : vector<16xf32>, vector<16xi32> -> vector<16xf32>
        %mul3A_481 = arith.mulf %gather3A_480, %get3A_39 : vector<16xf32>
        %broadcast_in_dim3A_482 = vector.shape_cast %select_n3A_13 : vector<16xi32> to vector<16x1xi32>
        %gather3A_483 = vector.shape_cast %broadcast_in_dim3A_482 : vector<16x1xi32> to vector<16xi32>
        %gather3A_484 = tpu.dynamic_gather %mul3A_471[%gather3A_483] in [0] : vector<16xf32>, vector<16xi32> -> vector<16xf32>
        %mul3A_485 = arith.mulf %gather3A_484, %get3A_44 : vector<16xf32>
        %add3A_486 = arith.addf %mul3A_481, %mul3A_485 : vector<16xf32>
        %broadcast_in_dim3A_487 = vector.shape_cast %select_n3A_18 : vector<16xi32> to vector<16x1xi32>
        %gather3A_488 = vector.shape_cast %broadcast_in_dim3A_487 : vector<16x1xi32> to vector<16xi32>
        %gather3A_489 = tpu.dynamic_gather %mul3A_471[%gather3A_488] in [0] : vector<16xf32>, vector<16xi32> -> vector<16xf32>
        %mul3A_490 = arith.mulf %gather3A_489, %get3A_49 : vector<16xf32>
        %add3A_491 = arith.addf %add3A_486, %mul3A_490 : vector<16xf32>
        %broadcast_in_dim3A_492 = vector.shape_cast %select_n3A_23 : vector<16xi32> to vector<16x1xi32>
        %gather3A_493 = vector.shape_cast %broadcast_in_dim3A_492 : vector<16x1xi32> to vector<16xi32>
        %gather3A_494 = tpu.dynamic_gather %mul3A_471[%gather3A_493] in [0] : vector<16xf32>, vector<16xi32> -> vector<16xf32>
        %mul3A_495 = arith.mulf %gather3A_494, %get3A_54 : vector<16xf32>
        %add3A_496 = arith.addf %add3A_491, %mul3A_495 : vector<16xf32>
        %broadcast_in_dim3A_497 = vector.shape_cast %select_n3A_26 : vector<16xi32> to vector<16x1xi32>
        %gather3A_498 = vector.shape_cast %broadcast_in_dim3A_497 : vector<16x1xi32> to vector<16xi32>
        %gather3A_499 = tpu.dynamic_gather %add3A_496[%gather3A_498] in [0] : vector<16xf32>, vector<16xi32> -> vector<16xf32>
        %add3A_500 = arith.addf %add3A_496, %gather3A_499 : vector<16xf32>
        %mul3A_501 = arith.constant 16 : i32
        %mul3A_502 = arith.muli %mul3A_501, %sub3A_462 : i32
        %swap3A_503 = arith.index_cast %mul3A_502 : i32 to index
        %swap3A_504 = tpu.vector_load %arg9[%swap3A_503] {strides = array<i32>} : memref<32768xf32, #tpu.memory_space<vmem>>, vector<16xf32>,
        %swap3A_505 = vector.shape_cast %swap3A_504 : vector<16xf32> to vector<16xf32>
        %swap3A_506 = vector.shape_cast %add3A_500 : vector<16xf32> to vector<16xf32>
        tpu.vector_store %arg9[%swap3A_503], %swap3A_506 {strides = array<i32>} : memref<32768xf32, #tpu.memory_space<vmem>>, vector<16xf32>,
        %sub3A_507 = arith.constant 4 : i32
        %sub3A_508 = arith.subi %sub3A_322, %sub3A_507 : i32
        %add3A_509 = arith.constant 1 : i32
        %add3A_510 = arith.addi %sub3A_508, %add3A_509 : i32
        %mul3A_511 = arith.constant 8 : i32
        %mul3A_512 = arith.muli %mul3A_511, %add3A_510 : i32
        %get3A_513 = arith.index_cast %mul3A_512 : i32 to index
        %get3A_514 = tpu.vector_load %arg8[%get3A_513] {strides = array<i32>} : memref<16400xf32, #tpu.memory_space<vmem>>, vector<16xf32>,
        %get3A_515 = vector.shape_cast %get3A_514 : vector<16xf32> to vector<16xf32>
        %exp3A_516 = math.exp %get3A_515 : vector<16xf32>
        %mul3A_517 = arith.mulf %add3A_500, %exp3A_516 : vector<16xf32>
        %mul3A_518 = arith.constant 16 : i32
        %mul3A_519 = arith.muli %mul3A_518, %sub3A_508 : i32
        %swap3A_520 = arith.index_cast %mul3A_519 : i32 to index
        %swap3A_521 = tpu.vector_load %arg10[%swap3A_520] {strides = array<i32>} : memref<32768xf32, #tpu.memory_space<vmem>>, vector<16xf32>,
        %swap3A_522 = vector.shape_cast %swap3A_521 : vector<16xf32> to vector<16xf32>
        %swap3A_523 = vector.shape_cast %mul3A_517 : vector<16xf32> to vector<16xf32>
        tpu.vector_store %arg10[%swap3A_520], %swap3A_523 {strides = array<i32>} : memref<32768xf32, #tpu.memory_space<vmem>>, vector<16xf32>,
        %broadcast_in_dim3A_524 = vector.shape_cast %select_n3A : vector<16xi32> to vector<16x1xi32>
        %gather3A_525 = vector.shape_cast %broadcast_in_dim3A_524 : vector<16x1xi32> to vector<16xi32>
        %gather3A_526 = tpu.dynamic_gather %mul3A_517[%gather3A_525] in [0] : vector<16xf32>, vector<16xi32> -> vector<16xf32>
        %mul3A_527 = arith.mulf %gather3A_526, %get3A_39 : vector<16xf32>
        %broadcast_in_dim3A_528 = vector.shape_cast %select_n3A_13 : vector<16xi32> to vector<16x1xi32>
        %gather3A_529 = vector.shape_cast %broadcast_in_dim3A_528 : vector<16x1xi32> to vector<16xi32>
        %gather3A_530 = tpu.dynamic_gather %mul3A_517[%gather3A_529] in [0] : vector<16xf32>, vector<16xi32> -> vector<16xf32>
        %mul3A_531 = arith.mulf %gather3A_530, %get3A_44 : vector<16xf32>
        %add3A_532 = arith.addf %mul3A_527, %mul3A_531 : vector<16xf32>
        %broadcast_in_dim3A_533 = vector.shape_cast %select_n3A_18 : vector<16xi32> to vector<16x1xi32>
        %gather3A_534 = vector.shape_cast %broadcast_in_dim3A_533 : vector<16x1xi32> to vector<16xi32>
        %gather3A_535 = tpu.dynamic_gather %mul3A_517[%gather3A_534] in [0] : vector<16xf32>, vector<16xi32> -> vector<16xf32>
        %mul3A_536 = arith.mulf %gather3A_535, %get3A_49 : vector<16xf32>
        %add3A_537 = arith.addf %add3A_532, %mul3A_536 : vector<16xf32>
        %broadcast_in_dim3A_538 = vector.shape_cast %select_n3A_23 : vector<16xi32> to vector<16x1xi32>
        %gather3A_539 = vector.shape_cast %broadcast_in_dim3A_538 : vector<16x1xi32> to vector<16xi32>
        %gather3A_540 = tpu.dynamic_gather %mul3A_517[%gather3A_539] in [0] : vector<16xf32>, vector<16xi32> -> vector<16xf32>
        %mul3A_541 = arith.mulf %gather3A_540, %get3A_54 : vector<16xf32>
        %add3A_542 = arith.addf %add3A_537, %mul3A_541 : vector<16xf32>
        %broadcast_in_dim3A_543 = vector.shape_cast %select_n3A_26 : vector<16xi32> to vector<16x1xi32>
        %gather3A_544 = vector.shape_cast %broadcast_in_dim3A_543 : vector<16x1xi32> to vector<16xi32>
        %gather3A_545 = tpu.dynamic_gather %add3A_542[%gather3A_544] in [0] : vector<16xf32>, vector<16xi32> -> vector<16xf32>
        %add3A_546 = arith.addf %add3A_542, %gather3A_545 : vector<16xf32>
        %mul3A_547 = arith.constant 16 : i32
        %mul3A_548 = arith.muli %mul3A_547, %sub3A_508 : i32
        %swap3A_549 = arith.index_cast %mul3A_548 : i32 to index
        %swap3A_550 = tpu.vector_load %arg9[%swap3A_549] {strides = array<i32>} : memref<32768xf32, #tpu.memory_space<vmem>>, vector<16xf32>,
        %swap3A_551 = vector.shape_cast %swap3A_550 : vector<16xf32> to vector<16xf32>
        %swap3A_552 = vector.shape_cast %add3A_546 : vector<16xf32> to vector<16xf32>
        tpu.vector_store %arg9[%swap3A_549], %swap3A_552 {strides = array<i32>} : memref<32768xf32, #tpu.memory_space<vmem>>, vector<16xf32>,
        %sub3A_553 = arith.constant 5 : i32
        %sub3A_554 = arith.subi %sub3A_322, %sub3A_553 : i32
        %add3A_555 = arith.constant 1 : i32
        %add3A_556 = arith.addi %sub3A_554, %add3A_555 : i32
        %mul3A_557 = arith.constant 8 : i32
        %mul3A_558 = arith.muli %mul3A_557, %add3A_556 : i32
        %get3A_559 = arith.index_cast %mul3A_558 : i32 to index
        %get3A_560 = tpu.vector_load %arg8[%get3A_559] {strides = array<i32>} : memref<16400xf32, #tpu.memory_space<vmem>>, vector<16xf32>,
        %get3A_561 = vector.shape_cast %get3A_560 : vector<16xf32> to vector<16xf32>
        %exp3A_562 = math.exp %get3A_561 : vector<16xf32>
        %mul3A_563 = arith.mulf %add3A_546, %exp3A_562 : vector<16xf32>
        %mul3A_564 = arith.constant 16 : i32
        %mul3A_565 = arith.muli %mul3A_564, %sub3A_554 : i32
        %swap3A_566 = arith.index_cast %mul3A_565 : i32 to index
        %swap3A_567 = tpu.vector_load %arg10[%swap3A_566] {strides = array<i32>} : memref<32768xf32, #tpu.memory_space<vmem>>, vector<16xf32>,
        %swap3A_568 = vector.shape_cast %swap3A_567 : vector<16xf32> to vector<16xf32>
        %swap3A_569 = vector.shape_cast %mul3A_563 : vector<16xf32> to vector<16xf32>
        tpu.vector_store %arg10[%swap3A_566], %swap3A_569 {strides = array<i32>} : memref<32768xf32, #tpu.memory_space<vmem>>, vector<16xf32>,
        %broadcast_in_dim3A_570 = vector.shape_cast %select_n3A : vector<16xi32> to vector<16x1xi32>
        %gather3A_571 = vector.shape_cast %broadcast_in_dim3A_570 : vector<16x1xi32> to vector<16xi32>
        %gather3A_572 = tpu.dynamic_gather %mul3A_563[%gather3A_571] in [0] : vector<16xf32>, vector<16xi32> -> vector<16xf32>
        %mul3A_573 = arith.mulf %gather3A_572, %get3A_39 : vector<16xf32>
        %broadcast_in_dim3A_574 = vector.shape_cast %select_n3A_13 : vector<16xi32> to vector<16x1xi32>
        %gather3A_575 = vector.shape_cast %broadcast_in_dim3A_574 : vector<16x1xi32> to vector<16xi32>
        %gather3A_576 = tpu.dynamic_gather %mul3A_563[%gather3A_575] in [0] : vector<16xf32>, vector<16xi32> -> vector<16xf32>
        %mul3A_577 = arith.mulf %gather3A_576, %get3A_44 : vector<16xf32>
        %add3A_578 = arith.addf %mul3A_573, %mul3A_577 : vector<16xf32>
        %broadcast_in_dim3A_579 = vector.shape_cast %select_n3A_18 : vector<16xi32> to vector<16x1xi32>
        %gather3A_580 = vector.shape_cast %broadcast_in_dim3A_579 : vector<16x1xi32> to vector<16xi32>
        %gather3A_581 = tpu.dynamic_gather %mul3A_563[%gather3A_580] in [0] : vector<16xf32>, vector<16xi32> -> vector<16xf32>
        %mul3A_582 = arith.mulf %gather3A_581, %get3A_49 : vector<16xf32>
        %add3A_583 = arith.addf %add3A_578, %mul3A_582 : vector<16xf32>
        %broadcast_in_dim3A_584 = vector.shape_cast %select_n3A_23 : vector<16xi32> to vector<16x1xi32>
        %gather3A_585 = vector.shape_cast %broadcast_in_dim3A_584 : vector<16x1xi32> to vector<16xi32>
        %gather3A_586 = tpu.dynamic_gather %mul3A_563[%gather3A_585] in [0] : vector<16xf32>, vector<16xi32> -> vector<16xf32>
        %mul3A_587 = arith.mulf %gather3A_586, %get3A_54 : vector<16xf32>
        %add3A_588 = arith.addf %add3A_583, %mul3A_587 : vector<16xf32>
        %broadcast_in_dim3A_589 = vector.shape_cast %select_n3A_26 : vector<16xi32> to vector<16x1xi32>
        %gather3A_590 = vector.shape_cast %broadcast_in_dim3A_589 : vector<16x1xi32> to vector<16xi32>
        %gather3A_591 = tpu.dynamic_gather %add3A_588[%gather3A_590] in [0] : vector<16xf32>, vector<16xi32> -> vector<16xf32>
        %add3A_592 = arith.addf %add3A_588, %gather3A_591 : vector<16xf32>
        %mul3A_593 = arith.constant 16 : i32
        %mul3A_594 = arith.muli %mul3A_593, %sub3A_554 : i32
        %swap3A_595 = arith.index_cast %mul3A_594 : i32 to index
        %swap3A_596 = tpu.vector_load %arg9[%swap3A_595] {strides = array<i32>} : memref<32768xf32, #tpu.memory_space<vmem>>, vector<16xf32>,
        %swap3A_597 = vector.shape_cast %swap3A_596 : vector<16xf32> to vector<16xf32>
        %swap3A_598 = vector.shape_cast %add3A_592 : vector<16xf32> to vector<16xf32>
        tpu.vector_store %arg9[%swap3A_595], %swap3A_598 {strides = array<i32>} : memref<32768xf32, #tpu.memory_space<vmem>>, vector<16xf32>,
        %sub3A_599 = arith.constant 6 : i32
        %sub3A_600 = arith.subi %sub3A_322, %sub3A_599 : i32
        %add3A_601 = arith.constant 1 : i32
        %add3A_602 = arith.addi %sub3A_600, %add3A_601 : i32
        %mul3A_603 = arith.constant 8 : i32
        %mul3A_604 = arith.muli %mul3A_603, %add3A_602 : i32
        %get3A_605 = arith.index_cast %mul3A_604 : i32 to index
        %get3A_606 = tpu.vector_load %arg8[%get3A_605] {strides = array<i32>} : memref<16400xf32, #tpu.memory_space<vmem>>, vector<16xf32>,
        %get3A_607 = vector.shape_cast %get3A_606 : vector<16xf32> to vector<16xf32>
        %exp3A_608 = math.exp %get3A_607 : vector<16xf32>
        %mul3A_609 = arith.mulf %add3A_592, %exp3A_608 : vector<16xf32>
        %mul3A_610 = arith.constant 16 : i32
        %mul3A_611 = arith.muli %mul3A_610, %sub3A_600 : i32
        %swap3A_612 = arith.index_cast %mul3A_611 : i32 to index
        %swap3A_613 = tpu.vector_load %arg10[%swap3A_612] {strides = array<i32>} : memref<32768xf32, #tpu.memory_space<vmem>>, vector<16xf32>,
        %swap3A_614 = vector.shape_cast %swap3A_613 : vector<16xf32> to vector<16xf32>
        %swap3A_615 = vector.shape_cast %mul3A_609 : vector<16xf32> to vector<16xf32>
        tpu.vector_store %arg10[%swap3A_612], %swap3A_615 {strides = array<i32>} : memref<32768xf32, #tpu.memory_space<vmem>>, vector<16xf32>,
        %broadcast_in_dim3A_616 = vector.shape_cast %select_n3A : vector<16xi32> to vector<16x1xi32>
        %gather3A_617 = vector.shape_cast %broadcast_in_dim3A_616 : vector<16x1xi32> to vector<16xi32>
        %gather3A_618 = tpu.dynamic_gather %mul3A_609[%gather3A_617] in [0] : vector<16xf32>, vector<16xi32> -> vector<16xf32>
        %mul3A_619 = arith.mulf %gather3A_618, %get3A_39 : vector<16xf32>
        %broadcast_in_dim3A_620 = vector.shape_cast %select_n3A_13 : vector<16xi32> to vector<16x1xi32>
        %gather3A_621 = vector.shape_cast %broadcast_in_dim3A_620 : vector<16x1xi32> to vector<16xi32>
        %gather3A_622 = tpu.dynamic_gather %mul3A_609[%gather3A_621] in [0] : vector<16xf32>, vector<16xi32> -> vector<16xf32>
        %mul3A_623 = arith.mulf %gather3A_622, %get3A_44 : vector<16xf32>
        %add3A_624 = arith.addf %mul3A_619, %mul3A_623 : vector<16xf32>
        %broadcast_in_dim3A_625 = vector.shape_cast %select_n3A_18 : vector<16xi32> to vector<16x1xi32>
        %gather3A_626 = vector.shape_cast %broadcast_in_dim3A_625 : vector<16x1xi32> to vector<16xi32>
        %gather3A_627 = tpu.dynamic_gather %mul3A_609[%gather3A_626] in [0] : vector<16xf32>, vector<16xi32> -> vector<16xf32>
        %mul3A_628 = arith.mulf %gather3A_627, %get3A_49 : vector<16xf32>
        %add3A_629 = arith.addf %add3A_624, %mul3A_628 : vector<16xf32>
        %broadcast_in_dim3A_630 = vector.shape_cast %select_n3A_23 : vector<16xi32> to vector<16x1xi32>
        %gather3A_631 = vector.shape_cast %broadcast_in_dim3A_630 : vector<16x1xi32> to vector<16xi32>
        %gather3A_632 = tpu.dynamic_gather %mul3A_609[%gather3A_631] in [0] : vector<16xf32>, vector<16xi32> -> vector<16xf32>
        %mul3A_633 = arith.mulf %gather3A_632, %get3A_54 : vector<16xf32>
        %add3A_634 = arith.addf %add3A_629, %mul3A_633 : vector<16xf32>
        %broadcast_in_dim3A_635 = vector.shape_cast %select_n3A_26 : vector<16xi32> to vector<16x1xi32>
        %gather3A_636 = vector.shape_cast %broadcast_in_dim3A_635 : vector<16x1xi32> to vector<16xi32>
        %gather3A_637 = tpu.dynamic_gather %add3A_634[%gather3A_636] in [0] : vector<16xf32>, vector<16xi32> -> vector<16xf32>
        %add3A_638 = arith.addf %add3A_634, %gather3A_637 : vector<16xf32>
        %mul3A_639 = arith.constant 16 : i32
        %mul3A_640 = arith.muli %mul3A_639, %sub3A_600 : i32
        %swap3A_641 = arith.index_cast %mul3A_640 : i32 to index
        %swap3A_642 = tpu.vector_load %arg9[%swap3A_641] {strides = array<i32>} : memref<32768xf32, #tpu.memory_space<vmem>>, vector<16xf32>,
        %swap3A_643 = vector.shape_cast %swap3A_642 : vector<16xf32> to vector<16xf32>
        %swap3A_644 = vector.shape_cast %add3A_638 : vector<16xf32> to vector<16xf32>
        tpu.vector_store %arg9[%swap3A_641], %swap3A_644 {strides = array<i32>} : memref<32768xf32, #tpu.memory_space<vmem>>, vector<16xf32>,
        %sub3A_645 = arith.constant 7 : i32
        %sub3A_646 = arith.subi %sub3A_322, %sub3A_645 : i32
        %add3A_647 = arith.constant 1 : i32
        %add3A_648 = arith.addi %sub3A_646, %add3A_647 : i32
        %mul3A_649 = arith.constant 8 : i32
        %mul3A_650 = arith.muli %mul3A_649, %add3A_648 : i32
        %get3A_651 = arith.index_cast %mul3A_650 : i32 to index
        %get3A_652 = tpu.vector_load %arg8[%get3A_651] {strides = array<i32>} : memref<16400xf32, #tpu.memory_space<vmem>>, vector<16xf32>,
        %get3A_653 = vector.shape_cast %get3A_652 : vector<16xf32> to vector<16xf32>
        %exp3A_654 = math.exp %get3A_653 : vector<16xf32>
        %mul3A_655 = arith.mulf %add3A_638, %exp3A_654 : vector<16xf32>
        %mul3A_656 = arith.constant 16 : i32
        %mul3A_657 = arith.muli %mul3A_656, %sub3A_646 : i32
        %swap3A_658 = arith.index_cast %mul3A_657 : i32 to index
        %swap3A_659 = tpu.vector_load %arg10[%swap3A_658] {strides = array<i32>} : memref<32768xf32, #tpu.memory_space<vmem>>, vector<16xf32>,
        %swap3A_660 = vector.shape_cast %swap3A_659 : vector<16xf32> to vector<16xf32>
        %swap3A_661 = vector.shape_cast %mul3A_655 : vector<16xf32> to vector<16xf32>
        tpu.vector_store %arg10[%swap3A_658], %swap3A_661 {strides = array<i32>} : memref<32768xf32, #tpu.memory_space<vmem>>, vector<16xf32>,
        %broadcast_in_dim3A_662 = vector.shape_cast %select_n3A : vector<16xi32> to vector<16x1xi32>
        %gather3A_663 = vector.shape_cast %broadcast_in_dim3A_662 : vector<16x1xi32> to vector<16xi32>
        %gather3A_664 = tpu.dynamic_gather %mul3A_655[%gather3A_663] in [0] : vector<16xf32>, vector<16xi32> -> vector<16xf32>
        %mul3A_665 = arith.mulf %gather3A_664, %get3A_39 : vector<16xf32>
        %broadcast_in_dim3A_666 = vector.shape_cast %select_n3A_13 : vector<16xi32> to vector<16x1xi32>
        %gather3A_667 = vector.shape_cast %broadcast_in_dim3A_666 : vector<16x1xi32> to vector<16xi32>
        %gather3A_668 = tpu.dynamic_gather %mul3A_655[%gather3A_667] in [0] : vector<16xf32>, vector<16xi32> -> vector<16xf32>
        %mul3A_669 = arith.mulf %gather3A_668, %get3A_44 : vector<16xf32>
        %add3A_670 = arith.addf %mul3A_665, %mul3A_669 : vector<16xf32>
        %broadcast_in_dim3A_671 = vector.shape_cast %select_n3A_18 : vector<16xi32> to vector<16x1xi32>
        %gather3A_672 = vector.shape_cast %broadcast_in_dim3A_671 : vector<16x1xi32> to vector<16xi32>
        %gather3A_673 = tpu.dynamic_gather %mul3A_655[%gather3A_672] in [0] : vector<16xf32>, vector<16xi32> -> vector<16xf32>
        %mul3A_674 = arith.mulf %gather3A_673, %get3A_49 : vector<16xf32>
        %add3A_675 = arith.addf %add3A_670, %mul3A_674 : vector<16xf32>
        %broadcast_in_dim3A_676 = vector.shape_cast %select_n3A_23 : vector<16xi32> to vector<16x1xi32>
        %gather3A_677 = vector.shape_cast %broadcast_in_dim3A_676 : vector<16x1xi32> to vector<16xi32>
        %gather3A_678 = tpu.dynamic_gather %mul3A_655[%gather3A_677] in [0] : vector<16xf32>, vector<16xi32> -> vector<16xf32>
        %mul3A_679 = arith.mulf %gather3A_678, %get3A_54 : vector<16xf32>
        %add3A_680 = arith.addf %add3A_675, %mul3A_679 : vector<16xf32>
        %broadcast_in_dim3A_681 = vector.shape_cast %select_n3A_26 : vector<16xi32> to vector<16x1xi32>
        %gather3A_682 = vector.shape_cast %broadcast_in_dim3A_681 : vector<16x1xi32> to vector<16xi32>
        %gather3A_683 = tpu.dynamic_gather %add3A_680[%gather3A_682] in [0] : vector<16xf32>, vector<16xi32> -> vector<16xf32>
        %add3A_684 = arith.addf %add3A_680, %gather3A_683 : vector<16xf32>
        %mul3A_685 = arith.constant 16 : i32
        %mul3A_686 = arith.muli %mul3A_685, %sub3A_646 : i32
        %swap3A_687 = arith.index_cast %mul3A_686 : i32 to index
        %swap3A_688 = tpu.vector_load %arg9[%swap3A_687] {strides = array<i32>} : memref<32768xf32, #tpu.memory_space<vmem>>, vector<16xf32>,
        %swap3A_689 = vector.shape_cast %swap3A_688 : vector<16xf32> to vector<16xf32>
        %swap3A_690 = vector.shape_cast %add3A_684 : vector<16xf32> to vector<16xf32>
        tpu.vector_store %arg9[%swap3A_687], %swap3A_690 {strides = array<i32>} : memref<32768xf32, #tpu.memory_space<vmem>>, vector<16xf32>,
        %broadcast_in_dim3A_691 = vector.shape_cast %broadcast_in_dim3A_28 : vector<16xi32> to vector<16x1xi32>
        %gather3A_692 = vector.shape_cast %broadcast_in_dim3A_691 : vector<16x1xi32> to vector<16xi32>
        %gather3A_693 = tpu.dynamic_gather %add3A_684[%gather3A_692] in [0] : vector<16xf32>, vector<16xi32> -> vector<16xf32>
        %div3A = arith.divf %add3A_684, %gather3A_693 : vector<16xf32>
        scf.yield %div3A : vector<16xf32>
      }
      %scan3A_68 = arith.constant 255 : i32
      %get3A_69 = arith.constant 56 : index
      %get3A_70 = tpu.vector_load %arg8[%get3A_69] {strides = array<i32>} : memref<16400xf32, #tpu.memory_space<vmem>>, vector<16xf32>,
      %get3A_71 = vector.shape_cast %get3A_70 : vector<16xf32> to vector<16xf32>
      %exp3A = math.exp %get3A_71 : vector<16xf32>
      %mul3A = arith.mulf %scan3A_67, %exp3A : vector<16xf32>
      %swap3A_72 = arith.constant 96 : index
      %swap3A_73 = tpu.vector_load %arg10[%swap3A_72] {strides = array<i32>} : memref<32768xf32, #tpu.memory_space<vmem>>, vector<16xf32>,
      %swap3A_74 = vector.shape_cast %swap3A_73 : vector<16xf32> to vector<16xf32>
      %swap3A_75 = vector.shape_cast %mul3A : vector<16xf32> to vector<16xf32>
      tpu.vector_store %arg10[%swap3A_72], %swap3A_75 {strides = array<i32>} : memref<32768xf32, #tpu.memory_space<vmem>>, vector<16xf32>,
      %broadcast_in_dim3A_76 = vector.shape_cast %select_n3A : vector<16xi32> to vector<16x1xi32>
      %gather3A = vector.shape_cast %broadcast_in_dim3A_76 : vector<16x1xi32> to vector<16xi32>
      %gather3A_77 = tpu.dynamic_gather %mul3A[%gather3A] in [0] : vector<16xf32>, vector<16xi32> -> vector<16xf32>
      %mul3A_78 = arith.mulf %gather3A_77, %get3A_39 : vector<16xf32>
      %broadcast_in_dim3A_79 = vector.shape_cast %select_n3A_13 : vector<16xi32> to vector<16x1xi32>
      %gather3A_80 = vector.shape_cast %broadcast_in_dim3A_79 : vector<16x1xi32> to vector<16xi32>
      %gather3A_81 = tpu.dynamic_gather %mul3A[%gather3A_80] in [0] : vector<16xf32>, vector<16xi32> -> vector<16xf32>
      %mul3A_82 = arith.mulf %gather3A_81, %get3A_44 : vector<16xf32>
      %add3A_83 = arith.addf %mul3A_78, %mul3A_82 : vector<16xf32>
      %broadcast_in_dim3A_84 = vector.shape_cast %select_n3A_18 : vector<16xi32> to vector<16x1xi32>
      %gather3A_85 = vector.shape_cast %broadcast_in_dim3A_84 : vector<16x1xi32> to vector<16xi32>
      %gather3A_86 = tpu.dynamic_gather %mul3A[%gather3A_85] in [0] : vector<16xf32>, vector<16xi32> -> vector<16xf32>
      %mul3A_87 = arith.mulf %gather3A_86, %get3A_49 : vector<16xf32>
      %add3A_88 = arith.addf %add3A_83, %mul3A_87 : vector<16xf32>
      %broadcast_in_dim3A_89 = vector.shape_cast %select_n3A_23 : vector<16xi32> to vector<16x1xi32>
      %gather3A_90 = vector.shape_cast %broadcast_in_dim3A_89 : vector<16x1xi32> to vector<16xi32>
      %gather3A_91 = tpu.dynamic_gather %mul3A[%gather3A_90] in [0] : vector<16xf32>, vector<16xi32> -> vector<16xf32>
      %mul3A_92 = arith.mulf %gather3A_91, %get3A_54 : vector<16xf32>
      %add3A_93 = arith.addf %add3A_88, %mul3A_92 : vector<16xf32>
      %broadcast_in_dim3A_94 = vector.shape_cast %select_n3A_26 : vector<16xi32> to vector<16x1xi32>
      %gather3A_95 = vector.shape_cast %broadcast_in_dim3A_94 : vector<16x1xi32> to vector<16xi32>
      %gather3A_96 = tpu.dynamic_gather %add3A_93[%gather3A_95] in [0] : vector<16xf32>, vector<16xi32> -> vector<16xf32>
      %add3A_97 = arith.addf %add3A_93, %gather3A_96 : vector<16xf32>
      %swap3A_98 = arith.constant 96 : index
      %swap3A_99 = tpu.vector_load %arg9[%swap3A_98] {strides = array<i32>} : memref<32768xf32, #tpu.memory_space<vmem>>, vector<16xf32>,
      %swap3A_100 = vector.shape_cast %swap3A_99 : vector<16xf32> to vector<16xf32>
      %swap3A_101 = vector.shape_cast %add3A_97 : vector<16xf32> to vector<16xf32>
      tpu.vector_store %arg9[%swap3A_98], %swap3A_101 {strides = array<i32>} : memref<32768xf32, #tpu.memory_space<vmem>>, vector<16xf32>,
      %get3A_102 = arith.constant 48 : index
      %get3A_103 = tpu.vector_load %arg8[%get3A_102] {strides = array<i32>} : memref<16400xf32, #tpu.memory_space<vmem>>, vector<16xf32>,
      %get3A_104 = vector.shape_cast %get3A_103 : vector<16xf32> to vector<16xf32>
      %exp3A_105 = math.exp %get3A_104 : vector<16xf32>
      %mul3A_106 = arith.mulf %add3A_97, %exp3A_105 : vector<16xf32>
      %swap3A_107 = arith.constant 80 : index
      %swap3A_108 = tpu.vector_load %arg10[%swap3A_107] {strides = array<i32>} : memref<32768xf32, #tpu.memory_space<vmem>>, vector<16xf32>,
      %swap3A_109 = vector.shape_cast %swap3A_108 : vector<16xf32> to vector<16xf32>
      %swap3A_110 = vector.shape_cast %mul3A_106 : vector<16xf32> to vector<16xf32>
      tpu.vector_store %arg10[%swap3A_107], %swap3A_110 {strides = array<i32>} : memref<32768xf32, #tpu.memory_space<vmem>>, vector<16xf32>,
      %broadcast_in_dim3A_111 = vector.shape_cast %select_n3A : vector<16xi32> to vector<16x1xi32>
      %gather3A_112 = vector.shape_cast %broadcast_in_dim3A_111 : vector<16x1xi32> to vector<16xi32>
      %gather3A_113 = tpu.dynamic_gather %mul3A_106[%gather3A_112] in [0] : vector<16xf32>, vector<16xi32> -> vector<16xf32>
      %mul3A_114 = arith.mulf %gather3A_113, %get3A_39 : vector<16xf32>
      %broadcast_in_dim3A_115 = vector.shape_cast %select_n3A_13 : vector<16xi32> to vector<16x1xi32>
      %gather3A_116 = vector.shape_cast %broadcast_in_dim3A_115 : vector<16x1xi32> to vector<16xi32>
      %gather3A_117 = tpu.dynamic_gather %mul3A_106[%gather3A_116] in [0] : vector<16xf32>, vector<16xi32> -> vector<16xf32>
      %mul3A_118 = arith.mulf %gather3A_117, %get3A_44 : vector<16xf32>
      %add3A_119 = arith.addf %mul3A_114, %mul3A_118 : vector<16xf32>
      %broadcast_in_dim3A_120 = vector.shape_cast %select_n3A_18 : vector<16xi32> to vector<16x1xi32>
      %gather3A_121 = vector.shape_cast %broadcast_in_dim3A_120 : vector<16x1xi32> to vector<16xi32>
      %gather3A_122 = tpu.dynamic_gather %mul3A_106[%gather3A_121] in [0] : vector<16xf32>, vector<16xi32> -> vector<16xf32>
      %mul3A_123 = arith.mulf %gather3A_122, %get3A_49 : vector<16xf32>
      %add3A_124 = arith.addf %add3A_119, %mul3A_123 : vector<16xf32>
      %broadcast_in_dim3A_125 = vector.shape_cast %select_n3A_23 : vector<16xi32> to vector<16x1xi32>
      %gather3A_126 = vector.shape_cast %broadcast_in_dim3A_125 : vector<16x1xi32> to vector<16xi32>
      %gather3A_127 = tpu.dynamic_gather %mul3A_106[%gather3A_126] in [0] : vector<16xf32>, vector<16xi32> -> vector<16xf32>
      %mul3A_128 = arith.mulf %gather3A_127, %get3A_54 : vector<16xf32>
      %add3A_129 = arith.addf %add3A_124, %mul3A_128 : vector<16xf32>
      %broadcast_in_dim3A_130 = vector.shape_cast %select_n3A_26 : vector<16xi32> to vector<16x1xi32>
      %gather3A_131 = vector.shape_cast %broadcast_in_dim3A_130 : vector<16x1xi32> to vector<16xi32>
      %gather3A_132 = tpu.dynamic_gather %add3A_129[%gather3A_131] in [0] : vector<16xf32>, vector<16xi32> -> vector<16xf32>
      %add3A_133 = arith.addf %add3A_129, %gather3A_132 : vector<16xf32>
      %swap3A_134 = arith.constant 80 : index
      %swap3A_135 = tpu.vector_load %arg9[%swap3A_134] {strides = array<i32>} : memref<32768xf32, #tpu.memory_space<vmem>>, vector<16xf32>,
      %swap3A_136 = vector.shape_cast %swap3A_135 : vector<16xf32> to vector<16xf32>
      %swap3A_137 = vector.shape_cast %add3A_133 : vector<16xf32> to vector<16xf32>
      tpu.vector_store %arg9[%swap3A_134], %swap3A_137 {strides = array<i32>} : memref<32768xf32, #tpu.memory_space<vmem>>, vector<16xf32>,
      %get3A_138 = arith.constant 40 : index
      %get3A_139 = tpu.vector_load %arg8[%get3A_138] {strides = array<i32>} : memref<16400xf32, #tpu.memory_space<vmem>>, vector<16xf32>,
      %get3A_140 = vector.shape_cast %get3A_139 : vector<16xf32> to vector<16xf32>
      %exp3A_141 = math.exp %get3A_140 : vector<16xf32>
      %mul3A_142 = arith.mulf %add3A_133, %exp3A_141 : vector<16xf32>
      %swap3A_143 = arith.constant 64 : index
      %swap3A_144 = tpu.vector_load %arg10[%swap3A_143] {strides = array<i32>} : memref<32768xf32, #tpu.memory_space<vmem>>, vector<16xf32>,
      %swap3A_145 = vector.shape_cast %swap3A_144 : vector<16xf32> to vector<16xf32>
      %swap3A_146 = vector.shape_cast %mul3A_142 : vector<16xf32> to vector<16xf32>
      tpu.vector_store %arg10[%swap3A_143], %swap3A_146 {strides = array<i32>} : memref<32768xf32, #tpu.memory_space<vmem>>, vector<16xf32>,
      %broadcast_in_dim3A_147 = vector.shape_cast %select_n3A : vector<16xi32> to vector<16x1xi32>
      %gather3A_148 = vector.shape_cast %broadcast_in_dim3A_147 : vector<16x1xi32> to vector<16xi32>
      %gather3A_149 = tpu.dynamic_gather %mul3A_142[%gather3A_148] in [0] : vector<16xf32>, vector<16xi32> -> vector<16xf32>
      %mul3A_150 = arith.mulf %gather3A_149, %get3A_39 : vector<16xf32>
      %broadcast_in_dim3A_151 = vector.shape_cast %select_n3A_13 : vector<16xi32> to vector<16x1xi32>
      %gather3A_152 = vector.shape_cast %broadcast_in_dim3A_151 : vector<16x1xi32> to vector<16xi32>
      %gather3A_153 = tpu.dynamic_gather %mul3A_142[%gather3A_152] in [0] : vector<16xf32>, vector<16xi32> -> vector<16xf32>
      %mul3A_154 = arith.mulf %gather3A_153, %get3A_44 : vector<16xf32>
      %add3A_155 = arith.addf %mul3A_150, %mul3A_154 : vector<16xf32>
      %broadcast_in_dim3A_156 = vector.shape_cast %select_n3A_18 : vector<16xi32> to vector<16x1xi32>
      %gather3A_157 = vector.shape_cast %broadcast_in_dim3A_156 : vector<16x1xi32> to vector<16xi32>
      %gather3A_158 = tpu.dynamic_gather %mul3A_142[%gather3A_157] in [0] : vector<16xf32>, vector<16xi32> -> vector<16xf32>
      %mul3A_159 = arith.mulf %gather3A_158, %get3A_49 : vector<16xf32>
      %add3A_160 = arith.addf %add3A_155, %mul3A_159 : vector<16xf32>
      %broadcast_in_dim3A_161 = vector.shape_cast %select_n3A_23 : vector<16xi32> to vector<16x1xi32>
      %gather3A_162 = vector.shape_cast %broadcast_in_dim3A_161 : vector<16x1xi32> to vector<16xi32>
      %gather3A_163 = tpu.dynamic_gather %mul3A_142[%gather3A_162] in [0] : vector<16xf32>, vector<16xi32> -> vector<16xf32>
      %mul3A_164 = arith.mulf %gather3A_163, %get3A_54 : vector<16xf32>
      %add3A_165 = arith.addf %add3A_160, %mul3A_164 : vector<16xf32>
      %broadcast_in_dim3A_166 = vector.shape_cast %select_n3A_26 : vector<16xi32> to vector<16x1xi32>
      %gather3A_167 = vector.shape_cast %broadcast_in_dim3A_166 : vector<16x1xi32> to vector<16xi32>
      %gather3A_168 = tpu.dynamic_gather %add3A_165[%gather3A_167] in [0] : vector<16xf32>, vector<16xi32> -> vector<16xf32>
      %add3A_169 = arith.addf %add3A_165, %gather3A_168 : vector<16xf32>
      %swap3A_170 = arith.constant 64 : index
      %swap3A_171 = tpu.vector_load %arg9[%swap3A_170] {strides = array<i32>} : memref<32768xf32, #tpu.memory_space<vmem>>, vector<16xf32>,
      %swap3A_172 = vector.shape_cast %swap3A_171 : vector<16xf32> to vector<16xf32>
      %swap3A_173 = vector.shape_cast %add3A_169 : vector<16xf32> to vector<16xf32>
      tpu.vector_store %arg9[%swap3A_170], %swap3A_173 {strides = array<i32>} : memref<32768xf32, #tpu.memory_space<vmem>>, vector<16xf32>,
      %get3A_174 = arith.constant 32 : index
      %get3A_175 = tpu.vector_load %arg8[%get3A_174] {strides = array<i32>} : memref<16400xf32, #tpu.memory_space<vmem>>, vector<16xf32>,
      %get3A_176 = vector.shape_cast %get3A_175 : vector<16xf32> to vector<16xf32>
      %exp3A_177 = math.exp %get3A_176 : vector<16xf32>
      %mul3A_178 = arith.mulf %add3A_169, %exp3A_177 : vector<16xf32>
      %swap3A_179 = arith.constant 48 : index
      %swap3A_180 = tpu.vector_load %arg10[%swap3A_179] {strides = array<i32>} : memref<32768xf32, #tpu.memory_space<vmem>>, vector<16xf32>,
      %swap3A_181 = vector.shape_cast %swap3A_180 : vector<16xf32> to vector<16xf32>
      %swap3A_182 = vector.shape_cast %mul3A_178 : vector<16xf32> to vector<16xf32>
      tpu.vector_store %arg10[%swap3A_179], %swap3A_182 {strides = array<i32>} : memref<32768xf32, #tpu.memory_space<vmem>>, vector<16xf32>,
      %broadcast_in_dim3A_183 = vector.shape_cast %select_n3A : vector<16xi32> to vector<16x1xi32>
      %gather3A_184 = vector.shape_cast %broadcast_in_dim3A_183 : vector<16x1xi32> to vector<16xi32>
      %gather3A_185 = tpu.dynamic_gather %mul3A_178[%gather3A_184] in [0] : vector<16xf32>, vector<16xi32> -> vector<16xf32>
      %mul3A_186 = arith.mulf %gather3A_185, %get3A_39 : vector<16xf32>
      %broadcast_in_dim3A_187 = vector.shape_cast %select_n3A_13 : vector<16xi32> to vector<16x1xi32>
      %gather3A_188 = vector.shape_cast %broadcast_in_dim3A_187 : vector<16x1xi32> to vector<16xi32>
      %gather3A_189 = tpu.dynamic_gather %mul3A_178[%gather3A_188] in [0] : vector<16xf32>, vector<16xi32> -> vector<16xf32>
      %mul3A_190 = arith.mulf %gather3A_189, %get3A_44 : vector<16xf32>
      %add3A_191 = arith.addf %mul3A_186, %mul3A_190 : vector<16xf32>
      %broadcast_in_dim3A_192 = vector.shape_cast %select_n3A_18 : vector<16xi32> to vector<16x1xi32>
      %gather3A_193 = vector.shape_cast %broadcast_in_dim3A_192 : vector<16x1xi32> to vector<16xi32>
      %gather3A_194 = tpu.dynamic_gather %mul3A_178[%gather3A_193] in [0] : vector<16xf32>, vector<16xi32> -> vector<16xf32>
      %mul3A_195 = arith.mulf %gather3A_194, %get3A_49 : vector<16xf32>
      %add3A_196 = arith.addf %add3A_191, %mul3A_195 : vector<16xf32>
      %broadcast_in_dim3A_197 = vector.shape_cast %select_n3A_23 : vector<16xi32> to vector<16x1xi32>
      %gather3A_198 = vector.shape_cast %broadcast_in_dim3A_197 : vector<16x1xi32> to vector<16xi32>
      %gather3A_199 = tpu.dynamic_gather %mul3A_178[%gather3A_198] in [0] : vector<16xf32>, vector<16xi32> -> vector<16xf32>
      %mul3A_200 = arith.mulf %gather3A_199, %get3A_54 : vector<16xf32>
      %add3A_201 = arith.addf %add3A_196, %mul3A_200 : vector<16xf32>
      %broadcast_in_dim3A_202 = vector.shape_cast %select_n3A_26 : vector<16xi32> to vector<16x1xi32>
      %gather3A_203 = vector.shape_cast %broadcast_in_dim3A_202 : vector<16x1xi32> to vector<16xi32>
      %gather3A_204 = tpu.dynamic_gather %add3A_201[%gather3A_203] in [0] : vector<16xf32>, vector<16xi32> -> vector<16xf32>
      %add3A_205 = arith.addf %add3A_201, %gather3A_204 : vector<16xf32>
      %swap3A_206 = arith.constant 48 : index
      %swap3A_207 = tpu.vector_load %arg9[%swap3A_206] {strides = array<i32>} : memref<32768xf32, #tpu.memory_space<vmem>>, vector<16xf32>,
      %swap3A_208 = vector.shape_cast %swap3A_207 : vector<16xf32> to vector<16xf32>
      %swap3A_209 = vector.shape_cast %add3A_205 : vector<16xf32> to vector<16xf32>
      tpu.vector_store %arg9[%swap3A_206], %swap3A_209 {strides = array<i32>} : memref<32768xf32, #tpu.memory_space<vmem>>, vector<16xf32>,
      %get3A_210 = arith.constant 24 : index
      %get3A_211 = tpu.vector_load %arg8[%get3A_210] {strides = array<i32>} : memref<16400xf32, #tpu.memory_space<vmem>>, vector<16xf32>,
      %get3A_212 = vector.shape_cast %get3A_211 : vector<16xf32> to vector<16xf32>
      %exp3A_213 = math.exp %get3A_212 : vector<16xf32>
      %mul3A_214 = arith.mulf %add3A_205, %exp3A_213 : vector<16xf32>
      %swap3A_215 = arith.constant 32 : index
      %swap3A_216 = tpu.vector_load %arg10[%swap3A_215] {strides = array<i32>} : memref<32768xf32, #tpu.memory_space<vmem>>, vector<16xf32>,
      %swap3A_217 = vector.shape_cast %swap3A_216 : vector<16xf32> to vector<16xf32>
      %swap3A_218 = vector.shape_cast %mul3A_214 : vector<16xf32> to vector<16xf32>
      tpu.vector_store %arg10[%swap3A_215], %swap3A_218 {strides = array<i32>} : memref<32768xf32, #tpu.memory_space<vmem>>, vector<16xf32>,
      %broadcast_in_dim3A_219 = vector.shape_cast %select_n3A : vector<16xi32> to vector<16x1xi32>
      %gather3A_220 = vector.shape_cast %broadcast_in_dim3A_219 : vector<16x1xi32> to vector<16xi32>
      %gather3A_221 = tpu.dynamic_gather %mul3A_214[%gather3A_220] in [0] : vector<16xf32>, vector<16xi32> -> vector<16xf32>
      %mul3A_222 = arith.mulf %gather3A_221, %get3A_39 : vector<16xf32>
      %broadcast_in_dim3A_223 = vector.shape_cast %select_n3A_13 : vector<16xi32> to vector<16x1xi32>
      %gather3A_224 = vector.shape_cast %broadcast_in_dim3A_223 : vector<16x1xi32> to vector<16xi32>
      %gather3A_225 = tpu.dynamic_gather %mul3A_214[%gather3A_224] in [0] : vector<16xf32>, vector<16xi32> -> vector<16xf32>
      %mul3A_226 = arith.mulf %gather3A_225, %get3A_44 : vector<16xf32>
      %add3A_227 = arith.addf %mul3A_222, %mul3A_226 : vector<16xf32>
      %broadcast_in_dim3A_228 = vector.shape_cast %select_n3A_18 : vector<16xi32> to vector<16x1xi32>
      %gather3A_229 = vector.shape_cast %broadcast_in_dim3A_228 : vector<16x1xi32> to vector<16xi32>
      %gather3A_230 = tpu.dynamic_gather %mul3A_214[%gather3A_229] in [0] : vector<16xf32>, vector<16xi32> -> vector<16xf32>
      %mul3A_231 = arith.mulf %gather3A_230, %get3A_49 : vector<16xf32>
      %add3A_232 = arith.addf %add3A_227, %mul3A_231 : vector<16xf32>
      %broadcast_in_dim3A_233 = vector.shape_cast %select_n3A_23 : vector<16xi32> to vector<16x1xi32>
      %gather3A_234 = vector.shape_cast %broadcast_in_dim3A_233 : vector<16x1xi32> to vector<16xi32>
      %gather3A_235 = tpu.dynamic_gather %mul3A_214[%gather3A_234] in [0] : vector<16xf32>, vector<16xi32> -> vector<16xf32>
      %mul3A_236 = arith.mulf %gather3A_235, %get3A_54 : vector<16xf32>
      %add3A_237 = arith.addf %add3A_232, %mul3A_236 : vector<16xf32>
      %broadcast_in_dim3A_238 = vector.shape_cast %select_n3A_26 : vector<16xi32> to vector<16x1xi32>
      %gather3A_239 = vector.shape_cast %broadcast_in_dim3A_238 : vector<16x1xi32> to vector<16xi32>
      %gather3A_240 = tpu.dynamic_gather %add3A_237[%gather3A_239] in [0] : vector<16xf32>, vector<16xi32> -> vector<16xf32>
      %add3A_241 = arith.addf %add3A_237, %gather3A_240 : vector<16xf32>
      %swap3A_242 = arith.constant 32 : index
      %swap3A_243 = tpu.vector_load %arg9[%swap3A_242] {strides = array<i32>} : memref<32768xf32, #tpu.memory_space<vmem>>, vector<16xf32>,
      %swap3A_244 = vector.shape_cast %swap3A_243 : vector<16xf32> to vector<16xf32>
      %swap3A_245 = vector.shape_cast %add3A_241 : vector<16xf32> to vector<16xf32>
      tpu.vector_store %arg9[%swap3A_242], %swap3A_245 {strides = array<i32>} : memref<32768xf32, #tpu.memory_space<vmem>>, vector<16xf32>,
      %get3A_246 = arith.constant 16 : index
      %get3A_247 = tpu.vector_load %arg8[%get3A_246] {strides = array<i32>} : memref<16400xf32, #tpu.memory_space<vmem>>, vector<16xf32>,
      %get3A_248 = vector.shape_cast %get3A_247 : vector<16xf32> to vector<16xf32>
      %exp3A_249 = math.exp %get3A_248 : vector<16xf32>
      %mul3A_250 = arith.mulf %add3A_241, %exp3A_249 : vector<16xf32>
      %swap3A_251 = arith.constant 16 : index
      %swap3A_252 = tpu.vector_load %arg10[%swap3A_251] {strides = array<i32>} : memref<32768xf32, #tpu.memory_space<vmem>>, vector<16xf32>,
      %swap3A_253 = vector.shape_cast %swap3A_252 : vector<16xf32> to vector<16xf32>
      %swap3A_254 = vector.shape_cast %mul3A_250 : vector<16xf32> to vector<16xf32>
      tpu.vector_store %arg10[%swap3A_251], %swap3A_254 {strides = array<i32>} : memref<32768xf32, #tpu.memory_space<vmem>>, vector<16xf32>,
      %broadcast_in_dim3A_255 = vector.shape_cast %select_n3A : vector<16xi32> to vector<16x1xi32>
      %gather3A_256 = vector.shape_cast %broadcast_in_dim3A_255 : vector<16x1xi32> to vector<16xi32>
      %gather3A_257 = tpu.dynamic_gather %mul3A_250[%gather3A_256] in [0] : vector<16xf32>, vector<16xi32> -> vector<16xf32>
      %mul3A_258 = arith.mulf %gather3A_257, %get3A_39 : vector<16xf32>
      %broadcast_in_dim3A_259 = vector.shape_cast %select_n3A_13 : vector<16xi32> to vector<16x1xi32>
      %gather3A_260 = vector.shape_cast %broadcast_in_dim3A_259 : vector<16x1xi32> to vector<16xi32>
      %gather3A_261 = tpu.dynamic_gather %mul3A_250[%gather3A_260] in [0] : vector<16xf32>, vector<16xi32> -> vector<16xf32>
      %mul3A_262 = arith.mulf %gather3A_261, %get3A_44 : vector<16xf32>
      %add3A_263 = arith.addf %mul3A_258, %mul3A_262 : vector<16xf32>
      %broadcast_in_dim3A_264 = vector.shape_cast %select_n3A_18 : vector<16xi32> to vector<16x1xi32>
      %gather3A_265 = vector.shape_cast %broadcast_in_dim3A_264 : vector<16x1xi32> to vector<16xi32>
      %gather3A_266 = tpu.dynamic_gather %mul3A_250[%gather3A_265] in [0] : vector<16xf32>, vector<16xi32> -> vector<16xf32>
      %mul3A_267 = arith.mulf %gather3A_266, %get3A_49 : vector<16xf32>
      %add3A_268 = arith.addf %add3A_263, %mul3A_267 : vector<16xf32>
      %broadcast_in_dim3A_269 = vector.shape_cast %select_n3A_23 : vector<16xi32> to vector<16x1xi32>
      %gather3A_270 = vector.shape_cast %broadcast_in_dim3A_269 : vector<16x1xi32> to vector<16xi32>
      %gather3A_271 = tpu.dynamic_gather %mul3A_250[%gather3A_270] in [0] : vector<16xf32>, vector<16xi32> -> vector<16xf32>
      %mul3A_272 = arith.mulf %gather3A_271, %get3A_54 : vector<16xf32>
      %add3A_273 = arith.addf %add3A_268, %mul3A_272 : vector<16xf32>
      %broadcast_in_dim3A_274 = vector.shape_cast %select_n3A_26 : vector<16xi32> to vector<16x1xi32>
      %gather3A_275 = vector.shape_cast %broadcast_in_dim3A_274 : vector<16x1xi32> to vector<16xi32>
      %gather3A_276 = tpu.dynamic_gather %add3A_273[%gather3A_275] in [0] : vector<16xf32>, vector<16xi32> -> vector<16xf32>
      %add3A_277 = arith.addf %add3A_273, %gather3A_276 : vector<16xf32>
      %swap3A_278 = arith.constant 16 : index
      %swap3A_279 = tpu.vector_load %arg9[%swap3A_278] {strides = array<i32>} : memref<32768xf32, #tpu.memory_space<vmem>>, vector<16xf32>,
      %swap3A_280 = vector.shape_cast %swap3A_279 : vector<16xf32> to vector<16xf32>
      %swap3A_281 = vector.shape_cast %add3A_277 : vector<16xf32> to vector<16xf32>
      tpu.vector_store %arg9[%swap3A_278], %swap3A_281 {strides = array<i32>} : memref<32768xf32, #tpu.memory_space<vmem>>, vector<16xf32>,
      %get3A_282 = arith.constant 8 : index
      %get3A_283 = tpu.vector_load %arg8[%get3A_282] {strides = array<i32>} : memref<16400xf32, #tpu.memory_space<vmem>>, vector<16xf32>,
      %get3A_284 = vector.shape_cast %get3A_283 : vector<16xf32> to vector<16xf32>
      %exp3A_285 = math.exp %get3A_284 : vector<16xf32>
      %mul3A_286 = arith.mulf %add3A_277, %exp3A_285 : vector<16xf32>
      %swap3A_287 = arith.constant 0 : index
      %swap3A_288 = tpu.vector_load %arg10[%swap3A_287] {strides = array<i32>} : memref<32768xf32, #tpu.memory_space<vmem>>, vector<16xf32>,
      %swap3A_289 = vector.shape_cast %swap3A_288 : vector<16xf32> to vector<16xf32>
      %swap3A_290 = vector.shape_cast %mul3A_286 : vector<16xf32> to vector<16xf32>
      tpu.vector_store %arg10[%swap3A_287], %swap3A_290 {strides = array<i32>} : memref<32768xf32, #tpu.memory_space<vmem>>, vector<16xf32>,
      %broadcast_in_dim3A_291 = vector.shape_cast %select_n3A : vector<16xi32> to vector<16x1xi32>
      %gather3A_292 = vector.shape_cast %broadcast_in_dim3A_291 : vector<16x1xi32> to vector<16xi32>
      %gather3A_293 = tpu.dynamic_gather %mul3A_286[%gather3A_292] in [0] : vector<16xf32>, vector<16xi32> -> vector<16xf32>
      %mul3A_294 = arith.mulf %gather3A_293, %get3A_39 : vector<16xf32>
      %broadcast_in_dim3A_295 = vector.shape_cast %select_n3A_13 : vector<16xi32> to vector<16x1xi32>
      %gather3A_296 = vector.shape_cast %broadcast_in_dim3A_295 : vector<16x1xi32> to vector<16xi32>
      %gather3A_297 = tpu.dynamic_gather %mul3A_286[%gather3A_296] in [0] : vector<16xf32>, vector<16xi32> -> vector<16xf32>
      %mul3A_298 = arith.mulf %gather3A_297, %get3A_44 : vector<16xf32>
      %add3A_299 = arith.addf %mul3A_294, %mul3A_298 : vector<16xf32>
      %broadcast_in_dim3A_300 = vector.shape_cast %select_n3A_18 : vector<16xi32> to vector<16x1xi32>
      %gather3A_301 = vector.shape_cast %broadcast_in_dim3A_300 : vector<16x1xi32> to vector<16xi32>
      %gather3A_302 = tpu.dynamic_gather %mul3A_286[%gather3A_301] in [0] : vector<16xf32>, vector<16xi32> -> vector<16xf32>
      %mul3A_303 = arith.mulf %gather3A_302, %get3A_49 : vector<16xf32>
      %add3A_304 = arith.addf %add3A_299, %mul3A_303 : vector<16xf32>
      %broadcast_in_dim3A_305 = vector.shape_cast %select_n3A_23 : vector<16xi32> to vector<16x1xi32>
      %gather3A_306 = vector.shape_cast %broadcast_in_dim3A_305 : vector<16x1xi32> to vector<16xi32>
      %gather3A_307 = tpu.dynamic_gather %mul3A_286[%gather3A_306] in [0] : vector<16xf32>, vector<16xi32> -> vector<16xf32>
      %mul3A_308 = arith.mulf %gather3A_307, %get3A_54 : vector<16xf32>
      %add3A_309 = arith.addf %add3A_304, %mul3A_308 : vector<16xf32>
      %broadcast_in_dim3A_310 = vector.shape_cast %select_n3A_26 : vector<16xi32> to vector<16x1xi32>
      %gather3A_311 = vector.shape_cast %broadcast_in_dim3A_310 : vector<16x1xi32> to vector<16xi32>
      %gather3A_312 = tpu.dynamic_gather %add3A_309[%gather3A_311] in [0] : vector<16xf32>, vector<16xi32> -> vector<16xf32>
      %add3A_313 = arith.addf %add3A_309, %gather3A_312 : vector<16xf32>
      %swap3A_314 = arith.constant 0 : index
      %swap3A_315 = tpu.vector_load %arg9[%swap3A_314] {strides = array<i32>} : memref<32768xf32, #tpu.memory_space<vmem>>, vector<16xf32>,
      %swap3A_316 = vector.shape_cast %swap3A_315 : vector<16xf32> to vector<16xf32>
      %swap3A_317 = vector.shape_cast %add3A_313 : vector<16xf32> to vector<16xf32>
      tpu.vector_store %arg9[%swap3A_314], %swap3A_317 {strides = array<i32>} : memref<32768xf32, #tpu.memory_space<vmem>>, vector<16xf32>,
      "tpu.region"() ({
        %run_scoped3A = tpu.sem_alloc : memref<!tpu.dma_semaphore, #tpu.memory_space<semaphore_mem>>
        %dma_start3A = arith.constant 0 : i32
        %dma_start3A_318 = tpu.memref_slice %arg6[%arg1, %dma_start3A] : memref<16x32768xf32, #tpu.memory_space<hbm>> -> memref<1x32768xf32, #tpu.memory_space<hbm>>
        %dma_start3A_319 = tpu.memref_squeeze %dma_start3A_318 : memref<1x32768xf32, #tpu.memory_space<hbm>> -> memref<32768xf32, #tpu.memory_space<hbm>>
        %dma_start3A_320 = arith.constant 0 : i32
        %dma_start3A_321 = tpu.memref_slice %arg6[%arg1, %dma_start3A_320] : memref<16x32768xf32, #tpu.memory_space<hbm>> -> memref<1x32768xf32, #tpu.memory_space<hbm>>
        %dma_start3A_322 = tpu.memref_squeeze %dma_start3A_321 : memref<1x32768xf32, #tpu.memory_space<hbm>> -> memref<32768xf32, #tpu.memory_space<hbm>>
        tpu.enqueue_dma source(%arg9 : memref<32768xf32, #tpu.memory_space<vmem>>) target(%dma_start3A_322 : memref<32768xf32, #tpu.memory_space<hbm>>) target_semaphore(%run_scoped3A : memref<!tpu.dma_semaphore, #tpu.memory_space<semaphore_mem>>)
        %dma_wait3A = arith.constant 0 : i32
        %dma_wait3A_323 = tpu.memref_slice %arg6[%arg1, %dma_wait3A] : memref<16x32768xf32, #tpu.memory_space<hbm>> -> memref<1x32768xf32, #tpu.memory_space<hbm>>
        %dma_wait3A_324 = tpu.memref_squeeze %dma_wait3A_323 : memref<1x32768xf32, #tpu.memory_space<hbm>> -> memref<32768xf32, #tpu.memory_space<hbm>>
        %dma_wait3A_325 = arith.constant 0 : i32
        %dma_wait3A_326 = tpu.memref_slice %arg6[%arg1, %dma_wait3A_325] : memref<16x32768xf32, #tpu.memory_space<hbm>> -> memref<1x32768xf32, #tpu.memory_space<hbm>>
        %dma_wait3A_327 = tpu.memref_squeeze %dma_wait3A_326 : memref<1x32768xf32, #tpu.memory_space<hbm>> -> memref<32768xf32, #tpu.memory_space<hbm>>
        tpu.wait_dma2 semaphore(%run_scoped3A : memref<!tpu.dma_semaphore, #tpu.memory_space<semaphore_mem>>) src(%arg9 : memref<32768xf32, #tpu.memory_space<vmem>>) dst(%dma_wait3A_327 : memref<32768xf32, #tpu.memory_space<hbm>>)
        tpu.yield
      }) : () -> ()
      "tpu.region"() ({
        %run_scoped3A = tpu.sem_alloc : memref<!tpu.dma_semaphore, #tpu.memory_space<semaphore_mem>>
        %dma_start3A = arith.constant 0 : i32
        %dma_start3A_318 = tpu.memref_slice %arg7[%arg1, %dma_start3A] : memref<16x32768xf32, #tpu.memory_space<hbm>> -> memref<1x32768xf32, #tpu.memory_space<hbm>>
        %dma_start3A_319 = tpu.memref_squeeze %dma_start3A_318 : memref<1x32768xf32, #tpu.memory_space<hbm>> -> memref<32768xf32, #tpu.memory_space<hbm>>
        %dma_start3A_320 = arith.constant 0 : i32
        %dma_start3A_321 = tpu.memref_slice %arg7[%arg1, %dma_start3A_320] : memref<16x32768xf32, #tpu.memory_space<hbm>> -> memref<1x32768xf32, #tpu.memory_space<hbm>>
        %dma_start3A_322 = tpu.memref_squeeze %dma_start3A_321 : memref<1x32768xf32, #tpu.memory_space<hbm>> -> memref<32768xf32, #tpu.memory_space<hbm>>
        tpu.enqueue_dma source(%arg10 : memref<32768xf32, #tpu.memory_space<vmem>>) target(%dma_start3A_322 : memref<32768xf32, #tpu.memory_space<hbm>>) target_semaphore(%run_scoped3A : memref<!tpu.dma_semaphore, #tpu.memory_space<semaphore_mem>>)
        %dma_wait3A = arith.constant 0 : i32
        %dma_wait3A_323 = tpu.memref_slice %arg7[%arg1, %dma_wait3A] : memref<16x32768xf32, #tpu.memory_space<hbm>> -> memref<1x32768xf32, #tpu.memory_space<hbm>>
        %dma_wait3A_324 = tpu.memref_squeeze %dma_wait3A_323 : memref<1x32768xf32, #tpu.memory_space<hbm>> -> memref<32768xf32, #tpu.memory_space<hbm>>
        %dma_wait3A_325 = arith.constant 0 : i32
        %dma_wait3A_326 = tpu.memref_slice %arg7[%arg1, %dma_wait3A_325] : memref<16x32768xf32, #tpu.memory_space<hbm>> -> memref<1x32768xf32, #tpu.memory_space<hbm>>
        %dma_wait3A_327 = tpu.memref_squeeze %dma_wait3A_326 : memref<1x32768xf32, #tpu.memory_space<hbm>> -> memref<32768xf32, #tpu.memory_space<hbm>>
        tpu.wait_dma2 semaphore(%run_scoped3A : memref<!tpu.dma_semaphore, #tpu.memory_space<semaphore_mem>>) src(%arg10 : memref<32768xf32, #tpu.memory_space<vmem>>) dst(%dma_wait3A_327 : memref<32768xf32, #tpu.memory_space<hbm>>)
        tpu.yield
      }) : () -> ()
    } else {
    }
    return
  }
}

module attributes {stable_mosaic.version = 14 : i64} {
  func.func @_finalize_kernel(%arg0: i32, %arg1: memref<16x2048xf32, #tpu.memory_space<vmem>>, %arg2: memref<16x2048xf32, #tpu.memory_space<vmem>>, %arg3: memref<16x2048xf32, #tpu.memory_space<vmem>>, %arg4: memref<8x8xf32, #tpu.memory_space<vmem>>, %arg5: memref<16x128x8xf32, #tpu.memory_space<vmem>>, %arg6: memref<16x128x64xf32, #tpu.memory_space<vmem>>) attributes {dimension_semantics = [#tpu.dimension_semantics<arbitrary>], iteration_bounds = array<i64: 16>, scalar_prefetch = 0 : i64, scratch_operands = 0 : i64, tpu.core_type = #tpu.core_type<tc>, window_params = [{transform_indices = @transform_0, window_bounds = array<i64: 16, 2048>}, {transform_indices = @transform_1, window_bounds = array<i64: 16, 2048>}, {transform_indices = @transform_2, window_bounds = array<i64: 16, 2048>}, {pipeline_mode = #tpu.pipeline_mode<synchronous>, transform_indices = @transform_3, window_bounds = array<i64: 8, 8>}, {transform_indices = @transform_4, window_bounds = array<i64: 16, 128, 8>}, {transform_indices = @transform_5, window_bounds = array<i64: 16, 128, 64>}]} {
    %get3A = arith.constant 0 : index
    %get3A_0 = arith.constant 0 : index
    %get3A_1 = vector.load %arg1[%get3A, %get3A_0] : memref<16x2048xf32, #tpu.memory_space<vmem>>, vector<16x2048xf32>
    %reshape3A = vector.shape_cast %get3A_1 : vector<16x2048xf32> to vector<16x128x16xf32>
    %transpose3A = tpu.transpose %reshape3A, [0, 2, 1] : vector<16x128x16xf32> -> vector<16x16x128xf32>
    %slice3A = vector.extract_strided_slice %transpose3A {offsets = [0, 0, 0], sizes = [16, 8, 128], strides = [1, 1, 1]} : vector<16x16x128xf32> to vector<16x8x128xf32>
    %log3A = math.log %slice3A : vector<16x8x128xf32>
    %get3A_2 = arith.constant 0 : index
    %get3A_3 = arith.constant 0 : index
    %get3A_4 = vector.load %arg2[%get3A_2, %get3A_3] : memref<16x2048xf32, #tpu.memory_space<vmem>>, vector<16x2048xf32>
    %reshape3A_5 = vector.shape_cast %get3A_4 : vector<16x2048xf32> to vector<16x128x16xf32>
    %transpose3A_6 = tpu.transpose %reshape3A_5, [0, 2, 1] : vector<16x128x16xf32> -> vector<16x16x128xf32>
    %slice3A_7 = vector.extract_strided_slice %transpose3A_6 {offsets = [0, 0, 0], sizes = [16, 8, 128], strides = [1, 1, 1]} : vector<16x16x128xf32> to vector<16x8x128xf32>
    %log3A_8 = math.log %slice3A_7 : vector<16x8x128xf32>
    %add3A = arith.addf %log3A, %log3A_8 : vector<16x8x128xf32>
    %reduce_max3A = arith.constant dense<0xFF800000> : vector<16x128xf32>
    %reduce_max3A_9 = vector.multi_reduction <maximumf>, %add3A, %reduce_max3A [1] : vector<16x8x128xf32> to vector<16x128xf32>
    %broadcast_in_dim3A = vector.shape_cast %reduce_max3A_9 : vector<16x128xf32> to vector<16x1x128xf32>
    %sub3A = vector.broadcast %broadcast_in_dim3A : vector<16x1x128xf32> to vector<16x8x128xf32>
    %sub3A_10 = arith.subf %add3A, %sub3A : vector<16x8x128xf32>
    %exp3A = math.exp %sub3A_10 : vector<16x8x128xf32>
    %reduce_sum3A = arith.constant dense<0.000000e+00> : vector<16x128xf32>
    %reduce_sum3A_11 = vector.multi_reduction <add>, %exp3A, %reduce_sum3A [1] : vector<16x8x128xf32> to vector<16x128xf32>
    %broadcast_in_dim3A_12 = vector.shape_cast %reduce_sum3A_11 : vector<16x128xf32> to vector<16x1x128xf32>
    %log3A_13 = math.log %broadcast_in_dim3A_12 : vector<16x1x128xf32>
    %sub3A_14 = vector.broadcast %log3A_13 : vector<16x1x128xf32> to vector<16x8x128xf32>
    %sub3A_15 = arith.subf %sub3A_10, %sub3A_14 : vector<16x8x128xf32>
    %transpose3A_16 = tpu.transpose %sub3A_15, [0, 2, 1] : vector<16x8x128xf32> -> vector<16x128x8xf32>
    %swap3A = arith.constant 0 : index
    %swap3A_17 = arith.constant 0 : index
    %swap3A_18 = arith.constant 0 : index
    %swap3A_19 = vector.load %arg5[%swap3A, %swap3A_17, %swap3A_18] : memref<16x128x8xf32, #tpu.memory_space<vmem>>, vector<16x128x8xf32>
    tpu.vector_store %arg5[%swap3A, %swap3A_17, %swap3A_18], %transpose3A_16 {strides = array<i32>} : memref<16x128x8xf32, #tpu.memory_space<vmem>>, vector<16x128x8xf32>,
    %get3A_20 = arith.constant 0 : index
    %get3A_21 = arith.constant 0 : index
    %get3A_22 = vector.load %arg3[%get3A_20, %get3A_21] : memref<16x2048xf32, #tpu.memory_space<vmem>>, vector<16x2048xf32>
    %reshape3A_23 = vector.shape_cast %get3A_22 : vector<16x2048xf32> to vector<16x128x16xf32>
    %transpose3A_24 = tpu.transpose %reshape3A_23, [0, 2, 1] : vector<16x128x16xf32> -> vector<16x16x128xf32>
    %slice3A_25 = vector.extract_strided_slice %transpose3A_24 {offsets = [0, 0, 0], sizes = [16, 8, 128], strides = [1, 1, 1]} : vector<16x16x128xf32> to vector<16x8x128xf32>
    %log3A_26 = math.log %slice3A_25 : vector<16x8x128xf32>
    %broadcast_in_dim3A_27 = vector.shape_cast %log3A : vector<16x8x128xf32> to vector<16x8x1x128xf32>
    %broadcast_in_dim3A_28 = vector.shape_cast %log3A_26 : vector<16x8x128xf32> to vector<16x1x8x128xf32>
    %add3A_29 = vector.broadcast %broadcast_in_dim3A_27 : vector<16x8x1x128xf32> to vector<16x8x8x128xf32>
    %add3A_30 = vector.broadcast %broadcast_in_dim3A_28 : vector<16x1x8x128xf32> to vector<16x8x8x128xf32>
    %add3A_31 = arith.addf %add3A_29, %add3A_30 : vector<16x8x8x128xf32>
    %get3A_32 = arith.constant 0 : index
    %get3A_33 = arith.constant 0 : index
    %get3A_34 = vector.load %arg4[%get3A_32, %get3A_33] : memref<8x8xf32, #tpu.memory_space<vmem>>, vector<8x8xf32>
    %broadcast_in_dim3A_35 = vector.shape_cast %get3A_34 : vector<8x8xf32> to vector<1x8x8x1xf32>
    %add3A_36 = vector.broadcast %broadcast_in_dim3A_35 : vector<1x8x8x1xf32> to vector<16x8x8x128xf32>
    %add3A_37 = arith.addf %add3A_31, %add3A_36 : vector<16x8x8x128xf32>
    %reshape3A_38 = vector.shape_cast %add3A_37 : vector<16x8x8x128xf32> to vector<16x64x128xf32>
    %reduce_max3A_39 = arith.constant dense<0xFF800000> : vector<16x128xf32>
    %reduce_max3A_40 = vector.multi_reduction <maximumf>, %reshape3A_38, %reduce_max3A_39 [1] : vector<16x64x128xf32> to vector<16x128xf32>
    %broadcast_in_dim3A_41 = vector.shape_cast %reduce_max3A_40 : vector<16x128xf32> to vector<16x1x128xf32>
    %sub3A_42 = vector.broadcast %broadcast_in_dim3A_41 : vector<16x1x128xf32> to vector<16x64x128xf32>
    %sub3A_43 = arith.subf %reshape3A_38, %sub3A_42 : vector<16x64x128xf32>
    %exp3A_44 = math.exp %sub3A_43 : vector<16x64x128xf32>
    %reduce_sum3A_45 = arith.constant dense<0.000000e+00> : vector<16x128xf32>
    %reduce_sum3A_46 = vector.multi_reduction <add>, %exp3A_44, %reduce_sum3A_45 [1] : vector<16x64x128xf32> to vector<16x128xf32>
    %broadcast_in_dim3A_47 = vector.shape_cast %reduce_sum3A_46 : vector<16x128xf32> to vector<16x1x128xf32>
    %log3A_48 = math.log %broadcast_in_dim3A_47 : vector<16x1x128xf32>
    %sub3A_49 = vector.broadcast %log3A_48 : vector<16x1x128xf32> to vector<16x64x128xf32>
    %sub3A_50 = arith.subf %sub3A_43, %sub3A_49 : vector<16x64x128xf32>
    %transpose3A_51 = tpu.transpose %sub3A_50, [0, 2, 1] : vector<16x64x128xf32> -> vector<16x128x64xf32>
    %swap3A_52 = arith.constant 0 : index
    %swap3A_53 = arith.constant 0 : index
    %swap3A_54 = arith.constant 0 : index
    %swap3A_55 = vector.load %arg6[%swap3A_52, %swap3A_53, %swap3A_54] : memref<16x128x64xf32, #tpu.memory_space<vmem>>, vector<16x128x64xf32>
    tpu.vector_store %arg6[%swap3A_52, %swap3A_53, %swap3A_54], %transpose3A_51 {strides = array<i32>} : memref<16x128x64xf32, #tpu.memory_space<vmem>>, vector<16x128x64xf32>,
    return
  }
  func.func @transform_0(%arg0: i32) -> (i32, i32) {
    %c0_i32 = arith.constant 0 : i32
    %c0_i32_0 = arith.constant 0 : i32
    return %c0_i32, %arg0 : i32, i32
  }
  func.func @transform_1(%arg0: i32) -> (i32, i32) {
    %c0_i32 = arith.constant 0 : i32
    %c0_i32_0 = arith.constant 0 : i32
    return %c0_i32, %arg0 : i32, i32
  }
  func.func @transform_2(%arg0: i32) -> (i32, i32) {
    %c0_i32 = arith.constant 0 : i32
    %c0_i32_0 = arith.constant 0 : i32
    return %c0_i32, %arg0 : i32, i32
  }
  func.func @transform_3(%arg0: i32) -> (i32, i32) {
    %c0_i32 = arith.constant 0 : i32
    %c0_i32_0 = arith.constant 0 : i32
    %c0_i32_1 = arith.constant 0 : i32
    return %c0_i32, %c0_i32_0 : i32, i32
  }
  func.func @transform_4(%arg0: i32) -> (i32, i32, i32) {
    %c0_i32 = arith.constant 0 : i32
    %c0_i32_0 = arith.constant 0 : i32
    %c0_i32_1 = arith.constant 0 : i32
    return %c0_i32, %arg0, %c0_i32_0 : i32, i32, i32
  }
  func.func @transform_5(%arg0: i32) -> (i32, i32, i32) {
    %c0_i32 = arith.constant 0 : i32
    %c0_i32_0 = arith.constant 0 : i32
    %c0_i32_1 = arith.constant 0 : i32
    return %c0_i32, %arg0, %c0_i32_0 : i32, i32, i32
  }
}

</mosaic_0001>

<sc_bundles>
// kernel: kernel.4.cloned.1.call-start
scs
__scs_entry_jumppad:
0x0: {  	(pc) =	sbr.rel $0x88, $3  }
0x1: {  	(tag) =	ssettag $0x0;
	lr =	simm.s32 $0x1  }
0x2: {  	[smem:$0x3F9F] =	sst lr;
	_ =	strace $0xD0000000  }
0x3: {  	_ = 	snop  }
0x4: {  	_ = 	snop  }
0x5: {  	_ = 	snop  }
0x6: {  	_ = 	snop  }
0x7: {  	_ = 	snop  }
__scs_overlays_trampoline_lowered:
0x8: {  	[smem:$0x3FAE] =	sst s0  }
0x9: {  	[smem:$0x3FAF] =	sst s1  }
0xa: {  	[smem:$0x3FB0] =	sst s2  }
0xb: {  	[smem:$0x3FB1] =	sst s3  }
0xc: {  	[smem:$0x3FB2] =	sst s4  }
0xd: {  	[smem:$0x3FB3] =	sst s5  }
0xe: {  	[smem:$0x3FB4] =	sst s6  }
0xf: {  	[smem:$0x3FB5] =	sst s7  }
0x10: {  	[smem:$0x3FB6] =	sst s8  }
0x11: {  	[smem:$0x3FB7] =	sst s9;
	s0 =	simm.s32 @!p0 $0x0  }
0x12: {  	s1 =	sld [smem:$0x3F9D];
	s0 =	simm.s32 @p0 $0x1  }
0x13: {  	[smem:$0x3FB8] =	sst s0;
	s0 =	simm.s32 @!p1 $0x0  }
0x14: {  	s2 =	sld [smem:$0x3F9C];
	s0 =	simm.s32 @p1 $0x1  }
0x15: {  	[smem:$0x3FB9] =	sst s0;
	s0 =	simm.s32 @!p2 $0x0  }
0x16: {  	s3 =	sld [smem:$0x3FDB];
	s0 =	simm.s32 @p2 $0x1  }
0x17: {  	s4 =	simm.s32 $0x1BF5;
	[smem:$0x3FBB] =	sst s0  }
0x18: {  	s0 =	sld [smem:$0x3F9E];
	_ =	swait.ge [sflag:s4], $0x0  }
0x19: {  	s7 =	sld [smem:$0x3F9F]  }
0x1a: {  	s8 =	sadd.s32 $0xFFFFE003, lr  }
0x1b: {  	s9 =	sadd.s32 $0xFFFFFEF7, lr;
	s5 =	simm.s32 $0xFFFFFFFF;
	p2 =	slt.u32 s8, $0xFFFFF086  }
0x1c: {  	p1 =	slt.u32 s9, $0xF7A;
	s5 =	simm.s32 @!p2 $0x0  }
0x1d: {  	s5 =	simm.s32 @p1 $0x1;
	p0 =	seq.s32 s7, s2  }
0x1e: {  	s7 =	smul.u32 @!p0 $0xF7A, s2;
	p2 =	seq.s32 @!p0 s5, $0x0  }
0x1f: {  	s9 =	smul.u32 $0xF7A, s1;
	s8 =	simm.s32 @!p0 $0x1BF5;
	p2 =	por !p2, p0  }
0x20: {  	[sflag:s8] =	ssyncset.s32 @!p0 $0xFFFFF086;
	s6 =	sadd.s32 @!p0 s3, s7;
	s7 =	simm.s32 @!p0 $0x108  }
0x21: {  	s3 =	sadd.s32 s3, s9;
	s6 =	sadd.s32 @!p0 $0x88, s6;
	s7 =	simm.s32 @p2 $0x1082  }
0x22: {  	[simem:s7], [sflag:s8] =	dma.local @!p0 [hbm:s6], $0xF7A  }
0x23: {  	s9 =	sor.u32 $0xD0000000, s2;
	s6 =	simm.s32 $0x108;
	_ =	swait.ge @!p0 [sflag:s8], $0x0  }
0x24: {  	s3 =	sadd.s32 $0x88, s3;
	s6 =	simm.s32 @!p1 $0x1082;
	[sflag:s4] =	ssyncset.s32 $0xFFFFF086  }
0x25: {  	[simem:s6], [sflag:s4] =	dma.local [hbm:s3], $0xF7A  }
0x26: {  	[smem:$0x3F9F] =	sst s1;
	(tag) =	ssettag s2;
	_ =	strace s9  }
0x27: {  	s1 =	sld [smem:$0x3FAF]  }
0x28: {  	s2 =	sld [smem:$0x3FB0]  }
0x29: {  	s4 =	sld [smem:$0x3FB2]  }
0x2a: {  	p0 =	seq.s32 s5, $0x0;
	s5 =	sld [smem:$0x3FB3]  }
0x2b: {  	s6 =	sld [smem:$0x3FB4]  }
0x2c: {  	s7 =	sld [smem:$0x3FB5]  }
0x2d: {  	s3 =	simm.s32 $0x108;
	s8 =	sld [smem:$0x3FB6]  }
0x2e: {  	s3 =	simm.s32 @!p0 $0x1082;
	s9 =	sld [smem:$0x3FB7]  }
0x2f: {  	lr =	sadd.s32 s0, s3;
	s0 =	sld [smem:$0x3FAE]  }
0x30: {  	s3 =	sld [smem:$0x3FB1]  }
0x31: {  	[smem:$0x3FBA] =	sst s10  }
0x32: {  	s10 =	sld [smem:$0x3FB8];
	_ =	sdelay $0x3  }
0x33: {  	p0 =	seq.s32 s10, $0x1;
	s10 =	sld [smem:$0x3FBA];
	_ =	sdelay $0x3  }
0x34: {  	[smem:$0x3FBA] =	sst s10  }
0x35: {  	s10 =	sld [smem:$0x3FB9];
	_ =	sdelay $0x3  }
0x36: {  	p1 =	seq.s32 s10, $0x1;
	s10 =	sld [smem:$0x3FBA];
	_ =	sdelay $0x3  }
0x37: {  	[smem:$0x3FBA] =	sst s10  }
0x38: {  	s10 =	sld [smem:$0x3FBB]  }
0x39: {  	_ = 	snop;
	(pc) =	sbr.ind lr, $3  }
0x3a: {  	_ = 	snop  }
0x3b: {  	_ = 	snop  }
0x3c: {  	p2 =	seq.s32 s10, $0x1;
	s10 =	sld [smem:$0x3FBA]  }
0x3d: {  	_ =	shalt  }
0x3e: {  	_ =	shalt  }
0x3f: {  	_ =	shalt  }
0x40: {  	_ =	shalt  }
0x41: {  	_ =	shalt  }
0x42: {  	_ =	shalt  }
0x43: {  	_ =	shalt  }
0x44: {  	_ =	shalt  }
0x45: {  	_ =	shalt  }
0x46: {  	_ =	shalt  }
0x47: {  	_ =	shalt  }
0x48: {  	_ =	shalt  }
0x49: {  	_ =	shalt  }
0x4a: {  	_ =	shalt  }
0x4b: {  	_ =	shalt  }
0x4c: {  	_ =	shalt  }
0x4d: {  	_ =	shalt  }
0x4e: {  	_ =	shalt  }
0x4f: {  	_ =	shalt  }
0x50: {  	_ =	shalt  }
0x51: {  	_ =	shalt  }
0x52: {  	_ =	shalt  }
0x53: {  	_ =	shalt  }
0x54: {  	_ =	shalt  }
0x55: {  	_ =	shalt  }
0x56: {  	_ =	shalt  }
0x57: {  	_ =	shalt  }
0x58: {  	_ =	shalt  }
0x59: {  	_ =	shalt  }
0x5a: {  	_ =	shalt  }
0x5b: {  	_ =	shalt  }
0x5c: {  	_ =	shalt  }
0x5d: {  	_ =	shalt  }
0x5e: {  	_ =	shalt  }
0x5f: {  	_ =	shalt  }
0x60: {  	_ =	shalt  }
0x61: {  	_ =	shalt  }
0x62: {  	_ =	shalt  }
0x63: {  	_ =	shalt  }
0x64: {  	_ =	shalt  }
0x65: {  	_ =	shalt  }
0x66: {  	_ =	shalt  }
0x67: {  	_ =	shalt  }
0x68: {  	_ =	shalt  }
0x69: {  	_ =	shalt  }
0x6a: {  	_ =	shalt  }
0x6b: {  	_ =	shalt  }
0x6c: {  	_ =	shalt  }
0x6d: {  	_ =	shalt  }
0x6e: {  	_ =	shalt  }
0x6f: {  	_ =	shalt  }
0x70: {  	_ =	shalt  }
0x71: {  	_ =	shalt  }
0x72: {  	_ =	shalt  }
0x73: {  	_ =	shalt  }
0x74: {  	_ =	shalt  }
0x75: {  	_ =	shalt  }
0x76: {  	_ =	shalt  }
0x77: {  	_ =	shalt  }
0x78: {  	_ =	shalt  }
0x79: {  	_ =	shalt  }
0x7a: {  	_ =	shalt  }
0x7b: {  	_ =	shalt  }
0x7c: {  	_ =	shalt  }
0x7d: {  	_ =	shalt  }
0x7e: {  	_ =	shalt  }
0x7f: {  	_ =	shalt  }
0x80: {  	_ =	shalt  }
0x81: {  	_ =	shalt  }
0x82: {  	_ =	shalt  }
0x83: {  	_ =	shalt  }
0x84: {  	_ =	shalt  }
0x85: {  	_ =	shalt  }
0x86: {  	_ =	shalt  }
0x87: {  	_ =	shalt  }
.Lfunc_end0:
.L_simem_size_0:
called_computation_lowered:
.L_overlay_start_0:
0x88: {  	s2 =	sld [smem:$0x3FD9]  }
0x89: {  	s3 =	sld [smem:$0x3FFE];
	_ =	sdelay $0x1  }
0x8a: {  	s1 =	srdreg.scid  }
0x8b: {  	s0 =	sand.u32 $0x1, s1  }
0x8c: {  	s14 =	sshll.u32 s0, $0xA;
	s2 =	sadd.s32 s3, s2  }
0x8d: {  	s2 =	sadd.s32 s2, s14  }
0x8e: {  	[smem:$0x3FC6] =	sst s2  }
0x8f: {  	_ = 	snop  }
0x90: {  	s2 =	sld [smem:$0x3FD0];
	_ =	sdelay $0x2  }
0x91: {  	s15 =	simm.s32 $0xA;
	s4 =	simm.s32 $0x10  }
0x92: {  	[smem:s4], [sflag:s15] =	dma.local [hbm:s2], $0x1  }
0x93: {  	_ =	swait.eq [sflag:s15], $0x1  }
0x94: {  	[sflag:s15] =	ssyncset.done $0x0  }
0x95: {  	s16 =	sld [smem:$0x10];
	[sflag:s15] =	ssyncadd.s32 $0xFFFFFFFF  }
0x96: {  	s17 =	sld [smem:$0x11];
	(tm) =	ssettm $0x1  }
0x97: {  	s18 =	sld [smem:$0x3FFB];
	_ =	sdelay $0x3  }
0x98: {  	_ =	strace s18  }
0x99: {  	s4 =	sld [smem:$0x3FFC];
	_ =	sdelay $0x3  }
0x9a: {  	_ =	strace s4  }
0x9b: {  	s4 =	sld [smem:$0x3FFD];
	_ =	sdelay $0x3  }
0x9c: {  	_ =	strace s4  }
0x9d: {  	_ =	strace $0x8FFFFFFF  }
0x9e: {  	s19 =	sld [smem:$0x3FDB];
	_ =	sdelay $0x1  }
0x9f: {  	s5 =	simm.s32 $_scs_section_size  }
0xa0: {  	s6 =	simm.s32 $_size__tile_overlayer_lowered;
	s7 =	simm.s32 $_tile_overlayer_lowered  }
0xa1: {  	s22 =	simm.s32 $0x1BFF;
	s21 =	sshll.u32 s7, $0x1;
	s4 =	sadd.s32 s5, s19  }
0xa2: {  	s8 =	simm.s32 $0x0;
	s20 =	sshll.u32 s6, $0x1;
	s6 =	sadd.s32 s21, s4  }
0xa3: {  	[timem:s8], [sflag:s22] =	dma.local [hbm:s6], s20  }
0xa4: {  	_ =	swait.ge [sflag:s22], s20  }
0xa5: {  	s5 =	ssub.s32 $0x0, s20;
	[sflag:s22] =	ssyncset.done $0x0  }
0xa6: {  	[sflag:s22] =	ssyncadd.s32 s5;
	_ =	sdelay $0x1  }
0xa7: {  	s23 =	simm.s32 $0x1B8B  }
0xa8: {  	_ =	swait.ge [sflag:s23], $0x1  }
0xa9: {  	[sflag:s23] =	ssyncset.done $0x0  }
0xaa: {  	s25 =	simm.s32 $0x1B8E;
	s24 =	sld [smem:$0x3FFE];
	[sflag:s23] =	ssyncadd.s32 $0xFFFFFFFF  }
0xab: {  	s26 =	simm.s32 $execute0_lowered;
	[smem:$0x3FD2] =	sst s25  }
0xac: {  	s6 =	sshll.u32 s26, $0x1;
	_ =	strace $0x80000046;
	[dreg:$0x1] =	wrdreg $0xFFFFFFFF  }
0xad: {  	s28 =	simm.s32 $_size_execute0_lowered;
	s4 =	sadd.s32 s4, s6;
	[dreg:$0x0] =	wrdreg $0x0  }
0xae: {  	s6 =	sshll.u32 s28, $0x1;
	[dreg:$0x2] =	wrdreg s4  }
0xaf: {  	[dreg:$0x3] =	wrdreg s6  }
0xb0: {  	[dreg:$0x4] =	wrdreg $0xC0  }
0xb1: {  	_ =	task [dreg:s8], $0x5FFFF  }
0xb2: {  	[dreg:$0x1] =	wrdreg $0xFFFFFFFF  }
0xb3: {  	[dreg:$0x0] =	wrdreg $0x60  }
0xb4: {  	[dreg:$0x2] =	wrdreg s16  }
0xb5: {  	[dreg:$0x3] =	wrdreg s24  }
0xb6: {  	[dreg:$0x4] =	wrdreg s17  }
0xb7: {  	[dreg:$0x5] =	wrdreg $0x9  }
0xb8: {  	_ =	task.clear_ibuf [dreg:s8], $0x6FFFF;
	_ =	strace $0x90000046  }
0xb9: {  	s29 =	simm.s32 $0x9;
	_ =	strace $0x80000048  }
0xba: {  	_ =	swait.ge [sflag:s29], $0x1  }
0xbb: {  	[sflag:s29] =	ssyncadd.s32 $0xFFFFFFFF  }
0xbc: {  	_ =	strace $0x90000048  }
0xbd: {  	_ =	sfence  }
0xbe: {  	s30 =	sld [smem:$0x0];
	_ =	sdelay $0x2  }
0xbf: {  	s31 =	sshll.u32 s1, $0xD;
	s1 =	sshrl.u32 s1, $0x2  }
0xc0: {  	s3 =	sand.u32 $0x4000, s31;
	s1 =	sadd.s32 s1, s30  }
0xc1: {  	s0 =	sor.u32 s3, s0;
	s1 =	sshll.u32 s1, $0x11  }
0xc2: {  	s0 =	sor.u32 s1, s0  }
0xc3: {  	s0 =	sadd.s32 $0x8F2B, s0  }
0xc4: {  	[sflag:s0] =	ssyncadd.remote.s32 $0x1  }
0xc5: {  	_ =	sfence.sel $0xFFFF  }
0xc6: {  	[dreg:$0x0] =	wrdreg $0xFFFFFFFF;
	(pc) =	sbr.abs _section_cstart, $3  }
0xc7: {  	[dreg:$0x1] =	wrdreg $0xFFFFFFFF  }
0xc8: {  	_ =	task.clear_ibuf [dreg:s8], $0x2FFFF;
	_ =	strace $0x9FFFFFFF  }
0xc9: {  	(tm) =	ssettm $0x7FFFFFFF  }
tec
execute0_lowered:
.L_overlay_start_1:
0x0: {  	(tag) =	ssettag $0x1  }
0x1: {  	s8 =	rddreg [dreg:$0x0]  }
0x2: {  	s7 =	rddreg [dreg:$0x1]  }
0x3: {  	s1 =	rddreg [dreg:$0x2]  }
0x4: {  	s0 =	rddreg [dreg:$0x3]  }
0x5: {  	s3 =	simm.s32 $0x0;
	s2 =	stileid.u32;
	s11 =	srdreg.scid  }
0x6: {  	s14 =	simm.s32 $0x14080;
	s15 =	simm.s32 $0x4080;
	s16 =	simm.s32 $0x0  }
0x7: {  	[smem:$0x7FF] =	sst s3;
	s4 =	sadd.s32 $0x1A00, s7;
	s5 =	sadd.s32 $0x1C00, s7  }
0x8: {  	s6 =	sshrl.u32 s2, $0x3;
	s9 =	sshll.u32 s2, $0x7;
	s11 =	sand.u32 $0x1, s11  }
0x9: {  	_ =	strace $0x80000047;
	s9 =	sand.u32 $0x380, s9;
	s10 =	sshll.u32 s6, $0x12  }
0xa: {  	s12 =	sshll.u32 s6, $0x11;
	s30 =	ssub.s32 $0x2, s11;
	p0 =	seq.s32 s11, $0x1  }
.Ltmp0:
0xb: {  	v6 =	vlaneseq.u32;
	s11 =	simm.s32 $0x80;
	s10 =	sor.u32 s9, s10;
	(pc) =	sbr.rel .LBB2_1-.Ltmp0, $4  }
0xc: {  	v0 =	vshrl.u32 v6, $0x3;
	s9 =	sor.u32 s9, s12;
	s13 =	sshrl.u32 s30, $0x1;
	s12 =	simm.s32 $0x400  }
0xd: {  	v1 =	vimm.f32 $0.0e+00;
	vm0 =	vcmask $0x1F00;
	v0 =	vmul.u32 $0x4, v0;
	s6 =	sshrl.u32 s10, $0x3;
	s9 =	sshrl.u32 s9, $0x3;
	s10 =	ssub.s32 s30, s13  }
0xe: {  	v7 =	vimm.s32 $0x0;
	v2 =	vsel vm0, $0x3F800000, v1;
	v6 =	vor.u32 $0x8, v6;
	s13 =	simm.s32 $0x1;
	s31 =	sadd.s32 s6, s7;
	s7 =	sadd.s32 $0x11E00, s7  }
0xf: {  	v3 =	vor.u32 $0x1, v0;
	v4 =	vor.u32 $0x2, v0;
	v5 =	vor.u32 $0x3, v0;
	s8 =	sadd.s32 s8, s9;
	s10 =	smax.u32 s10, $0x1;
	s9 =	sadd.s32 $0x1E00, s31  }
.LBB2_7:
0x10: {  	v12 =	vmul.f32 v13, v12  }
0x11: {  	v23 =	vpop (erf)  }
0x12: {  	v12 =	vmul.f32 v23, v12;
	_ =	sdelay $0x1  }
0x13: {  	v13 =	vperm.xlane v12, v0;
	v14 =	vperm.xlane v12, v3  }
0x14: {  	v15 =	vperm.xlane v12, v4  }
0x15: {  	v13 =	vmul.f32 v13, v11;
	v14 =	vmul.f32 v14, v10;
	_ =	sdelay $0x1  }
0x16: {  	v16 =	vperm.xlane v12, v5;
	v24 =	vmul.f32 v15, v9;
	v13 =	vadd.f32 v14, v13;
	_ =	sdelay $0x1  }
0x17: {  	v25 =	vmul.f32 v16, v8;
	v13 =	vadd.f32 v24, v13;
	_ =	sdelay $0x1  }
0x18: {  	v13 =	vadd.f32 v25, v13;
	_ =	sdelay $0x1  }
0x19: {  	v14 =	vperm.xlane v13, v6;
	_ =	sdelay $0x1  }
0x1a: {  	s18 =	sshra.s32 s18, $0x2;
	v13 =	vadd.f32 v13, v14  }
0x1b: {  	[tilespmem:s18+$0x14060] =	vst v12  }
0x1c: {  	[tilespmem:s18+$0xC060] =	vst v13  }
0x1d: {  	v12 =	vld [tilespmem:s17+$0xFFFFFFF8];
	_ =	sdelay $0x4  }
0x1e: {  	v12 =	vmul.f32 $1.442695020e+00, v12;
	_ =	sdelay $0x1  }
0x1f: {  	(erf) = vpow2.f32 v12;
	_ =	sdelay $0x8  }
0x20: {  	v12 =	vpop (erf)  }
0x21: {  	v12 =	vmul.f32 v12, v13;
	_ =	sdelay $0x1  }
0x22: {  	v13 =	vperm.xlane v12, v0;
	v26 =	vperm.xlane v12, v3  }
0x23: {  	v27 =	vperm.xlane v12, v4  }
0x24: {  	v13 =	vmul.f32 v13, v11;
	v14 =	vmul.f32 v26, v10;
	_ =	sdelay $0x1  }
0x25: {  	v28 =	vperm.xlane v12, v5;
	v29 =	vmul.f32 v27, v9;
	v13 =	vadd.f32 v14, v13;
	_ =	sdelay $0x1  }
0x26: {  	v30 =	vmul.f32 v28, v8;
	v13 =	vadd.f32 v29, v13;
	_ =	sdelay $0x1  }
0x27: {  	v13 =	vadd.f32 v30, v13;
	_ =	sdelay $0x1  }
0x28: {  	v14 =	vperm.xlane v13, v6;
	_ =	sdelay $0x1  }
0x29: {  	v13 =	vadd.f32 v13, v14  }
0x2a: {  	[tilespmem:s18+$0x14050] =	vst v12  }
0x2b: {  	[tilespmem:s18+$0xC050] =	vst v13  }
0x2c: {  	v12 =	vld [tilespmem:s17+$0xFFFFFFF0];
	_ =	sdelay $0x4  }
0x2d: {  	v12 =	vmul.f32 $1.442695020e+00, v12;
	_ =	sdelay $0x1  }
0x2e: {  	(erf) = vpow2.f32 v12;
	_ =	sdelay $0x8  }
0x2f: {  	v12 =	vpop (erf)  }
0x30: {  	v12 =	vmul.f32 v12, v13;
	_ =	sdelay $0x1  }
0x31: {  	v13 =	vperm.xlane v12, v0;
	v31 =	vperm.xlane v12, v3  }
0x32: {  	v32 =	vperm.xlane v12, v4  }
0x33: {  	v13 =	vmul.f32 v13, v11;
	v14 =	vmul.f32 v31, v10;
	_ =	sdelay $0x1  }
0x34: {  	v33 =	vperm.xlane v12, v5;
	v34 =	vmul.f32 v32, v9;
	v13 =	vadd.f32 v14, v13;
	_ =	sdelay $0x1  }
0x35: {  	v35 =	vmul.f32 v33, v8;
	v13 =	vadd.f32 v34, v13;
	_ =	sdelay $0x1  }
0x36: {  	v13 =	vadd.f32 v35, v13;
	_ =	sdelay $0x1  }
0x37: {  	v14 =	vperm.xlane v13, v6;
	_ =	sdelay $0x1  }
0x38: {  	v13 =	vadd.f32 v13, v14  }
0x39: {  	[tilespmem:s18+$0x14040] =	vst v12  }
0x3a: {  	[tilespmem:s18+$0xC040] =	vst v13  }
0x3b: {  	v12 =	vld [tilespmem:s17+$0xFFFFFFE8];
	_ =	sdelay $0x4  }
0x3c: {  	v12 =	vmul.f32 $1.442695020e+00, v12;
	_ =	sdelay $0x1  }
0x3d: {  	(erf) = vpow2.f32 v12;
	_ =	sdelay $0x8  }
0x3e: {  	v12 =	vpop (erf)  }
0x3f: {  	v12 =	vmul.f32 v12, v13;
	_ =	sdelay $0x1  }
0x40: {  	v13 =	vperm.xlane v12, v0;
	v36 =	vperm.xlane v12, v3  }
0x41: {  	v37 =	vperm.xlane v12, v4  }
0x42: {  	v13 =	vmul.f32 v13, v11;
	v14 =	vmul.f32 v36, v10;
	_ =	sdelay $0x1  }
0x43: {  	v38 =	vperm.xlane v12, v5;
	v39 =	vmul.f32 v37, v9;
	v13 =	vadd.f32 v14, v13;
	_ =	sdelay $0x1  }
0x44: {  	v40 =	vmul.f32 v38, v8;
	v13 =	vadd.f32 v39, v13;
	_ =	sdelay $0x1  }
0x45: {  	v13 =	vadd.f32 v40, v13;
	_ =	sdelay $0x1  }
0x46: {  	v14 =	vperm.xlane v13, v6;
	_ =	sdelay $0x1  }
0x47: {  	v13 =	vadd.f32 v13, v14  }
0x48: {  	[tilespmem:s18+$0x14030] =	vst v12  }
0x49: {  	[tilespmem:s18+$0xC030] =	vst v13  }
0x4a: {  	v12 =	vld [tilespmem:s17+$0xFFFFFFE0];
	_ =	sdelay $0x4  }
0x4b: {  	v12 =	vmul.f32 $1.442695020e+00, v12;
	_ =	sdelay $0x1  }
0x4c: {  	(erf) = vpow2.f32 v12;
	_ =	sdelay $0x8  }
0x4d: {  	v12 =	vpop (erf)  }
0x4e: {  	v12 =	vmul.f32 v12, v13;
	_ =	sdelay $0x1  }
0x4f: {  	v13 =	vperm.xlane v12, v0;
	v41 =	vperm.xlane v12, v3  }
0x50: {  	v42 =	vperm.xlane v12, v4  }
0x51: {  	v13 =	vmul.f32 v13, v11;
	v14 =	vmul.f32 v41, v10;
	_ =	sdelay $0x1  }
0x52: {  	v43 =	vperm.xlane v12, v5;
	v44 =	vmul.f32 v42, v9;
	v13 =	vadd.f32 v14, v13;
	_ =	sdelay $0x1  }
0x53: {  	v45 =	vmul.f32 v43, v8;
	v13 =	vadd.f32 v44, v13;
	_ =	sdelay $0x1  }
0x54: {  	v13 =	vadd.f32 v45, v13;
	_ =	sdelay $0x1  }
0x55: {  	v14 =	vperm.xlane v13, v6;
	_ =	sdelay $0x1  }
0x56: {  	v13 =	vadd.f32 v13, v14  }
0x57: {  	[tilespmem:s18+$0x14020] =	vst v12  }
0x58: {  	[tilespmem:s18+$0xC020] =	vst v13  }
0x59: {  	v12 =	vld [tilespmem:s17+$0xFFFFFFD8];
	_ =	sdelay $0x4  }
0x5a: {  	v12 =	vmul.f32 $1.442695020e+00, v12;
	_ =	sdelay $0x1  }
0x5b: {  	(erf) = vpow2.f32 v12;
	_ =	sdelay $0x8  }
0x5c: {  	v12 =	vpop (erf)  }
0x5d: {  	v12 =	vmul.f32 v12, v13;
	_ =	sdelay $0x1  }
0x5e: {  	v13 =	vperm.xlane v12, v0;
	v46 =	vperm.xlane v12, v3  }
0x5f: {  	v47 =	vperm.xlane v12, v4  }
0x60: {  	v13 =	vmul.f32 v13, v11;
	v14 =	vmul.f32 v46, v10;
	_ =	sdelay $0x1  }
0x61: {  	v48 =	vperm.xlane v12, v5;
	v49 =	vmul.f32 v47, v9;
	v13 =	vadd.f32 v14, v13;
	_ =	sdelay $0x1  }
0x62: {  	v50 =	vmul.f32 v48, v8;
	v13 =	vadd.f32 v49, v13;
	_ =	sdelay $0x1  }
0x63: {  	v13 =	vadd.f32 v50, v13;
	_ =	sdelay $0x1  }
0x64: {  	v14 =	vperm.xlane v13, v6;
	_ =	sdelay $0x1  }
0x65: {  	v13 =	vadd.f32 v13, v14  }
0x66: {  	[tilespmem:s18+$0x14010] =	vst v12  }
0x67: {  	[tilespmem:s18+$0xC010] =	vst v13  }
0x68: {  	v12 =	vld [tilespmem:s17+$0xFFFFFFD0];
	_ =	sdelay $0x4  }
0x69: {  	v12 =	vmul.f32 $1.442695020e+00, v12;
	_ =	sdelay $0x1  }
0x6a: {  	(erf) = vpow2.f32 v12;
	_ =	sdelay $0x8  }
0x6b: {  	v12 =	vpop (erf)  }
0x6c: {  	v12 =	vmul.f32 v12, v13;
	_ =	sdelay $0x1  }
0x6d: {  	v13 =	vperm.xlane v12, v0;
	v51 =	vperm.xlane v12, v3  }
0x6e: {  	v52 =	vperm.xlane v12, v4  }
0x6f: {  	v13 =	vmul.f32 v13, v11;
	v14 =	vmul.f32 v51, v10;
	_ =	sdelay $0x1  }
0x70: {  	v53 =	vperm.xlane v12, v5;
	v54 =	vmul.f32 v52, v9;
	v13 =	vadd.f32 v14, v13;
	_ =	sdelay $0x1  }
0x71: {  	v55 =	vmul.f32 v53, v8;
	v13 =	vadd.f32 v54, v13;
	_ =	sdelay $0x1  }
0x72: {  	v13 =	vadd.f32 v55, v13;
	_ =	sdelay $0x1  }
0x73: {  	v14 =	vperm.xlane v13, v6;
	_ =	sdelay $0x1  }
0x74: {  	v13 =	vadd.f32 v13, v14  }
0x75: {  	[tilespmem:s18+$0x14000] =	vst v12  }
0x76: {  	[tilespmem:s18+$0xC000] =	vst v13  }
0x77: {  	v12 =	vld [tilespmem:s17+$0xFFFFFFC8];
	_ =	sdelay $0x4  }
0x78: {  	v12 =	vmul.f32 $1.442695020e+00, v12;
	_ =	sdelay $0x1  }
0x79: {  	(erf) = vpow2.f32 v12;
	_ =	sdelay $0x8  }
0x7a: {  	v12 =	vpop (erf)  }
0x7b: {  	v12 =	vmul.f32 v12, v13;
	_ =	sdelay $0x1  }
0x7c: {  	v13 =	vperm.xlane v12, v0;
	v56 =	vperm.xlane v12, v3  }
0x7d: {  	v57 =	vperm.xlane v12, v4  }
0x7e: {  	v13 =	vmul.f32 v13, v11;
	v14 =	vmul.f32 v56, v10;
	_ =	sdelay $0x1  }
0x7f: {  	v58 =	vperm.xlane v12, v5;
	v59 =	vmul.f32 v57, v9;
	v13 =	vadd.f32 v14, v13;
	_ =	sdelay $0x1  }
0x80: {  	v60 =	vmul.f32 v58, v8;
	v13 =	vadd.f32 v59, v13;
	_ =	sdelay $0x1  }
0x81: {  	v13 =	vadd.f32 v60, v13;
	_ =	sdelay $0x1  }
0x82: {  	v14 =	vperm.xlane v13, v6;
	_ =	sdelay $0x1  }
0x83: {  	v13 =	vadd.f32 v13, v14  }
0x84: {  	[tilespmem:s18+$0x13FF0] =	vst v12  }
0x85: {  	[tilespmem:s18+$0xBFF0] =	vst v13  }
0x86: {  	v12 =	vld [tilespmem:$0x38];
	_ =	sdelay $0x2  }
0x87: {  	v14 =	vperm.xlane v13, v7;
	_ =	sdelay $0x1  }
0x88: {  	(erf) = vrcp.f32 v14;
	v12 =	vmul.f32 $1.442695020e+00, v12;
	_ =	sdelay $0x1  }
0x89: {  	(erf) = vpow2.f32 v12;
	_ =	sdelay $0x6  }
0x8a: {  	v61 =	vpop (erf)  }
0x8b: {  	v63 =	vld [tilespmem:$0x30];
	v12 =	vmul.f32 v61, v13  }
0x8c: {  	v62 =	vpop (erf)  }
0x8d: {  	v12 =	vmul.f32 v62, v12;
	_ =	sdelay $0x1  }
0x8e: {  	v20 =	vperm.xlane v12, v0;
	v21 =	vperm.xlane v12, v3  }
0x8f: {  	v13 =	vmul.f32 $1.442695020e+00, v63;
	v22 =	vperm.xlane v12, v4  }
0x90: {  	v14 =	vmul.f32 v20, v11;
	v15 =	vmul.f32 v21, v10  }
0x91: {  	(erf) = vpow2.f32 v13  }
0x92: {  	v23 =	vperm.xlane v12, v5;
	v16 =	vmul.f32 v22, v9;
	v14 =	vadd.f32 v15, v14;
	_ =	sdelay $0x1  }
0x93: {  	v25 =	vmul.f32 v23, v8;
	v24 =	vadd.f32 v16, v14;
	_ =	sdelay $0x1  }
0x94: {  	v13 =	vadd.f32 v25, v24;
	_ =	sdelay $0x1  }
0x95: {  	v14 =	vperm.xlane v13, v6;
	_ =	sdelay $0x1  }
0x96: {  	v27 =	vld [tilespmem:$0x28];
	v13 =	vadd.f32 v13, v14  }
0x97: {  	v26 =	vpop (erf)  }
0x98: {  	v14 =	vmul.f32 v26, v13;
	_ =	sdelay $0x1  }
0x99: {  	v28 =	vperm.xlane v14, v0;
	v17 =	vperm.xlane v14, v3  }
0x9a: {  	v15 =	vmul.f32 $1.442695020e+00, v27;
	v18 =	vperm.xlane v14, v4  }
0x9b: {  	v16 =	vmul.f32 v28, v11;
	v17 =	vmul.f32 v17, v10  }
0x9c: {  	(erf) = vpow2.f32 v15  }
0x9d: {  	v29 =	vperm.xlane v14, v5;
	v18 =	vmul.f32 v18, v9;
	v16 =	vadd.f32 v17, v16;
	_ =	sdelay $0x1  }
0x9e: {  	v31 =	vmul.f32 v29, v8;
	v30 =	vadd.f32 v18, v16;
	_ =	sdelay $0x1  }
0x9f: {  	v15 =	vadd.f32 v31, v30;
	_ =	sdelay $0x1  }
0xa0: {  	v16 =	vperm.xlane v15, v6;
	_ =	sdelay $0x1  }
0xa1: {  	v33 =	vld [tilespmem:$0x20];
	v15 =	vadd.f32 v15, v16  }
0xa2: {  	v32 =	vpop (erf)  }
0xa3: {  	v16 =	vmul.f32 v32, v15;
	_ =	sdelay $0x1  }
0xa4: {  	v34 =	vperm.xlane v16, v0;
	v19 =	vperm.xlane v16, v3  }
0xa5: {  	v17 =	vmul.f32 $1.442695020e+00, v33;
	v20 =	vperm.xlane v16, v4  }
0xa6: {  	v18 =	vmul.f32 v34, v11;
	v19 =	vmul.f32 v19, v10  }
0xa7: {  	(erf) = vpow2.f32 v17  }
0xa8: {  	v35 =	vperm.xlane v16, v5;
	v20 =	vmul.f32 v20, v9;
	v18 =	vadd.f32 v19, v18;
	_ =	sdelay $0x1  }
0xa9: {  	v37 =	vmul.f32 v35, v8;
	v36 =	vadd.f32 v20, v18;
	_ =	sdelay $0x1  }
0xaa: {  	v17 =	vadd.f32 v37, v36;
	_ =	sdelay $0x1  }
0xab: {  	v18 =	vperm.xlane v17, v6;
	_ =	sdelay $0x1  }
0xac: {  	v39 =	vld [tilespmem:$0x18];
	v17 =	vadd.f32 v17, v18  }
0xad: {  	v38 =	vpop (erf)  }
0xae: {  	v18 =	vmul.f32 v38, v17;
	_ =	sdelay $0x1  }
0xaf: {  	v40 =	vperm.xlane v18, v0;
	v21 =	vperm.xlane v18, v3  }
0xb0: {  	v19 =	vmul.f32 $1.442695020e+00, v39;
	v22 =	vperm.xlane v18, v4  }
0xb1: {  	v20 =	vmul.f32 v40, v11;
	v21 =	vmul.f32 v21, v10  }
0xb2: {  	(erf) = vpow2.f32 v19  }
0xb3: {  	v41 =	vperm.xlane v18, v5;
	v22 =	vmul.f32 v22, v9;
	v20 =	vadd.f32 v21, v20;
	_ =	sdelay $0x1  }
0xb4: {  	v43 =	vmul.f32 v41, v8;
	v42 =	vadd.f32 v22, v20;
	_ =	sdelay $0x1  }
0xb5: {  	v19 =	vadd.f32 v43, v42;
	_ =	sdelay $0x1  }
0xb6: {  	v20 =	vperm.xlane v19, v6;
	_ =	sdelay $0x1  }
0xb7: {  	v45 =	vld [tilespmem:$0x10];
	v19 =	vadd.f32 v19, v20  }
0xb8: {  	v44 =	vpop (erf)  }
0xb9: {  	v20 =	vmul.f32 v44, v19;
	_ =	sdelay $0x1  }
0xba: {  	v46 =	vperm.xlane v20, v0;
	v23 =	vperm.xlane v20, v3  }
0xbb: {  	v21 =	vmul.f32 $1.442695020e+00, v45;
	v24 =	vperm.xlane v20, v4  }
0xbc: {  	v22 =	vmul.f32 v46, v11;
	v23 =	vmul.f32 v23, v10  }
0xbd: {  	(erf) = vpow2.f32 v21  }
0xbe: {  	v47 =	vperm.xlane v20, v5;
	v24 =	vmul.f32 v24, v9;
	v22 =	vadd.f32 v23, v22;
	_ =	sdelay $0x1  }
0xbf: {  	v49 =	vmul.f32 v47, v8;
	v48 =	vadd.f32 v24, v22;
	_ =	sdelay $0x1  }
0xc0: {  	v21 =	vadd.f32 v49, v48;
	_ =	sdelay $0x1  }
0xc1: {  	v22 =	vperm.xlane v21, v6;
	_ =	sdelay $0x1  }
0xc2: {  	v51 =	vld [tilespmem:$0x8];
	v21 =	vadd.f32 v21, v22  }
0xc3: {  	v50 =	vpop (erf)  }
0xc4: {  	v22 =	vmul.f32 v50, v21;
	_ =	sdelay $0x1  }
0xc5: {  	v52 =	vperm.xlane v22, v0;
	v25 =	vperm.xlane v22, v3  }
0xc6: {  	v23 =	vmul.f32 $1.442695020e+00, v51;
	v26 =	vperm.xlane v22, v4  }
0xc7: {  	v24 =	vmul.f32 v52, v11;
	v25 =	vmul.f32 v25, v10  }
0xc8: {  	(erf) = vpow2.f32 v23  }
0xc9: {  	v53 =	vperm.xlane v22, v5;
	v26 =	vmul.f32 v26, v9;
	v24 =	vadd.f32 v25, v24;
	_ =	sdelay $0x1  }
0xca: {  	v55 =	vmul.f32 v53, v8;
	v54 =	vadd.f32 v26, v24;
	_ =	sdelay $0x1  }
0xcb: {  	v23 =	vadd.f32 v55, v54;
	_ =	sdelay $0x1  }
0xcc: {  	v24 =	vperm.xlane v23, v6;
	_ =	sdelay $0x1  }
0xcd: {  	v23 =	vadd.f32 v23, v24  }
0xce: {  	v56 =	vpop (erf)  }
0xcf: {  	v24 =	vmul.f32 v56, v23;
	_ =	sdelay $0x1  }
0xd0: {  	v57 =	vperm.xlane v24, v0;
	v58 =	vperm.xlane v24, v3  }
0xd1: {  	[tilespmem:$0xC0E0] =	vst v12;
	v61 =	vperm.xlane v24, v4  }
0xd2: {  	[tilespmem:$0x40E0] =	vst v13;
	v59 =	vmul.f32 v57, v11;
	v60 =	vmul.f32 v58, v10  }
0xd3: {  	[tilespmem:$0xC0D0] =	vst v14  }
0xd4: {  	[tilespmem:$0x40D0] =	vst v15;
	v63 =	vperm.xlane v24, v5;
	v62 =	vmul.f32 v61, v9;
	v10 =	vadd.f32 v60, v59  }
0xd5: {  	[tilespmem:$0xC0C0] =	vst v16  }
0xd6: {  	[tilespmem:$0x40C0] =	vst v17;
	v8 =	vmul.f32 v63, v8;
	v9 =	vadd.f32 v62, v10  }
0xd7: {  	[tilespmem:$0xC0B0] =	vst v18  }
0xd8: {  	[tilespmem:$0x40B0] =	vst v19;
	v8 =	vadd.f32 v8, v9  }
0xd9: {  	[tilespmem:$0xC0A0] =	vst v20  }
0xda: {  	[tilespmem:$0x40A0] =	vst v21;
	v9 =	vperm.xlane v8, v6  }
0xdb: {  	[tilespmem:$0xC090] =	vst v22  }
0xdc: {  	[tilespmem:$0x4090] =	vst v23;
	v8 =	vadd.f32 v8, v9  }
0xdd: {  	[tilespmem:$0xC080] =	vst v24  }
0xde: {  	[tilespmem:$0x4080] =	vst v8  }
0xdf: {  	[hbm4b:s9+s11] =	stream.strided.scatter [tilespmem:s15], [sflag:$0x1], $0x8000, s12, s11, $0x38;
	[tilespmem:$0x14280] =	vst v63  }
0xe0: {  	_ =	swait.ge [sflag:s13], $0x8000  }
0xe1: {  	[sflag:s13] =	ssyncset.done $0x0  }
0xe2: {  	s17 =	simm.s32 $0xC080;
	s18 =	smov.u32 s7;
	[sflag:s13] =	ssyncadd.s32 $0xFFFF8000  }
.LBB2_8:
0xe3: {  	s16 =	sadd.s32 $0x1, s16  }
0xe4: {  	p1 =	sne.s32 s16, s10  }
.Ltmp1:
0xe5: {  	s18 =	sadd.s32 s18, s6;
	(pc) =	sbr.rel @!p1 .LBB2_9-.Ltmp1, $4  }
0xe6: {  	[hbm4b:s18+s11] =	stream.strided.scatter [tilespmem:s17], [sflag:$0x1], $0x8000, s12, s11, $0x38;
	[tilespmem:$0x14280] =	vst v63  }
0xe7: {  	_ =	swait.ge [sflag:s13], $0x8000  }
0xe8: {  	[sflag:s13] =	ssyncset.done $0x0  }
0xe9: {  	[sflag:s13] =	ssyncadd.s32 $0xFFFF8000  }
.LBB2_1:
.Ltmp2:
0xea: {  	[tilespmem:$0x4000] =	vst v1;
	(pc) =	sbr.rel @!p0 .LBB2_2-.Ltmp2, $4  }
0xeb: {  	[tilespmem:s3], [sflag:$0x1] =	stream.strided.gather [hbm4b:s8+s11], $0x4000, s12, s11, $0x38;
	[tilespmem:$0x14280] =	vst v63  }
0xec: {  	_ =	swait.ge [sflag:s13], $0x4000  }
0xed: {  	[sflag:s13] =	ssyncset.done $0x0  }
0xee: {  	s17 =	simm.s32 $0x0;
	[sflag:s13] =	ssyncadd.s32 $0xFFFFC000  }
0xef: {  	[tilespmem:s14], [sflag:$0x1] =	stream.linear.gather [hbm4b:s5+s17], $0x200, $0x38;
	[tilespmem:$0x14280] =	vst v63  }
0xf0: {  	_ =	swait.ge [sflag:s13], $0x200  }
0xf1: {  	[sflag:s13] =	ssyncset.done $0x0  }
0xf2: {  	[sflag:s13] =	ssyncadd.s32 $0xFFFFFE00  }
0xf3: {  	s31 =	simm.s32 $0x3FF8;
	[tilespmem:$0xC070] =	vst v2  }
0xf4: {  	v8 =	vld [tilespmem:s31+$0x0];
	_ =	sdelay $0x4  }
0xf5: {  	v8 =	vmul.f32 $1.442695020e+00, v8;
	_ =	sdelay $0x1  }
0xf6: {  	(erf) = vpow2.f32 v8;
	_ =	sdelay $0x7  }
0xf7: {  	v11 =	vld [tilespmem:$0x14080]  }
0xf8: {  	v10 =	vld [tilespmem:$0x14100];
	v8 =	vpop (erf)  }
0xf9: {  	v12 =	vmul.f32 v8, v2  }
0xfa: {  	v9 =	vld [tilespmem:$0x14180]  }
0xfb: {  	v13 =	vperm.xlane v12, v0;
	v14 =	vperm.xlane v12, v3  }
0xfc: {  	v8 =	vld [tilespmem:$0x14200];
	v15 =	vperm.xlane v12, v4  }
0xfd: {  	v13 =	vmul.f32 v13, v11;
	v14 =	vmul.f32 v14, v10;
	_ =	sdelay $0x1  }
0xfe: {  	v16 =	vperm.xlane v12, v5;
	v13 =	vadd.f32 v14, v13;
	v14 =	vmul.f32 v15, v9;
	_ =	sdelay $0x1  }
0xff: {  	v13 =	vadd.f32 v14, v13;
	v14 =	vmul.f32 v16, v8;
	_ =	sdelay $0x1  }
0x100: {  	v13 =	vadd.f32 v14, v13;
	_ =	sdelay $0x1  }
0x101: {  	v14 =	vperm.xlane v13, v6;
	_ =	sdelay $0x1  }
0x102: {  	s18 =	simm.s32 $0x0;
	v13 =	vadd.f32 v13, v14  }
0x103: {  	[tilespmem:s18+$0x14060] =	vst v12  }
0x104: {  	[tilespmem:s18+$0xC060] =	vst v13  }
0x105: {  	v12 =	vld [tilespmem:s31+$0xFFFFFFF8];
	_ =	sdelay $0x4  }
0x106: {  	v12 =	vmul.f32 $1.442695020e+00, v12;
	_ =	sdelay $0x1  }
0x107: {  	(erf) = vpow2.f32 v12;
	_ =	sdelay $0x8  }
0x108: {  	v12 =	vpop (erf)  }
0x109: {  	v12 =	vmul.f32 v12, v13;
	_ =	sdelay $0x1  }
0x10a: {  	v13 =	vperm.xlane v12, v0;
	v14 =	vperm.xlane v12, v3  }
0x10b: {  	v15 =	vperm.xlane v12, v4  }
0x10c: {  	v13 =	vmul.f32 v13, v11;
	v14 =	vmul.f32 v14, v10;
	_ =	sdelay $0x1  }
0x10d: {  	v57 =	vperm.xlane v12, v5;
	v13 =	vadd.f32 v14, v13;
	v14 =	vmul.f32 v15, v9;
	_ =	sdelay $0x1  }
0x10e: {  	v13 =	vadd.f32 v14, v13;
	v14 =	vmul.f32 v57, v8;
	_ =	sdelay $0x1  }
0x10f: {  	v13 =	vadd.f32 v14, v13;
	_ =	sdelay $0x1  }
0x110: {  	v14 =	vperm.xlane v13, v6;
	_ =	sdelay $0x1  }
0x111: {  	v13 =	vadd.f32 v13, v14  }
0x112: {  	[tilespmem:s18+$0x14050] =	vst v12  }
0x113: {  	[tilespmem:s18+$0xC050] =	vst v13  }
0x114: {  	v12 =	vld [tilespmem:s31+$0xFFFFFFF0];
	_ =	sdelay $0x4  }
0x115: {  	v12 =	vmul.f32 $1.442695020e+00, v12;
	_ =	sdelay $0x1  }
0x116: {  	(erf) = vpow2.f32 v12;
	_ =	sdelay $0x8  }
0x117: {  	v12 =	vpop (erf)  }
0x118: {  	v12 =	vmul.f32 v12, v13;
	_ =	sdelay $0x1  }
0x119: {  	v13 =	vperm.xlane v12, v0;
	v14 =	vperm.xlane v12, v3  }
0x11a: {  	v15 =	vperm.xlane v12, v4  }
0x11b: {  	v13 =	vmul.f32 v13, v11;
	v14 =	vmul.f32 v14, v10;
	_ =	sdelay $0x1  }
0x11c: {  	v58 =	vperm.xlane v12, v5;
	v13 =	vadd.f32 v14, v13;
	v14 =	vmul.f32 v15, v9;
	_ =	sdelay $0x1  }
0x11d: {  	v13 =	vadd.f32 v14, v13;
	v14 =	vmul.f32 v58, v8;
	_ =	sdelay $0x1  }
0x11e: {  	v13 =	vadd.f32 v14, v13;
	_ =	sdelay $0x1  }
0x11f: {  	v14 =	vperm.xlane v13, v6;
	_ =	sdelay $0x1  }
0x120: {  	v13 =	vadd.f32 v13, v14  }
0x121: {  	[tilespmem:s18+$0x14040] =	vst v12  }
0x122: {  	[tilespmem:s18+$0xC040] =	vst v13  }
0x123: {  	v12 =	vld [tilespmem:s31+$0xFFFFFFE8];
	_ =	sdelay $0x4  }
0x124: {  	v12 =	vmul.f32 $1.442695020e+00, v12;
	_ =	sdelay $0x1  }
0x125: {  	(erf) = vpow2.f32 v12;
	_ =	sdelay $0x8  }
0x126: {  	v12 =	vpop (erf)  }
0x127: {  	v12 =	vmul.f32 v12, v13;
	_ =	sdelay $0x1  }
0x128: {  	v13 =	vperm.xlane v12, v0;
	v14 =	vperm.xlane v12, v3  }
0x129: {  	v15 =	vperm.xlane v12, v4  }
0x12a: {  	v13 =	vmul.f32 v13, v11;
	v14 =	vmul.f32 v14, v10;
	_ =	sdelay $0x1  }
0x12b: {  	v59 =	vperm.xlane v12, v5;
	v13 =	vadd.f32 v14, v13;
	v14 =	vmul.f32 v15, v9;
	_ =	sdelay $0x1  }
0x12c: {  	v13 =	vadd.f32 v14, v13;
	v14 =	vmul.f32 v59, v8;
	_ =	sdelay $0x1  }
0x12d: {  	v13 =	vadd.f32 v14, v13;
	_ =	sdelay $0x1  }
0x12e: {  	v14 =	vperm.xlane v13, v6;
	_ =	sdelay $0x1  }
0x12f: {  	v13 =	vadd.f32 v13, v14  }
0x130: {  	[tilespmem:s18+$0x14030] =	vst v12  }
0x131: {  	[tilespmem:s18+$0xC030] =	vst v13  }
0x132: {  	v12 =	vld [tilespmem:s31+$0xFFFFFFE0];
	_ =	sdelay $0x4  }
0x133: {  	v12 =	vmul.f32 $1.442695020e+00, v12;
	_ =	sdelay $0x1  }
0x134: {  	(erf) = vpow2.f32 v12;
	_ =	sdelay $0x8  }
0x135: {  	v12 =	vpop (erf)  }
0x136: {  	v12 =	vmul.f32 v12, v13;
	_ =	sdelay $0x1  }
0x137: {  	v13 =	vperm.xlane v12, v0;
	v14 =	vperm.xlane v12, v3  }
0x138: {  	v15 =	vperm.xlane v12, v4  }
0x139: {  	v13 =	vmul.f32 v13, v11;
	v14 =	vmul.f32 v14, v10;
	_ =	sdelay $0x1  }
0x13a: {  	v60 =	vperm.xlane v12, v5;
	v13 =	vadd.f32 v14, v13;
	v14 =	vmul.f32 v15, v9;
	_ =	sdelay $0x1  }
0x13b: {  	v13 =	vadd.f32 v14, v13;
	v14 =	vmul.f32 v60, v8;
	_ =	sdelay $0x1  }
0x13c: {  	v13 =	vadd.f32 v14, v13;
	_ =	sdelay $0x1  }
0x13d: {  	v14 =	vperm.xlane v13, v6;
	_ =	sdelay $0x1  }
0x13e: {  	v13 =	vadd.f32 v13, v14  }
0x13f: {  	[tilespmem:s18+$0x14020] =	vst v12  }
0x140: {  	[tilespmem:s18+$0xC020] =	vst v13  }
0x141: {  	v12 =	vld [tilespmem:s31+$0xFFFFFFD8];
	_ =	sdelay $0x4  }
0x142: {  	v12 =	vmul.f32 $1.442695020e+00, v12;
	_ =	sdelay $0x1  }
0x143: {  	(erf) = vpow2.f32 v12;
	_ =	sdelay $0x8  }
0x144: {  	v12 =	vpop (erf)  }
0x145: {  	v12 =	vmul.f32 v12, v13;
	_ =	sdelay $0x1  }
0x146: {  	v13 =	vperm.xlane v12, v0;
	v14 =	vperm.xlane v12, v3  }
0x147: {  	v15 =	vperm.xlane v12, v4  }
0x148: {  	v13 =	vmul.f32 v13, v11;
	v14 =	vmul.f32 v14, v10;
	_ =	sdelay $0x1  }
0x149: {  	v61 =	vperm.xlane v12, v5;
	v13 =	vadd.f32 v14, v13;
	v14 =	vmul.f32 v15, v9;
	_ =	sdelay $0x1  }
0x14a: {  	v13 =	vadd.f32 v14, v13;
	v14 =	vmul.f32 v61, v8;
	_ =	sdelay $0x1  }
0x14b: {  	v13 =	vadd.f32 v14, v13;
	_ =	sdelay $0x1  }
0x14c: {  	v14 =	vperm.xlane v13, v6;
	_ =	sdelay $0x1  }
0x14d: {  	v13 =	vadd.f32 v13, v14  }
0x14e: {  	[tilespmem:s18+$0x14010] =	vst v12  }
0x14f: {  	[tilespmem:s18+$0xC010] =	vst v13  }
0x150: {  	v12 =	vld [tilespmem:s31+$0xFFFFFFD0];
	_ =	sdelay $0x4  }
0x151: {  	v12 =	vmul.f32 $1.442695020e+00, v12;
	_ =	sdelay $0x1  }
0x152: {  	(erf) = vpow2.f32 v12;
	_ =	sdelay $0x8  }
0x153: {  	v12 =	vpop (erf)  }
0x154: {  	v12 =	vmul.f32 v12, v13;
	_ =	sdelay $0x1  }
0x155: {  	v13 =	vperm.xlane v12, v0;
	v14 =	vperm.xlane v12, v3  }
0x156: {  	v15 =	vperm.xlane v12, v4  }
0x157: {  	v13 =	vmul.f32 v13, v11;
	v14 =	vmul.f32 v14, v10;
	_ =	sdelay $0x1  }
0x158: {  	v62 =	vperm.xlane v12, v5;
	v13 =	vadd.f32 v14, v13;
	v14 =	vmul.f32 v15, v9;
	_ =	sdelay $0x1  }
0x159: {  	v13 =	vadd.f32 v14, v13;
	v14 =	vmul.f32 v62, v8;
	_ =	sdelay $0x1  }
0x15a: {  	v13 =	vadd.f32 v14, v13;
	_ =	sdelay $0x1  }
0x15b: {  	v14 =	vperm.xlane v13, v6;
	_ =	sdelay $0x1  }
0x15c: {  	v13 =	vadd.f32 v13, v14  }
0x15d: {  	[tilespmem:s18+$0x14000] =	vst v12  }
0x15e: {  	[tilespmem:s18+$0xC000] =	vst v13  }
0x15f: {  	v12 =	vld [tilespmem:s31+$0xFFFFFFC8];
	_ =	sdelay $0x4  }
0x160: {  	v12 =	vmul.f32 $1.442695020e+00, v12;
	_ =	sdelay $0x1  }
0x161: {  	(erf) = vpow2.f32 v12;
	_ =	sdelay $0x8  }
0x162: {  	v12 =	vpop (erf)  }
0x163: {  	v13 =	vmul.f32 v12, v13;
	_ =	sdelay $0x1  }
0x164: {  	v12 =	vperm.xlane v13, v0;
	v14 =	vperm.xlane v13, v3  }
0x165: {  	v15 =	vperm.xlane v13, v4  }
0x166: {  	v12 =	vmul.f32 v12, v11;
	v14 =	vmul.f32 v14, v10;
	_ =	sdelay $0x1  }
0x167: {  	v63 =	vperm.xlane v13, v5;
	v12 =	vadd.f32 v14, v12;
	v14 =	vmul.f32 v15, v9;
	_ =	sdelay $0x1  }
0x168: {  	v12 =	vadd.f32 v14, v12;
	v14 =	vmul.f32 v63, v8;
	_ =	sdelay $0x1  }
0x169: {  	v12 =	vadd.f32 v14, v12;
	_ =	sdelay $0x1  }
0x16a: {  	v14 =	vperm.xlane v12, v6;
	_ =	sdelay $0x1  }
0x16b: {  	v12 =	vadd.f32 v12, v14  }
0x16c: {  	[tilespmem:s18+$0x13FF0] =	vst v13  }
0x16d: {  	s17 =	simm.s32 $0x3FB8;
	v14 =	vperm.xlane v12, v7;
	[tilespmem:s18+$0xBFF0] =	vst v12  }
0x16e: {  	v13 =	vld [tilespmem:s17+$0x0]  }
0x16f: {  	(erf) = vrcp.f32 v14;
	_ =	sdelay $0x3  }
0x170: {  	v13 =	vmul.f32 $1.442695020e+00, v13;
	_ =	sdelay $0x1  }
0x171: {  	(erf) = vpow2.f32 v13;
	_ =	sdelay $0x2  }
0x172: {  	s19 =	simm.s32 $0xFFFFFC00;
	s18 =	simm.s32 $0xFFFFFE00;
	v13 =	vpop (erf)  }
.LBB2_6:
0x173: {  	p1 =	sne.s32 s19, $0xFFFE0400;
	v12 =	vmul.f32 v13, v12;
	s21 =	smov.u32 s19;
	s19 =	sadd.s32 $0xFFFFFE00, s19  }
0x174: {  	_ =	sdelay $0x3  }
0x175: {  	v13 =	vpop (erf)  }
0x176: {  	v12 =	vmul.f32 v13, v12;
	_ =	sdelay $0x1  }
0x177: {  	v13 =	vperm.xlane v12, v0;
	v14 =	vperm.xlane v12, v3  }
0x178: {  	v15 =	vperm.xlane v12, v4;
	v16 =	vperm.xlane v12, v5  }
0x179: {  	v13 =	vmul.f32 v13, v11;
	v14 =	vmul.f32 v14, v10;
	_ =	sdelay $0x1  }
0x17a: {  	v13 =	vadd.f32 v14, v13;
	v14 =	vmul.f32 v15, v9;
	_ =	sdelay $0x1  }
0x17b: {  	v13 =	vadd.f32 v14, v13;
	v14 =	vmul.f32 v16, v8;
	_ =	sdelay $0x1  }
0x17c: {  	v13 =	vadd.f32 v14, v13;
	_ =	sdelay $0x1  }
0x17d: {  	v14 =	vperm.xlane v13, v6;
	_ =	sdelay $0x1  }
0x17e: {  	s20 =	sshra.s32 s18, $0x2;
	s18 =	smov.u32 s21;
	v13 =	vadd.f32 v13, v14  }
0x17f: {  	[tilespmem:s20+$0x14060] =	vst v12  }
0x180: {  	[tilespmem:s20+$0xC060] =	vst v13  }
0x181: {  	v12 =	vld [tilespmem:s17+$0xFFFFFFF8];
	_ =	sdelay $0x4  }
0x182: {  	v12 =	vmul.f32 $1.442695020e+00, v12;
	_ =	sdelay $0x1  }
0x183: {  	(erf) = vpow2.f32 v12;
	_ =	sdelay $0x8  }
0x184: {  	v12 =	vpop (erf)  }
0x185: {  	v12 =	vmul.f32 v12, v13;
	_ =	sdelay $0x1  }
0x186: {  	v13 =	vperm.xlane v12, v0;
	v14 =	vperm.xlane v12, v3  }
0x187: {  	v15 =	vperm.xlane v12, v4;
	v16 =	vperm.xlane v12, v5  }
0x188: {  	v13 =	vmul.f32 v13, v11;
	v14 =	vmul.f32 v14, v10;
	_ =	sdelay $0x1  }
0x189: {  	v13 =	vadd.f32 v14, v13;
	v14 =	vmul.f32 v15, v9;
	_ =	sdelay $0x1  }
0x18a: {  	v13 =	vadd.f32 v14, v13;
	v14 =	vmul.f32 v16, v8;
	_ =	sdelay $0x1  }
0x18b: {  	v13 =	vadd.f32 v14, v13;
	_ =	sdelay $0x1  }
0x18c: {  	v14 =	vperm.xlane v13, v6;
	_ =	sdelay $0x1  }
0x18d: {  	v13 =	vadd.f32 v13, v14  }
0x18e: {  	[tilespmem:s20+$0x14050] =	vst v12  }
0x18f: {  	[tilespmem:s20+$0xC050] =	vst v13  }
0x190: {  	v12 =	vld [tilespmem:s17+$0xFFFFFFF0];
	_ =	sdelay $0x4  }
0x191: {  	v12 =	vmul.f32 $1.442695020e+00, v12;
	_ =	sdelay $0x1  }
0x192: {  	(erf) = vpow2.f32 v12;
	_ =	sdelay $0x8  }
0x193: {  	v12 =	vpop (erf)  }
0x194: {  	v12 =	vmul.f32 v12, v13;
	_ =	sdelay $0x1  }
0x195: {  	v13 =	vperm.xlane v12, v0;
	v14 =	vperm.xlane v12, v3  }
0x196: {  	v15 =	vperm.xlane v12, v4;
	v16 =	vperm.xlane v12, v5  }
0x197: {  	v13 =	vmul.f32 v13, v11;
	v14 =	vmul.f32 v14, v10;
	_ =	sdelay $0x1  }
0x198: {  	v13 =	vadd.f32 v14, v13;
	v14 =	vmul.f32 v15, v9;
	_ =	sdelay $0x1  }
0x199: {  	v13 =	vadd.f32 v14, v13;
	v14 =	vmul.f32 v16, v8;
	_ =	sdelay $0x1  }
0x19a: {  	v13 =	vadd.f32 v14, v13;
	_ =	sdelay $0x1  }
0x19b: {  	v14 =	vperm.xlane v13, v6;
	_ =	sdelay $0x1  }
0x19c: {  	v13 =	vadd.f32 v13, v14  }
0x19d: {  	[tilespmem:s20+$0x14040] =	vst v12  }
0x19e: {  	[tilespmem:s20+$0xC040] =	vst v13  }
0x19f: {  	v12 =	vld [tilespmem:s17+$0xFFFFFFE8];
	_ =	sdelay $0x4  }
0x1a0: {  	v12 =	vmul.f32 $1.442695020e+00, v12;
	_ =	sdelay $0x1  }
0x1a1: {  	(erf) = vpow2.f32 v12;
	_ =	sdelay $0x8  }
0x1a2: {  	v12 =	vpop (erf)  }
0x1a3: {  	v12 =	vmul.f32 v12, v13;
	_ =	sdelay $0x1  }
0x1a4: {  	[tilespmem:s20+$0x14030] =	vst v12;
	v13 =	vperm.xlane v12, v0;
	v14 =	vperm.xlane v12, v3  }
0x1a5: {  	v15 =	vperm.xlane v12, v4;
	v12 =	vperm.xlane v12, v5  }
0x1a6: {  	v13 =	vmul.f32 v13, v11;
	v14 =	vmul.f32 v14, v10;
	_ =	sdelay $0x1  }
0x1a7: {  	v13 =	vadd.f32 v14, v13;
	v14 =	vmul.f32 v15, v9;
	_ =	sdelay $0x1  }
0x1a8: {  	v12 =	vmul.f32 v12, v8;
	v13 =	vadd.f32 v14, v13;
	_ =	sdelay $0x1  }
0x1a9: {  	v12 =	vadd.f32 v12, v13;
	_ =	sdelay $0x1  }
0x1aa: {  	v13 =	vperm.xlane v12, v6;
	_ =	sdelay $0x1  }
0x1ab: {  	v12 =	vadd.f32 v12, v13;
	_ =	sdelay $0x1  }
0x1ac: {  	[tilespmem:s20+$0xC030] =	vst v12  }
0x1ad: {  	v13 =	vld [tilespmem:s17+$0xFFFFFFE0];
	_ =	sdelay $0x4  }
0x1ae: {  	v13 =	vmul.f32 $1.442695020e+00, v13;
	_ =	sdelay $0x1  }
0x1af: {  	(erf) = vpow2.f32 v13;
	_ =	sdelay $0x8  }
0x1b0: {  	v13 =	vpop (erf)  }
0x1b1: {  	v12 =	vmul.f32 v13, v12;
	_ =	sdelay $0x1  }
0x1b2: {  	[tilespmem:s20+$0x14020] =	vst v12;
	v13 =	vperm.xlane v12, v0;
	v14 =	vperm.xlane v12, v3  }
0x1b3: {  	v15 =	vperm.xlane v12, v4;
	v12 =	vperm.xlane v12, v5  }
0x1b4: {  	v13 =	vmul.f32 v13, v11;
	v14 =	vmul.f32 v14, v10;
	_ =	sdelay $0x1  }
0x1b5: {  	v13 =	vadd.f32 v14, v13;
	v14 =	vmul.f32 v15, v9;
	_ =	sdelay $0x1  }
0x1b6: {  	v12 =	vmul.f32 v12, v8;
	v13 =	vadd.f32 v14, v13;
	_ =	sdelay $0x1  }
0x1b7: {  	v12 =	vadd.f32 v12, v13;
	_ =	sdelay $0x1  }
0x1b8: {  	v13 =	vperm.xlane v12, v6;
	_ =	sdelay $0x1  }
0x1b9: {  	v12 =	vadd.f32 v12, v13;
	_ =	sdelay $0x1  }
0x1ba: {  	[tilespmem:s20+$0xC020] =	vst v12  }
0x1bb: {  	v13 =	vld [tilespmem:s17+$0xFFFFFFD8];
	_ =	sdelay $0x4  }
0x1bc: {  	v13 =	vmul.f32 $1.442695020e+00, v13;
	_ =	sdelay $0x1  }
0x1bd: {  	(erf) = vpow2.f32 v13;
	_ =	sdelay $0x8  }
0x1be: {  	v13 =	vpop (erf)  }
0x1bf: {  	v12 =	vmul.f32 v13, v12;
	_ =	sdelay $0x1  }
0x1c0: {  	[tilespmem:s20+$0x14010] =	vst v12;
	v13 =	vperm.xlane v12, v0;
	v14 =	vperm.xlane v12, v3  }
0x1c1: {  	v15 =	vperm.xlane v12, v4;
	v12 =	vperm.xlane v12, v5  }
0x1c2: {  	v13 =	vmul.f32 v13, v11;
	v14 =	vmul.f32 v14, v10;
	_ =	sdelay $0x1  }
0x1c3: {  	v13 =	vadd.f32 v14, v13;
	v14 =	vmul.f32 v15, v9;
	_ =	sdelay $0x1  }
0x1c4: {  	v12 =	vmul.f32 v12, v8;
	v13 =	vadd.f32 v14, v13;
	_ =	sdelay $0x1  }
0x1c5: {  	v12 =	vadd.f32 v12, v13;
	_ =	sdelay $0x1  }
0x1c6: {  	v13 =	vperm.xlane v12, v6;
	_ =	sdelay $0x1  }
0x1c7: {  	v12 =	vadd.f32 v12, v13;
	_ =	sdelay $0x1  }
0x1c8: {  	[tilespmem:s20+$0xC010] =	vst v12  }
0x1c9: {  	v13 =	vld [tilespmem:s17+$0xFFFFFFD0];
	_ =	sdelay $0x4  }
0x1ca: {  	v13 =	vmul.f32 $1.442695020e+00, v13;
	_ =	sdelay $0x1  }
0x1cb: {  	(erf) = vpow2.f32 v13;
	_ =	sdelay $0x8  }
0x1cc: {  	v13 =	vpop (erf)  }
0x1cd: {  	v12 =	vmul.f32 v13, v12;
	_ =	sdelay $0x1  }
0x1ce: {  	[tilespmem:s20+$0x14000] =	vst v12;
	v13 =	vperm.xlane v12, v0;
	v14 =	vperm.xlane v12, v3  }
0x1cf: {  	v15 =	vperm.xlane v12, v4;
	v12 =	vperm.xlane v12, v5  }
0x1d0: {  	v13 =	vmul.f32 v13, v11;
	v14 =	vmul.f32 v14, v10;
	_ =	sdelay $0x1  }
0x1d1: {  	v13 =	vadd.f32 v14, v13;
	v14 =	vmul.f32 v15, v9;
	_ =	sdelay $0x1  }
0x1d2: {  	v12 =	vmul.f32 v12, v8;
	v13 =	vadd.f32 v14, v13;
	_ =	sdelay $0x1  }
0x1d3: {  	v12 =	vadd.f32 v12, v13;
	_ =	sdelay $0x1  }
0x1d4: {  	v13 =	vperm.xlane v12, v6;
	_ =	sdelay $0x1  }
0x1d5: {  	v12 =	vadd.f32 v12, v13;
	_ =	sdelay $0x1  }
0x1d6: {  	[tilespmem:s20+$0xC000] =	vst v12  }
0x1d7: {  	v13 =	vld [tilespmem:s17+$0xFFFFFFC8];
	_ =	sdelay $0x4  }
0x1d8: {  	v13 =	vmul.f32 $1.442695020e+00, v13;
	_ =	sdelay $0x1  }
0x1d9: {  	(erf) = vpow2.f32 v13;
	_ =	sdelay $0x8  }
0x1da: {  	v13 =	vpop (erf)  }
0x1db: {  	v12 =	vmul.f32 v13, v12;
	_ =	sdelay $0x1  }
0x1dc: {  	[tilespmem:s20+$0x13FF0] =	vst v12;
	v13 =	vperm.xlane v12, v0;
	v14 =	vperm.xlane v12, v3  }
0x1dd: {  	v15 =	vperm.xlane v12, v4;
	v12 =	vperm.xlane v12, v5  }
0x1de: {  	v13 =	vmul.f32 v13, v11;
	v14 =	vmul.f32 v14, v10;
	_ =	sdelay $0x1  }
0x1df: {  	v13 =	vadd.f32 v14, v13;
	v14 =	vmul.f32 v15, v9;
	_ =	sdelay $0x1  }
0x1e0: {  	v12 =	vmul.f32 v12, v8;
	v13 =	vadd.f32 v14, v13;
	_ =	sdelay $0x1  }
0x1e1: {  	v12 =	vadd.f32 v12, v13;
	_ =	sdelay $0x1  }
0x1e2: {  	v13 =	vperm.xlane v12, v6;
	_ =	sdelay $0x1  }
0x1e3: {  	v12 =	vadd.f32 v12, v13;
	_ =	sdelay $0x1  }
0x1e4: {  	s17 =	sadd.s32 $0xFFFFFFC0, s17;
	[tilespmem:s20+$0xBFF0] =	vst v12;
	v13 =	vperm.xlane v12, v7  }
0x1e5: {  	v14 =	vld [tilespmem:s17+$0x0]  }
0x1e6: {  	(erf) = vrcp.f32 v13;
	_ =	sdelay $0x3  }
0x1e7: {  	v13 =	vmul.f32 $1.442695020e+00, v14  }
.Ltmp3:
0x1e8: {  	(pc) =	sbr.rel @p1 .LBB2_6-.Ltmp3, $2  }
0x1e9: {  	(erf) = vpow2.f32 v13;
	_ =	sdelay $0x2  }
0x1ea: {  	v13 =	vpop (erf)  }
.Ltmp4:
0x1eb: {  	_ = 	snop;
	(pc) =	sbr.rel .LBB2_7-.Ltmp4, $1  }
0x1ec: {  	_ =	sdelay $0x3  }
.LBB2_2:
0x1ed: {  	[tilespmem:s14], [sflag:$0x1] =	stream.linear.gather [hbm4b:s4+s17], $0x200, $0x38;
	[tilespmem:$0x14280] =	vst v63  }
0x1ee: {  	_ =	swait.ge [sflag:s13], $0x200  }
0x1ef: {  	[sflag:s13] =	ssyncset.done $0x0  }
0x1f0: {  	[sflag:s13] =	ssyncadd.s32 $0xFFFFFE00  }
0x1f1: {  	v8 =	vld [tilespmem:$0x0];
	_ =	sdelay $0x4  }
0x1f2: {  	v8 =	vmul.f32 $1.442695020e+00, v8;
	_ =	sdelay $0x1  }
0x1f3: {  	(erf) = vpow2.f32 v8;
	_ =	sdelay $0x8  }
0x1f4: {  	v10 =	vld [tilespmem:$0x14080];
	v12 =	vpop (erf)  }
0x1f5: {  	s18 =	simm.s32 $0x0;
	v11 =	vld [tilespmem:$0x14100];
	[tilespmem:$0x4080] =	vst v12  }
0x1f6: {  	v13 =	vld [tilespmem:s18+$0x8];
	_ =	sdelay $0x1  }
0x1f7: {  	v8 =	vld [tilespmem:$0x14180];
	v14 =	vperm.xlane v12, v0  }
0x1f8: {  	v15 =	vperm.xlane v12, v3  }
0x1f9: {  	v9 =	vld [tilespmem:$0x14200];
	v16 =	vperm.xlane v12, v4;
	v14 =	vmul.f32 v14, v10  }
0x1fa: {  	v15 =	vmul.f32 v15, v11;
	v13 =	vmul.f32 $1.442695020e+00, v13  }
0x1fb: {  	v12 =	vperm.xlane v12, v5  }
0x1fc: {  	(erf) = vpow2.f32 v13;
	v13 =	vadd.f32 v15, v14;
	v14 =	vmul.f32 v16, v8;
	_ =	sdelay $0x1  }
0x1fd: {  	v12 =	vmul.f32 v12, v9;
	v13 =	vadd.f32 v14, v13;
	_ =	sdelay $0x1  }
0x1fe: {  	v12 =	vadd.f32 v12, v13;
	_ =	sdelay $0x1  }
0x1ff: {  	v13 =	vperm.xlane v12, v6;
	_ =	sdelay $0x2  }
0x200: {  	v12 =	vadd.f32 v12, v13  }
0x201: {  	v13 =	vpop (erf)  }
0x202: {  	v12 =	vmul.f32 v12, v13  }
0x203: {  	s17 =	simm.s32 $0x40C0  }
0x204: {  	[tilespmem:s17+$0xFFFFFFD0] =	vst v12  }
0x205: {  	v13 =	vld [tilespmem:s18+$0x10];
	_ =	sdelay $0x1  }
0x206: {  	v14 =	vperm.xlane v12, v0;
	v15 =	vperm.xlane v12, v3  }
0x207: {  	v57 =	vperm.xlane v12, v4  }
0x208: {  	v14 =	vmul.f32 v14, v10;
	v15 =	vmul.f32 v15, v11  }
0x209: {  	v13 =	vmul.f32 $1.442695020e+00, v13  }
0x20a: {  	v12 =	vperm.xlane v12, v5;
	v14 =	vadd.f32 v15, v14;
	v15 =	vmul.f32 v57, v8  }
0x20b: {  	(erf) = vpow2.f32 v13  }
0x20c: {  	v12 =	vmul.f32 v12, v9;
	v13 =	vadd.f32 v15, v14;
	_ =	sdelay $0x1  }
0x20d: {  	v12 =	vadd.f32 v12, v13;
	_ =	sdelay $0x1  }
0x20e: {  	v13 =	vperm.xlane v12, v6;
	_ =	sdelay $0x2  }
0x20f: {  	v12 =	vadd.f32 v12, v13  }
0x210: {  	v13 =	vpop (erf)  }
0x211: {  	v12 =	vmul.f32 v12, v13;
	_ =	sdelay $0x1  }
0x212: {  	[tilespmem:s17+$0xFFFFFFE0] =	vst v12  }
0x213: {  	v13 =	vld [tilespmem:s18+$0x18];
	_ =	sdelay $0x1  }
0x214: {  	v14 =	vperm.xlane v12, v0;
	v15 =	vperm.xlane v12, v3  }
0x215: {  	v58 =	vperm.xlane v12, v4  }
0x216: {  	v14 =	vmul.f32 v14, v10;
	v15 =	vmul.f32 v15, v11  }
0x217: {  	v13 =	vmul.f32 $1.442695020e+00, v13  }
0x218: {  	v12 =	vperm.xlane v12, v5;
	v14 =	vadd.f32 v15, v14;
	v15 =	vmul.f32 v58, v8  }
0x219: {  	(erf) = vpow2.f32 v13  }
0x21a: {  	v12 =	vmul.f32 v12, v9;
	v13 =	vadd.f32 v15, v14;
	_ =	sdelay $0x1  }
0x21b: {  	v12 =	vadd.f32 v12, v13;
	_ =	sdelay $0x1  }
0x21c: {  	v13 =	vperm.xlane v12, v6;
	_ =	sdelay $0x2  }
0x21d: {  	v12 =	vadd.f32 v12, v13  }
0x21e: {  	v13 =	vpop (erf)  }
0x21f: {  	v12 =	vmul.f32 v12, v13;
	_ =	sdelay $0x1  }
0x220: {  	[tilespmem:s17+$0xFFFFFFF0] =	vst v12  }
0x221: {  	v13 =	vld [tilespmem:s18+$0x20];
	_ =	sdelay $0x1  }
0x222: {  	v14 =	vperm.xlane v12, v0;
	v15 =	vperm.xlane v12, v3  }
0x223: {  	v59 =	vperm.xlane v12, v4  }
0x224: {  	v14 =	vmul.f32 v14, v10;
	v15 =	vmul.f32 v15, v11  }
0x225: {  	v13 =	vmul.f32 $1.442695020e+00, v13  }
0x226: {  	v12 =	vperm.xlane v12, v5;
	v14 =	vadd.f32 v15, v14;
	v15 =	vmul.f32 v59, v8  }
0x227: {  	(erf) = vpow2.f32 v13  }
0x228: {  	v12 =	vmul.f32 v12, v9;
	v13 =	vadd.f32 v15, v14;
	_ =	sdelay $0x1  }
0x229: {  	v12 =	vadd.f32 v12, v13;
	_ =	sdelay $0x1  }
0x22a: {  	v13 =	vperm.xlane v12, v6;
	_ =	sdelay $0x2  }
0x22b: {  	v12 =	vadd.f32 v12, v13  }
0x22c: {  	v13 =	vpop (erf)  }
0x22d: {  	v12 =	vmul.f32 v12, v13;
	_ =	sdelay $0x1  }
0x22e: {  	[tilespmem:s17+$0x0] =	vst v12  }
0x22f: {  	v13 =	vld [tilespmem:s18+$0x28];
	_ =	sdelay $0x1  }
0x230: {  	v14 =	vperm.xlane v12, v0;
	v15 =	vperm.xlane v12, v3  }
0x231: {  	v60 =	vperm.xlane v12, v4  }
0x232: {  	v14 =	vmul.f32 v14, v10;
	v15 =	vmul.f32 v15, v11  }
0x233: {  	v13 =	vmul.f32 $1.442695020e+00, v13  }
0x234: {  	v12 =	vperm.xlane v12, v5;
	v14 =	vadd.f32 v15, v14;
	v15 =	vmul.f32 v60, v8  }
0x235: {  	(erf) = vpow2.f32 v13  }
0x236: {  	v12 =	vmul.f32 v12, v9;
	v13 =	vadd.f32 v15, v14;
	_ =	sdelay $0x1  }
0x237: {  	v12 =	vadd.f32 v12, v13;
	_ =	sdelay $0x1  }
0x238: {  	v13 =	vperm.xlane v12, v6;
	_ =	sdelay $0x2  }
0x239: {  	v12 =	vadd.f32 v12, v13  }
0x23a: {  	v13 =	vpop (erf)  }
0x23b: {  	v12 =	vmul.f32 v12, v13;
	_ =	sdelay $0x1  }
0x23c: {  	[tilespmem:s17+$0x10] =	vst v12  }
0x23d: {  	v13 =	vld [tilespmem:s18+$0x30];
	_ =	sdelay $0x1  }
0x23e: {  	v14 =	vperm.xlane v12, v0;
	v15 =	vperm.xlane v12, v3  }
0x23f: {  	v61 =	vperm.xlane v12, v4  }
0x240: {  	v14 =	vmul.f32 v14, v10;
	v15 =	vmul.f32 v15, v11  }
0x241: {  	v13 =	vmul.f32 $1.442695020e+00, v13  }
0x242: {  	v12 =	vperm.xlane v12, v5;
	v14 =	vadd.f32 v15, v14;
	v15 =	vmul.f32 v61, v8  }
0x243: {  	(erf) = vpow2.f32 v13  }
0x244: {  	v12 =	vmul.f32 v12, v9;
	v13 =	vadd.f32 v15, v14;
	_ =	sdelay $0x1  }
0x245: {  	v12 =	vadd.f32 v12, v13;
	_ =	sdelay $0x1  }
0x246: {  	v13 =	vperm.xlane v12, v6;
	_ =	sdelay $0x2  }
0x247: {  	v12 =	vadd.f32 v12, v13  }
0x248: {  	v13 =	vpop (erf)  }
0x249: {  	v12 =	vmul.f32 v12, v13;
	_ =	sdelay $0x1  }
0x24a: {  	[tilespmem:s17+$0x20] =	vst v12  }
0x24b: {  	v13 =	vld [tilespmem:s18+$0x38];
	_ =	sdelay $0x1  }
0x24c: {  	v14 =	vperm.xlane v12, v0;
	v15 =	vperm.xlane v12, v3  }
0x24d: {  	v62 =	vperm.xlane v12, v4  }
0x24e: {  	v14 =	vmul.f32 v14, v10;
	v15 =	vmul.f32 v15, v11  }
0x24f: {  	v13 =	vmul.f32 $1.442695020e+00, v13  }
0x250: {  	v12 =	vperm.xlane v12, v5;
	v14 =	vadd.f32 v15, v14;
	v15 =	vmul.f32 v62, v8  }
0x251: {  	(erf) = vpow2.f32 v13  }
0x252: {  	v12 =	vmul.f32 v12, v9;
	v13 =	vadd.f32 v15, v14;
	_ =	sdelay $0x1  }
0x253: {  	v12 =	vadd.f32 v12, v13;
	_ =	sdelay $0x1  }
0x254: {  	v13 =	vperm.xlane v12, v6;
	_ =	sdelay $0x2  }
0x255: {  	v12 =	vadd.f32 v12, v13  }
0x256: {  	v13 =	vpop (erf)  }
0x257: {  	v12 =	vmul.f32 v12, v13;
	_ =	sdelay $0x1  }
0x258: {  	[tilespmem:s17+$0x30] =	vst v12  }
0x259: {  	v13 =	vld [tilespmem:s18+$0x40];
	_ =	sdelay $0x1  }
0x25a: {  	v14 =	vperm.xlane v12, v0;
	v15 =	vperm.xlane v12, v3  }
0x25b: {  	v63 =	vperm.xlane v12, v4  }
0x25c: {  	v14 =	vmul.f32 v14, v10;
	v15 =	vmul.f32 v15, v11  }
0x25d: {  	v13 =	vmul.f32 $1.442695020e+00, v13  }
0x25e: {  	v12 =	vperm.xlane v12, v5;
	v14 =	vadd.f32 v15, v14;
	v15 =	vmul.f32 v63, v8  }
0x25f: {  	(erf) = vpow2.f32 v13  }
0x260: {  	v12 =	vmul.f32 v12, v9;
	v13 =	vadd.f32 v15, v14;
	_ =	sdelay $0x1  }
0x261: {  	v12 =	vadd.f32 v12, v13;
	_ =	sdelay $0x1  }
0x262: {  	v13 =	vperm.xlane v12, v6;
	_ =	sdelay $0x2  }
0x263: {  	v12 =	vadd.f32 v12, v13  }
0x264: {  	v13 =	vpop (erf)  }
0x265: {  	v12 =	vmul.f32 v12, v13;
	_ =	sdelay $0x1  }
0x266: {  	v13 =	vperm.xlane v12, v7;
	_ =	sdelay $0x1  }
0x267: {  	(erf) = vrcp.f32 v13;
	_ =	sdelay $0x1  }
0x268: {  	s18 =	simm.s32 $0x40;
	[tilespmem:s17+$0x40] =	vst v12  }
0x269: {  	s19 =	simm.s32 $0x200;
	v13 =	vld [tilespmem:s18+$0x8]  }
.LBB2_3:
0x26a: {  	p1 =	sne.s32 s19, $0xFE00  }
0x26b: {  	s17 =	sadd.s32 $0x80, s17;
	s20 =	smov.u32 s19;
	s19 =	sadd.s32 $0x100, s19  }
0x26c: {  	_ =	sdelay $0x2  }
0x26d: {  	v13 =	vmul.f32 $1.442695020e+00, v13;
	v14 =	vpop (erf)  }
0x26e: {  	v12 =	vmul.f32 v14, v12  }
0x26f: {  	(erf) = vpow2.f32 v13  }
0x270: {  	v13 =	vperm.xlane v12, v0;
	v14 =	vperm.xlane v12, v3  }
0x271: {  	v15 =	vperm.xlane v12, v4;
	v12 =	vperm.xlane v12, v5  }
0x272: {  	v13 =	vmul.f32 v13, v10;
	v14 =	vmul.f32 v14, v11;
	_ =	sdelay $0x1  }
0x273: {  	v12 =	vmul.f32 v12, v9;
	v13 =	vadd.f32 v14, v13;
	v14 =	vmul.f32 v15, v8;
	_ =	sdelay $0x1  }
0x274: {  	v14 =	vadd.f32 v14, v13;
	_ =	sdelay $0x1  }
0x275: {  	v12 =	vadd.f32 v12, v14;
	v13 =	vpop (erf);
	_ =	sdelay $0x1  }
0x276: {  	v14 =	vperm.xlane v12, v6;
	_ =	sdelay $0x1  }
0x277: {  	v12 =	vadd.f32 v12, v14;
	_ =	sdelay $0x1  }
0x278: {  	v12 =	vmul.f32 v12, v13;
	_ =	sdelay $0x1  }
0x279: {  	[tilespmem:s17+$0xFFFFFFD0] =	vst v12;
	v13 =	vperm.xlane v12, v0;
	v14 =	vperm.xlane v12, v3  }
0x27a: {  	v16 =	vperm.xlane v12, v4;
	v12 =	vperm.xlane v12, v5;
	v15 =	vld [tilespmem:s18+$0x10]  }
0x27b: {  	v13 =	vmul.f32 v13, v10;
	v14 =	vmul.f32 v14, v11;
	_ =	sdelay $0x1  }
0x27c: {  	v13 =	vadd.f32 v14, v13;
	v14 =	vmul.f32 v16, v8;
	_ =	sdelay $0x1  }
0x27d: {  	v12 =	vmul.f32 v12, v9;
	v15 =	vmul.f32 $1.442695020e+00, v15;
	v13 =	vadd.f32 v14, v13;
	_ =	sdelay $0x1  }
0x27e: {  	v12 =	vadd.f32 v12, v13;
	(erf) = vpow2.f32 v15;
	_ =	sdelay $0x1  }
0x27f: {  	v13 =	vperm.xlane v12, v6;
	_ =	sdelay $0x1  }
0x280: {  	v12 =	vadd.f32 v12, v13;
	_ =	sdelay $0x4  }
0x281: {  	v13 =	vpop (erf)  }
0x282: {  	v12 =	vmul.f32 v12, v13;
	_ =	sdelay $0x1  }
0x283: {  	[tilespmem:s17+$0xFFFFFFE0] =	vst v12;
	v13 =	vperm.xlane v12, v0;
	v14 =	vperm.xlane v12, v3  }
0x284: {  	v16 =	vperm.xlane v12, v4;
	v12 =	vperm.xlane v12, v5;
	v15 =	vld [tilespmem:s18+$0x18]  }
0x285: {  	v13 =	vmul.f32 v13, v10;
	v14 =	vmul.f32 v14, v11;
	_ =	sdelay $0x1  }
0x286: {  	v13 =	vadd.f32 v14, v13;
	v14 =	vmul.f32 v16, v8;
	_ =	sdelay $0x1  }
0x287: {  	v12 =	vmul.f32 v12, v9;
	v15 =	vmul.f32 $1.442695020e+00, v15;
	v13 =	vadd.f32 v14, v13;
	_ =	sdelay $0x1  }
0x288: {  	v12 =	vadd.f32 v12, v13;
	(erf) = vpow2.f32 v15;
	_ =	sdelay $0x1  }
0x289: {  	v13 =	vperm.xlane v12, v6;
	_ =	sdelay $0x1  }
0x28a: {  	v12 =	vadd.f32 v12, v13;
	_ =	sdelay $0x4  }
0x28b: {  	v13 =	vpop (erf)  }
0x28c: {  	v12 =	vmul.f32 v12, v13;
	_ =	sdelay $0x1  }
0x28d: {  	[tilespmem:s17+$0xFFFFFFF0] =	vst v12;
	v13 =	vperm.xlane v12, v0;
	v14 =	vperm.xlane v12, v3  }
0x28e: {  	v16 =	vperm.xlane v12, v4;
	v12 =	vperm.xlane v12, v5;
	v15 =	vld [tilespmem:s18+$0x20]  }
0x28f: {  	v13 =	vmul.f32 v13, v10;
	v14 =	vmul.f32 v14, v11;
	_ =	sdelay $0x1  }
0x290: {  	v13 =	vadd.f32 v14, v13;
	v14 =	vmul.f32 v16, v8;
	_ =	sdelay $0x1  }
0x291: {  	v12 =	vmul.f32 v12, v9;
	v15 =	vmul.f32 $1.442695020e+00, v15;
	v13 =	vadd.f32 v14, v13;
	_ =	sdelay $0x1  }
0x292: {  	v12 =	vadd.f32 v12, v13;
	(erf) = vpow2.f32 v15;
	_ =	sdelay $0x1  }
0x293: {  	v13 =	vperm.xlane v12, v6;
	_ =	sdelay $0x1  }
0x294: {  	v12 =	vadd.f32 v12, v13;
	_ =	sdelay $0x4  }
0x295: {  	v13 =	vpop (erf)  }
0x296: {  	v12 =	vmul.f32 v12, v13;
	_ =	sdelay $0x1  }
0x297: {  	[tilespmem:s17+$0x0] =	vst v12;
	v13 =	vperm.xlane v12, v0;
	v14 =	vperm.xlane v12, v3  }
0x298: {  	v16 =	vperm.xlane v12, v4;
	v12 =	vperm.xlane v12, v5;
	v15 =	vld [tilespmem:s18+$0x28]  }
0x299: {  	v13 =	vmul.f32 v13, v10;
	v14 =	vmul.f32 v14, v11;
	_ =	sdelay $0x1  }
0x29a: {  	v13 =	vadd.f32 v14, v13;
	v14 =	vmul.f32 v16, v8;
	_ =	sdelay $0x1  }
0x29b: {  	v12 =	vmul.f32 v12, v9;
	v15 =	vmul.f32 $1.442695020e+00, v15;
	v13 =	vadd.f32 v14, v13;
	_ =	sdelay $0x1  }
0x29c: {  	v12 =	vadd.f32 v12, v13;
	(erf) = vpow2.f32 v15;
	_ =	sdelay $0x1  }
0x29d: {  	v13 =	vperm.xlane v12, v6;
	_ =	sdelay $0x1  }
0x29e: {  	v12 =	vadd.f32 v12, v13;
	_ =	sdelay $0x4  }
0x29f: {  	v13 =	vpop (erf)  }
0x2a0: {  	v12 =	vmul.f32 v12, v13;
	_ =	sdelay $0x1  }
0x2a1: {  	[tilespmem:s17+$0x10] =	vst v12;
	v13 =	vperm.xlane v12, v0;
	v14 =	vperm.xlane v12, v3  }
0x2a2: {  	v16 =	vperm.xlane v12, v4;
	v12 =	vperm.xlane v12, v5;
	v15 =	vld [tilespmem:s18+$0x30]  }
0x2a3: {  	v13 =	vmul.f32 v13, v10;
	v14 =	vmul.f32 v14, v11;
	_ =	sdelay $0x1  }
0x2a4: {  	v13 =	vadd.f32 v14, v13;
	v14 =	vmul.f32 v16, v8;
	_ =	sdelay $0x1  }
0x2a5: {  	v12 =	vmul.f32 v12, v9;
	v15 =	vmul.f32 $1.442695020e+00, v15;
	v13 =	vadd.f32 v14, v13;
	_ =	sdelay $0x1  }
0x2a6: {  	v12 =	vadd.f32 v12, v13;
	(erf) = vpow2.f32 v15;
	_ =	sdelay $0x1  }
0x2a7: {  	v13 =	vperm.xlane v12, v6;
	_ =	sdelay $0x1  }
0x2a8: {  	v12 =	vadd.f32 v12, v13;
	_ =	sdelay $0x4  }
0x2a9: {  	v13 =	vpop (erf)  }
0x2aa: {  	v12 =	vmul.f32 v12, v13;
	_ =	sdelay $0x1  }
0x2ab: {  	[tilespmem:s17+$0x20] =	vst v12;
	v13 =	vperm.xlane v12, v0;
	v14 =	vperm.xlane v12, v3  }
0x2ac: {  	v16 =	vperm.xlane v12, v4;
	v12 =	vperm.xlane v12, v5;
	v15 =	vld [tilespmem:s18+$0x38]  }
0x2ad: {  	v13 =	vmul.f32 v13, v10;
	v14 =	vmul.f32 v14, v11;
	_ =	sdelay $0x1  }
0x2ae: {  	v13 =	vadd.f32 v14, v13;
	v14 =	vmul.f32 v16, v8;
	_ =	sdelay $0x1  }
0x2af: {  	v12 =	vmul.f32 v12, v9;
	v15 =	vmul.f32 $1.442695020e+00, v15;
	v13 =	vadd.f32 v14, v13;
	_ =	sdelay $0x1  }
0x2b0: {  	v12 =	vadd.f32 v12, v13;
	(erf) = vpow2.f32 v15;
	_ =	sdelay $0x1  }
0x2b1: {  	v13 =	vperm.xlane v12, v6;
	_ =	sdelay $0x1  }
0x2b2: {  	v12 =	vadd.f32 v12, v13;
	_ =	sdelay $0x4  }
0x2b3: {  	v13 =	vpop (erf)  }
0x2b4: {  	v12 =	vmul.f32 v12, v13;
	_ =	sdelay $0x1  }
0x2b5: {  	[tilespmem:s17+$0x30] =	vst v12;
	v13 =	vperm.xlane v12, v0;
	v14 =	vperm.xlane v12, v3  }
0x2b6: {  	v16 =	vperm.xlane v12, v4;
	v12 =	vperm.xlane v12, v5;
	v15 =	vld [tilespmem:s18+$0x40]  }
0x2b7: {  	v13 =	vmul.f32 v13, v10;
	v14 =	vmul.f32 v14, v11;
	_ =	sdelay $0x1  }
0x2b8: {  	v13 =	vadd.f32 v14, v13;
	v14 =	vmul.f32 v16, v8;
	_ =	sdelay $0x1  }
0x2b9: {  	v12 =	vmul.f32 v12, v9;
	v15 =	vmul.f32 $1.442695020e+00, v15;
	v13 =	vadd.f32 v14, v13;
	_ =	sdelay $0x1  }
0x2ba: {  	v12 =	vadd.f32 v12, v13;
	(erf) = vpow2.f32 v15;
	_ =	sdelay $0x1  }
0x2bb: {  	v13 =	vperm.xlane v12, v6;
	_ =	sdelay $0x1  }
0x2bc: {  	v12 =	vadd.f32 v12, v13;
	_ =	sdelay $0x4  }
0x2bd: {  	v13 =	vpop (erf)  }
0x2be: {  	v12 =	vmul.f32 v12, v13;
	_ =	sdelay $0x1  }
0x2bf: {  	[tilespmem:s17+$0x40] =	vst v12;
	v13 =	vperm.xlane v12, v7;
	_ =	sdelay $0x1  }
.Ltmp5:
0x2c0: {  	(erf) = vrcp.f32 v13;
	(pc) =	sbr.rel @p1 .LBB2_3-.Ltmp5, $3  }
0x2c1: {  	_ =	sdelay $0x1  }
0x2c2: {  	s18 =	sshra.s32 s20, $0x2  }
0x2c3: {  	v13 =	vld [tilespmem:s18+$0x8]  }
0x2c4: {  	_ =	sdelay $0x3  }
0x2c5: {  	v14 =	vpop (erf)  }
0x2c6: {  	v12 =	vmul.f32 v14, v12;
	_ =	sdelay $0x1  }
0x2c7: {  	v14 =	vperm.xlane v12, v0;
	v15 =	vperm.xlane v12, v3  }
0x2c8: {  	v13 =	vmul.f32 $1.442695020e+00, v13;
	v16 =	vperm.xlane v12, v4  }
0x2c9: {  	v14 =	vmul.f32 v14, v10;
	v15 =	vmul.f32 v15, v11  }
0x2ca: {  	(erf) = vpow2.f32 v13  }
0x2cb: {  	v12 =	vperm.xlane v12, v5;
	v59 =	vmul.f32 v16, v8;
	v58 =	vadd.f32 v15, v14;
	_ =	sdelay $0x1  }
0x2cc: {  	v12 =	vmul.f32 v12, v9;
	v13 =	vadd.f32 v59, v58;
	_ =	sdelay $0x1  }
0x2cd: {  	v12 =	vadd.f32 v12, v13;
	_ =	sdelay $0x1  }
0x2ce: {  	v13 =	vperm.xlane v12, v6;
	_ =	sdelay $0x1  }
0x2cf: {  	v12 =	vadd.f32 v12, v13  }
0x2d0: {  	v60 =	vpop (erf)  }
0x2d1: {  	v12 =	vmul.f32 v12, v60  }
0x2d2: {  	s17 =	sadd.s32 $0x80, s17  }
0x2d3: {  	[tilespmem:s17+$0xFFFFFFD0] =	vst v12  }
0x2d4: {  	v61 =	vld [tilespmem:s18+$0x10];
	_ =	sdelay $0x1  }
0x2d5: {  	v62 =	vperm.xlane v12, v0  }
0x2d6: {  	v63 =	vperm.xlane v12, v3  }
0x2d7: {  	v20 =	vperm.xlane v12, v4;
	v14 =	vmul.f32 v62, v10  }
0x2d8: {  	v15 =	vmul.f32 v63, v11;
	v13 =	vmul.f32 $1.442695020e+00, v61  }
0x2d9: {  	v12 =	vperm.xlane v12, v5  }
0x2da: {  	v21 =	vmul.f32 v20, v8;
	v14 =	vadd.f32 v15, v14;
	(erf) = vpow2.f32 v13;
	_ =	sdelay $0x1  }
0x2db: {  	v12 =	vmul.f32 v12, v9;
	v22 =	vadd.f32 v21, v14;
	_ =	sdelay $0x1  }
0x2dc: {  	v12 =	vadd.f32 v12, v22;
	_ =	sdelay $0x1  }
0x2dd: {  	v13 =	vperm.xlane v12, v6;
	_ =	sdelay $0x1  }
0x2de: {  	v12 =	vadd.f32 v12, v13  }
0x2df: {  	v23 =	vpop (erf)  }
0x2e0: {  	v12 =	vmul.f32 v12, v23;
	_ =	sdelay $0x1  }
0x2e1: {  	[tilespmem:s17+$0xFFFFFFE0] =	vst v12  }
0x2e2: {  	v24 =	vld [tilespmem:s18+$0x18];
	_ =	sdelay $0x1  }
0x2e3: {  	v25 =	vperm.xlane v12, v0  }
0x2e4: {  	v26 =	vperm.xlane v12, v3  }
0x2e5: {  	v27 =	vperm.xlane v12, v4;
	v14 =	vmul.f32 v25, v10  }
0x2e6: {  	v15 =	vmul.f32 v26, v11;
	v13 =	vmul.f32 $1.442695020e+00, v24  }
0x2e7: {  	v12 =	vperm.xlane v12, v5  }
0x2e8: {  	v28 =	vmul.f32 v27, v8;
	v14 =	vadd.f32 v15, v14;
	(erf) = vpow2.f32 v13;
	_ =	sdelay $0x1  }
0x2e9: {  	v12 =	vmul.f32 v12, v9;
	v29 =	vadd.f32 v28, v14;
	_ =	sdelay $0x1  }
0x2ea: {  	v12 =	vadd.f32 v12, v29;
	_ =	sdelay $0x1  }
0x2eb: {  	v13 =	vperm.xlane v12, v6;
	_ =	sdelay $0x1  }
0x2ec: {  	v12 =	vadd.f32 v12, v13  }
0x2ed: {  	v30 =	vpop (erf)  }
0x2ee: {  	v12 =	vmul.f32 v12, v30;
	_ =	sdelay $0x1  }
0x2ef: {  	[tilespmem:s17+$0xFFFFFFF0] =	vst v12  }
0x2f0: {  	v31 =	vld [tilespmem:s18+$0x20];
	_ =	sdelay $0x1  }
0x2f1: {  	v32 =	vperm.xlane v12, v0  }
0x2f2: {  	v33 =	vperm.xlane v12, v3  }
0x2f3: {  	v34 =	vperm.xlane v12, v4;
	v14 =	vmul.f32 v32, v10  }
0x2f4: {  	v15 =	vmul.f32 v33, v11;
	v13 =	vmul.f32 $1.442695020e+00, v31  }
0x2f5: {  	v12 =	vperm.xlane v12, v5  }
0x2f6: {  	v35 =	vmul.f32 v34, v8;
	v14 =	vadd.f32 v15, v14;
	(erf) = vpow2.f32 v13;
	_ =	sdelay $0x1  }
0x2f7: {  	v12 =	vmul.f32 v12, v9;
	v36 =	vadd.f32 v35, v14;
	_ =	sdelay $0x1  }
0x2f8: {  	v12 =	vadd.f32 v12, v36;
	_ =	sdelay $0x1  }
0x2f9: {  	v13 =	vperm.xlane v12, v6;
	_ =	sdelay $0x1  }
0x2fa: {  	v12 =	vadd.f32 v12, v13  }
0x2fb: {  	v37 =	vpop (erf)  }
0x2fc: {  	v12 =	vmul.f32 v12, v37;
	_ =	sdelay $0x1  }
0x2fd: {  	[tilespmem:s17+$0x0] =	vst v12  }
0x2fe: {  	v38 =	vld [tilespmem:s18+$0x28];
	_ =	sdelay $0x1  }
0x2ff: {  	v39 =	vperm.xlane v12, v0  }
0x300: {  	v40 =	vperm.xlane v12, v3  }
0x301: {  	v41 =	vperm.xlane v12, v4;
	v14 =	vmul.f32 v39, v10  }
0x302: {  	v15 =	vmul.f32 v40, v11;
	v13 =	vmul.f32 $1.442695020e+00, v38  }
0x303: {  	v12 =	vperm.xlane v12, v5  }
0x304: {  	v42 =	vmul.f32 v41, v8;
	v14 =	vadd.f32 v15, v14;
	(erf) = vpow2.f32 v13;
	_ =	sdelay $0x1  }
0x305: {  	v12 =	vmul.f32 v12, v9;
	v43 =	vadd.f32 v42, v14;
	_ =	sdelay $0x1  }
0x306: {  	v12 =	vadd.f32 v12, v43;
	_ =	sdelay $0x1  }
0x307: {  	v13 =	vperm.xlane v12, v6;
	_ =	sdelay $0x1  }
0x308: {  	v12 =	vadd.f32 v12, v13  }
0x309: {  	v44 =	vpop (erf)  }
0x30a: {  	v12 =	vmul.f32 v12, v44;
	_ =	sdelay $0x1  }
0x30b: {  	[tilespmem:s17+$0x10] =	vst v12  }
0x30c: {  	v45 =	vld [tilespmem:s18+$0x30];
	_ =	sdelay $0x1  }
0x30d: {  	v46 =	vperm.xlane v12, v0  }
0x30e: {  	v47 =	vperm.xlane v12, v3  }
0x30f: {  	v48 =	vperm.xlane v12, v4;
	v14 =	vmul.f32 v46, v10  }
0x310: {  	v15 =	vmul.f32 v47, v11;
	v13 =	vmul.f32 $1.442695020e+00, v45  }
0x311: {  	v12 =	vperm.xlane v12, v5  }
0x312: {  	v49 =	vmul.f32 v48, v8;
	v14 =	vadd.f32 v15, v14;
	(erf) = vpow2.f32 v13;
	_ =	sdelay $0x1  }
0x313: {  	v12 =	vmul.f32 v12, v9;
	v50 =	vadd.f32 v49, v14;
	_ =	sdelay $0x1  }
0x314: {  	v12 =	vadd.f32 v12, v50;
	_ =	sdelay $0x1  }
0x315: {  	v13 =	vperm.xlane v12, v6;
	_ =	sdelay $0x1  }
0x316: {  	v12 =	vadd.f32 v12, v13  }
0x317: {  	v51 =	vpop (erf)  }
0x318: {  	v12 =	vmul.f32 v12, v51;
	_ =	sdelay $0x1  }
0x319: {  	[tilespmem:s17+$0x20] =	vst v12  }
0x31a: {  	v52 =	vld [tilespmem:s18+$0x38];
	_ =	sdelay $0x1  }
0x31b: {  	v53 =	vperm.xlane v12, v0  }
0x31c: {  	v54 =	vperm.xlane v12, v3  }
0x31d: {  	v55 =	vperm.xlane v12, v4;
	v14 =	vmul.f32 v53, v10  }
0x31e: {  	v15 =	vmul.f32 v54, v11;
	v13 =	vmul.f32 $1.442695020e+00, v52  }
0x31f: {  	v12 =	vperm.xlane v12, v5  }
0x320: {  	v56 =	vmul.f32 v55, v8;
	v14 =	vadd.f32 v15, v14;
	(erf) = vpow2.f32 v13;
	_ =	sdelay $0x1  }
0x321: {  	v12 =	vmul.f32 v12, v9;
	v57 =	vadd.f32 v56, v14;
	_ =	sdelay $0x1  }
0x322: {  	v12 =	vadd.f32 v12, v57;
	_ =	sdelay $0x1  }
0x323: {  	v13 =	vperm.xlane v12, v6;
	_ =	sdelay $0x1  }
0x324: {  	v12 =	vadd.f32 v12, v13  }
0x325: {  	v58 =	vpop (erf)  }
0x326: {  	v12 =	vmul.f32 v12, v58;
	_ =	sdelay $0x1  }
0x327: {  	[tilespmem:s17+$0x30] =	vst v12  }
0x328: {  	v59 =	vld [tilespmem:s18+$0x40];
	_ =	sdelay $0x1  }
0x329: {  	v60 =	vperm.xlane v12, v0  }
0x32a: {  	v61 =	vperm.xlane v12, v3  }
0x32b: {  	v62 =	vperm.xlane v12, v4;
	v14 =	vmul.f32 v60, v10  }
0x32c: {  	v15 =	vmul.f32 v61, v11;
	v13 =	vmul.f32 $1.442695020e+00, v59  }
0x32d: {  	v12 =	vperm.xlane v12, v5  }
0x32e: {  	v63 =	vmul.f32 v62, v8;
	v14 =	vadd.f32 v15, v14;
	(erf) = vpow2.f32 v13;
	_ =	sdelay $0x1  }
0x32f: {  	v12 =	vmul.f32 v12, v9;
	v17 =	vadd.f32 v63, v14;
	_ =	sdelay $0x1  }
0x330: {  	v12 =	vadd.f32 v12, v17;
	_ =	sdelay $0x1  }
0x331: {  	v13 =	vperm.xlane v12, v6;
	_ =	sdelay $0x1  }
0x332: {  	v12 =	vadd.f32 v12, v13  }
0x333: {  	v18 =	vpop (erf)  }
0x334: {  	v12 =	vmul.f32 v12, v18;
	_ =	sdelay $0x1  }
0x335: {  	v13 =	vperm.xlane v12, v7;
	_ =	sdelay $0x1  }
0x336: {  	(erf) = vrcp.f32 v13;
	_ =	sdelay $0x6  }
0x337: {  	[tilespmem:s17+$0x40] =	vst v12  }
0x338: {  	v19 =	vld [tilespmem:$0x3FC8]  }
0x339: {  	v13 =	vpop (erf)  }
0x33a: {  	v12 =	vmul.f32 v13, v12;
	_ =	sdelay $0x1  }
0x33b: {  	v13 =	vperm.xlane v12, v0;
	v20 =	vperm.xlane v12, v3  }
0x33c: {  	v14 =	vmul.f32 $1.442695020e+00, v19;
	v21 =	vperm.xlane v12, v4  }
0x33d: {  	v13 =	vmul.f32 v13, v10;
	v15 =	vmul.f32 v20, v11  }
0x33e: {  	(erf) = vpow2.f32 v14  }
0x33f: {  	v12 =	vperm.xlane v12, v5;
	v22 =	vmul.f32 v21, v8;
	v13 =	vadd.f32 v15, v13;
	_ =	sdelay $0x1  }
0x340: {  	v12 =	vmul.f32 v12, v9;
	v13 =	vadd.f32 v22, v13;
	_ =	sdelay $0x1  }
0x341: {  	v12 =	vadd.f32 v12, v13;
	_ =	sdelay $0x1  }
0x342: {  	v13 =	vperm.xlane v12, v6;
	_ =	sdelay $0x1  }
0x343: {  	v24 =	vld [tilespmem:$0x3FD0];
	v12 =	vadd.f32 v12, v13  }
0x344: {  	v23 =	vpop (erf)  }
0x345: {  	v12 =	vmul.f32 v12, v23;
	_ =	sdelay $0x1  }
0x346: {  	v13 =	vperm.xlane v12, v0;
	v25 =	vperm.xlane v12, v3  }
0x347: {  	v14 =	vmul.f32 $1.442695020e+00, v24;
	v26 =	vperm.xlane v12, v4  }
0x348: {  	v13 =	vmul.f32 v13, v10;
	v15 =	vmul.f32 v25, v11  }
0x349: {  	(erf) = vpow2.f32 v14  }
0x34a: {  	v28 =	vperm.xlane v12, v5;
	v27 =	vmul.f32 v26, v8;
	v13 =	vadd.f32 v15, v13;
	_ =	sdelay $0x1  }
0x34b: {  	v29 =	vmul.f32 v28, v9;
	v13 =	vadd.f32 v27, v13;
	_ =	sdelay $0x1  }
0x34c: {  	v13 =	vadd.f32 v29, v13;
	_ =	sdelay $0x1  }
0x34d: {  	v14 =	vperm.xlane v13, v6;
	_ =	sdelay $0x1  }
0x34e: {  	v31 =	vld [tilespmem:$0x3FD8];
	v13 =	vadd.f32 v13, v14  }
0x34f: {  	v30 =	vpop (erf)  }
0x350: {  	v13 =	vmul.f32 v13, v30;
	_ =	sdelay $0x1  }
0x351: {  	v14 =	vperm.xlane v13, v0;
	v32 =	vperm.xlane v13, v3  }
0x352: {  	v15 =	vmul.f32 $1.442695020e+00, v31;
	v17 =	vperm.xlane v13, v4  }
0x353: {  	v14 =	vmul.f32 v14, v10;
	v16 =	vmul.f32 v32, v11  }
0x354: {  	(erf) = vpow2.f32 v15  }
0x355: {  	v34 =	vperm.xlane v13, v5;
	v33 =	vmul.f32 v17, v8;
	v14 =	vadd.f32 v16, v14;
	_ =	sdelay $0x1  }
0x356: {  	v35 =	vmul.f32 v34, v9;
	v14 =	vadd.f32 v33, v14;
	_ =	sdelay $0x1  }
0x357: {  	v14 =	vadd.f32 v35, v14;
	_ =	sdelay $0x1  }
0x358: {  	v15 =	vperm.xlane v14, v6;
	_ =	sdelay $0x1  }
0x359: {  	v37 =	vld [tilespmem:$0x3FE0];
	v14 =	vadd.f32 v14, v15  }
0x35a: {  	v36 =	vpop (erf)  }
0x35b: {  	v14 =	vmul.f32 v14, v36;
	_ =	sdelay $0x1  }
0x35c: {  	v15 =	vperm.xlane v14, v0;
	v38 =	vperm.xlane v14, v3  }
0x35d: {  	v16 =	vmul.f32 $1.442695020e+00, v37;
	v18 =	vperm.xlane v14, v4  }
0x35e: {  	v15 =	vmul.f32 v15, v10;
	v17 =	vmul.f32 v38, v11  }
0x35f: {  	(erf) = vpow2.f32 v16  }
0x360: {  	v40 =	vperm.xlane v14, v5;
	v39 =	vmul.f32 v18, v8;
	v15 =	vadd.f32 v17, v15;
	_ =	sdelay $0x1  }
0x361: {  	v41 =	vmul.f32 v40, v9;
	v15 =	vadd.f32 v39, v15;
	_ =	sdelay $0x1  }
0x362: {  	v15 =	vadd.f32 v41, v15;
	_ =	sdelay $0x1  }
0x363: {  	v16 =	vperm.xlane v15, v6;
	_ =	sdelay $0x1  }
0x364: {  	v43 =	vld [tilespmem:$0x3FE8];
	v15 =	vadd.f32 v15, v16  }
0x365: {  	v42 =	vpop (erf)  }
0x366: {  	v15 =	vmul.f32 v15, v42;
	_ =	sdelay $0x1  }
0x367: {  	v16 =	vperm.xlane v15, v0;
	v44 =	vperm.xlane v15, v3  }
0x368: {  	v17 =	vmul.f32 $1.442695020e+00, v43;
	v19 =	vperm.xlane v15, v4  }
0x369: {  	v16 =	vmul.f32 v16, v10;
	v18 =	vmul.f32 v44, v11  }
0x36a: {  	(erf) = vpow2.f32 v17  }
0x36b: {  	v46 =	vperm.xlane v15, v5;
	v45 =	vmul.f32 v19, v8;
	v16 =	vadd.f32 v18, v16;
	_ =	sdelay $0x1  }
0x36c: {  	v47 =	vmul.f32 v46, v9;
	v16 =	vadd.f32 v45, v16;
	_ =	sdelay $0x1  }
0x36d: {  	v16 =	vadd.f32 v47, v16;
	_ =	sdelay $0x1  }
0x36e: {  	v17 =	vperm.xlane v16, v6;
	_ =	sdelay $0x1  }
0x36f: {  	v49 =	vld [tilespmem:$0x3FF0];
	v16 =	vadd.f32 v16, v17  }
0x370: {  	v48 =	vpop (erf)  }
0x371: {  	v16 =	vmul.f32 v16, v48;
	_ =	sdelay $0x1  }
0x372: {  	v17 =	vperm.xlane v16, v0;
	v50 =	vperm.xlane v16, v3  }
0x373: {  	v18 =	vmul.f32 $1.442695020e+00, v49;
	v20 =	vperm.xlane v16, v4  }
0x374: {  	v17 =	vmul.f32 v17, v10;
	v19 =	vmul.f32 v50, v11  }
0x375: {  	(erf) = vpow2.f32 v18  }
0x376: {  	v52 =	vperm.xlane v16, v5;
	v51 =	vmul.f32 v20, v8;
	v17 =	vadd.f32 v19, v17;
	_ =	sdelay $0x1  }
0x377: {  	v53 =	vmul.f32 v52, v9;
	v17 =	vadd.f32 v51, v17;
	_ =	sdelay $0x1  }
0x378: {  	v17 =	vadd.f32 v53, v17;
	_ =	sdelay $0x1  }
0x379: {  	v18 =	vperm.xlane v17, v6;
	_ =	sdelay $0x1  }
0x37a: {  	v55 =	vld [tilespmem:$0x3FF8];
	v17 =	vadd.f32 v17, v18  }
0x37b: {  	v54 =	vpop (erf)  }
0x37c: {  	v17 =	vmul.f32 v17, v54;
	_ =	sdelay $0x1  }
0x37d: {  	v18 =	vperm.xlane v17, v0;
	v56 =	vperm.xlane v17, v3  }
0x37e: {  	v58 =	vmul.f32 $1.442695020e+00, v55;
	v60 =	vperm.xlane v17, v4  }
0x37f: {  	v57 =	vmul.f32 v18, v10;
	v59 =	vmul.f32 v56, v11  }
0x380: {  	(erf) = vpow2.f32 v58  }
0x381: {  	v61 =	vperm.xlane v17, v5;
	v8 =	vmul.f32 v60, v8;
	v10 =	vadd.f32 v59, v57;
	_ =	sdelay $0x1  }
0x382: {  	v62 =	vmul.f32 v61, v9;
	v8 =	vadd.f32 v8, v10;
	_ =	sdelay $0x1  }
0x383: {  	v8 =	vadd.f32 v62, v8;
	_ =	sdelay $0x1  }
0x384: {  	[tilespmem:$0xC010] =	vst v12;
	v9 =	vperm.xlane v8, v6  }
0x385: {  	[tilespmem:$0xC020] =	vst v13  }
.Ltmp6:
0x386: {  	[tilespmem:$0xC030] =	vst v14;
	v8 =	vadd.f32 v8, v9;
	(pc) =	sbr.rel .LBB2_8-.Ltmp6, $4  }
0x387: {  	[tilespmem:$0xC040] =	vst v15;
	v63 =	vpop (erf)  }
0x388: {  	[tilespmem:$0xC050] =	vst v16;
	v8 =	vmul.f32 v8, v63  }
0x389: {  	[tilespmem:$0xC060] =	vst v17  }
0x38a: {  	s18 =	smov.u32 s1;
	s17 =	simm.s32 $0x4080;
	[tilespmem:$0xC070] =	vst v8  }
.LBB2_9:
0x38b: {  	_ =	sfence.sel $0x180000  }
0x38c: {  	[bflag:$0x0] =	sbarrier.arrive $0xFFFF  }
0x38d: {  	p0 =	sne.s32 s2, $0x0;
	_ =	strace $0x90000047  }
0x38e: {  	s0 =	sadd.s32 @!p0 $0x100000, s0;
	[bflag:$0x2] =	sbarrier.arrive $0xFFFF  }
0x38f: {  	[sflag:s0] =	ssyncadd.tile.s32 @!p0 $0x1;
	_ =	shalt  }
.Lfunc_end2:
_tile_overlayer_lowered:
.L_overlay_start_2:
0x390: {  	(tag) =	ssettag $0x2  }
0x391: {  	s0 =	rddreg [dreg:$0x0];
	s2 =	stileid.u32  }
0x392: {  	s1 =	rddreg [dreg:$0x1];
	p0 =	sne.s32 s2, $0x0  }
0x393: {  	s3 =	rddreg [dreg:$0x2];
	[bflag:$0x3] =	sbarrier.arrive $0xFFFF;
	s2 =	simm.s32 @!p0 $0x1C01  }
0x394: {  	[timem:s3], [sflag:s2] =	dma.local @!p0 [hbm:s0], s1  }
0x395: {  	s0 =	simm.s32 @!p0 $0x1  }
0x396: {  	_ =	swait.ge @!p0 [sflag:s0], s1  }
0x397: {  	s1 =	ssub.s32 @!p0 $0x0, s1;
	[sflag:s0] =	ssyncset.done @!p0 $0x0  }
0x398: {  	[sflag:s0] =	ssyncadd.s32 @!p0 s1  }
0x399: {  	[bflag:$0x3] =	sbarrier.arrive $0xFFFF  }
0x39a: {  	_ =	shalt  }

</sc_bundles>
